<compile_context>
chip_gen: v7x
topology: tpu7x:2x2x1
jax: 0.10.2.dev20260603
libtpu: 0.0.44.dev20260713+nightly
codegen_flags: <defaults>
</compile_context>

<pallas_src>
import functools

import jax
import jax.numpy as jnp
from jax import lax
from jax.experimental import pallas as pl
from jax.experimental.pallas import tpu as pltpu
from jax.experimental.pallas import tpu_sc as plsc

_H_OUT = 256
_BLK = 4096
_CHUNK = 128
_NBUF = 3


def _kt_dot(a_t, w):
    return lax.dot_general(a_t, w, (((0,), (0,)), ((), ())),
                           preferred_element_type=jnp.float32)


def _tc_body(cft_ref, cvt_ref, w2_ref, ws_ref, wv_ref, b_ref, out_ref):
    y = _kt_dot(cvt_ref[...], w2_ref[...])
    va = y[:, 0:64]
    vb = y[:, 64:128]
    vc = y[:, 128:192]
    vn = jnp.sqrt(va * va + vb * vb + vc * vc + 1e-8)
    acc = _kt_dot(cft_ref[...], ws_ref[...])
    acc = acc + jnp.dot(vn, wv_ref[...], preferred_element_type=jnp.float32)
    acc = acc + b_ref[...]
    out_ref[...] = jnp.maximum(acc, 0.0)


def _tc_embed(cft, cvt9, w2, ws, wv, b, n):
    s_in = cft.shape[0]
    fv = cvt9.shape[0]
    h3 = w2.shape[1]
    h_vec = wv.shape[0]
    grid = n // _BLK
    return pl.pallas_call(
        _tc_body,
        grid=(grid,),
        in_specs=[
            pl.BlockSpec((s_in, _BLK), lambda i: (0, i)),
            pl.BlockSpec((fv, _BLK), lambda i: (0, i)),
            pl.BlockSpec((fv, h3), lambda i: (0, 0)),
            pl.BlockSpec((s_in, _H_OUT), lambda i: (0, 0)),
            pl.BlockSpec((h_vec, _H_OUT), lambda i: (0, 0)),
            pl.BlockSpec((1, _H_OUT), lambda i: (0, 0)),
        ],
        out_specs=pl.BlockSpec((_BLK, _H_OUT), lambda i: (i, 0)),
        out_shape=jax.ShapeDtypeStruct((n, _H_OUT), jnp.float32),
        compiler_params=pltpu.CompilerParams(
            fuse_transposed_lhs_in_matmul=True),
    )(cft, cvt9, w2, ws, wv, b)


def _sc_gather(tbl, idx, p_out):
    info = plsc.get_sparse_core_info()
    nc, ns = info.num_cores, info.num_subcores
    nw = nc * ns
    pp = idx.shape[0]
    ppw = pp // nw

    mesh = plsc.VectorSubcoreMesh(core_axis_name="c", subcore_axis_name="s")

    @functools.partial(
        pl.kernel,
        mesh=mesh,
        out_type=jax.ShapeDtypeStruct((p_out, _H_OUT), jnp.float32),
        scratch_types=[
            pltpu.VMEM((ppw,), jnp.int32),
            pltpu.VMEM((_NBUF, _CHUNK, _H_OUT), jnp.float32),
        ] + [pltpu.SemaphoreType.DMA] * (_NBUF + 1),
    )
    def gather_kernel(tbl_hbm, idx_hbm, out_hbm, idx_v, rows_v, *sems):
        wid = lax.axis_index("s") * nc + lax.axis_index("c")
        base = wid * ppw
        pltpu.sync_copy(idx_hbm.at[pl.ds(base, ppw)], idx_v)
        nch = ppw // _CHUNK
        gsems = sems[:_NBUF]
        osem = sems[_NBUF]

        rem = p_out % _CHUNK

        def live(j):
            return base + j * _CHUNK < p_out

        def start_gather(j):
            b = j % _NBUF

            @pl.when(live(j))
            def _():
                pltpu.async_copy(
                    tbl_hbm.at[idx_v.at[pl.ds(j * _CHUNK, _CHUNK)]],
                    rows_v.at[b],
                    gsems[b],
                )

        def wait_gather(j):
            b = j % _NBUF

            @pl.when(live(j))
            def _():
                pltpu.make_async_copy(
                    tbl_hbm.at[idx_v.at[pl.ds(j * _CHUNK, _CHUNK)]],
                    rows_v.at[b],
                    gsems[b],
                ).wait()

        def drain(j):
            b = j % _NBUF
            start = base + j * _CHUNK

            @pl.when(start + _CHUNK <= p_out)
            def _():
                pltpu.async_copy(
                    rows_v.at[b],
                    out_hbm.at[pl.ds(start, _CHUNK)],
                    osem,
                ).wait()

            if rem:
                @pl.when(start == p_out - rem)
                def _():
                    pltpu.async_copy(
                        rows_v.at[b].at[pl.ds(0, rem)],
                        out_hbm.at[pl.ds(start, rem)],
                        osem,
                    ).wait()

        for j in range(min(_NBUF, nch)):
            start_gather(j)
        for j in range(nch):
            wait_gather(j)
            drain(j)
            if j + _NBUF < nch:
                start_gather(j + _NBUF)

    return gather_kernel(tbl, idx)


def kernel(compose_feature, compose_vec, idx_protein, Wh, Ws_w, Ws_b):
    n, s_in = compose_feature.shape
    p = idx_protein.shape[0]
    v_in = compose_vec.shape[1]
    h_vec = Wh.shape[1]

    npad = -(-n // _BLK) * _BLK
    cft = jnp.pad(compose_feature.T, ((0, 0), (0, npad - n)))
    cvt9 = jnp.pad(
        compose_vec.transpose(1, 2, 0).reshape(3 * v_in, n),
        ((0, 0), (0, npad - n)))

    w2 = (jnp.eye(3, dtype=jnp.float32)[None, :, :, None]
          * Wh[:, None, None, :]).reshape(3 * v_in, 3 * h_vec)
    ws = Ws_w[:s_in]
    wv = Ws_w[s_in:]
    b = Ws_b.reshape(1, _H_OUT)

    h_full = _tc_embed(cft, cvt9, w2, ws, wv, b, npad)

    align = _CHUNK * 32
    pp = -(-p // align) * align
    idx_pad = jnp.concatenate(
        [idx_protein, jnp.arange(pp - p, dtype=jnp.int32)])

    return _sc_gather(h_full, idx_pad, p)

# --- scband reference (transcript-rebuilt; emitter-appended) ---
"""Pipeline reference for scband-res-gen-51625506898664 (READ-ONLY COPY).

The authoritative reference and input builder live on the scoring server;
editing this copy changes nothing except your own understanding.
"""

import jax, jax.numpy as jnp
import numpy as np

N = 50000
P = 40000
S_IN = 27
V_IN = 3
H_SCA = 256
H_VEC = 64
H_DIM = max(V_IN, H_VEC)


def setup_inputs(seed: int = 0) -> dict:
    key = jax.random.key(seed)
    ks = jax.random.split(key, 6)
    compose_feature = jax.random.normal(ks[0], (N, S_IN), dtype=jnp.float32)
    compose_vec = jax.random.normal(ks[1], (N, V_IN, 3), dtype=jnp.float32)
    idx_protein = jax.random.randint(ks[2], (P,), 0, N, dtype=jnp.int32)
    Wh = jax.random.normal(ks[3], (V_IN, H_DIM), dtype=jnp.float32) / np.sqrt(V_IN)
    Ws_w = jax.random.normal(ks[4], (S_IN + H_DIM, H_SCA), dtype=jnp.float32) / np.sqrt(S_IN + H_DIM)
    Ws_b = jnp.zeros((H_SCA,), dtype=jnp.float32)
    return {
        "compose_feature": compose_feature,
        "compose_vec": compose_vec,
        "idx_protein": idx_protein,
        "Wh": Wh,
        "Ws_w": Ws_w,
        "Ws_b": Ws_b,
    }


def reference(compose_feature, compose_vec, idx_protein, Wh, Ws_w, Ws_b):
    # ResGen.get_loss: gather protein nodes, run GVP protein_res_emb, return scalar channel.
    s = jnp.take(compose_feature, idx_protein, axis=0)            # [P, 27]
    V = jnp.take(compose_vec, idx_protein, axis=0)                # [P, 3, 3]
    # GVP: lift vectors to hidden vector channels, take norms, mix with scalars.
    Vh = jnp.einsum("nvi,vh->nhi", V, Wh)                         # [P, H_DIM, 3]
    vn = jnp.sqrt(jnp.sum(Vh * Vh, axis=-1) + 1e-8)               # [P, H_DIM]
    s_cat = jnp.concatenate([s, vn], axis=-1)                     # [P, 27 + H_DIM]
    h_protein_sca = jax.nn.relu(s_cat @ Ws_w + Ws_b)              # [P, 256]
    return h_protein_sca

if __name__ == "__main__":
    import jax
    _d = setup_inputs()
    print(jax.jit(kernel)(*tuple(_d.values())))

</pallas_src>

<mosaic_0001>
#map = affine_map<(d0, d1) -> (0, 0)>
#map1 = affine_map<(d0, d1) -> (0)>
module attributes {stable_mosaic.version = 14 : i64} {
  func.func @gather_kernel(%arg0: i32, %arg1: i32, %arg2: memref<53248x256xf32, #tpu.memory_space<hbm>>, %arg3: memref<40960xi32, #tpu.memory_space<hbm>>, %arg4: memref<40000x256xf32, #tpu.memory_space<hbm>>, %arg5: memref<1280xi32, #tpu.memory_space<vmem>>, %arg6: memref<3x128x256xf32, #tpu.memory_space<vmem>>, %arg7: memref<!tpu.dma_semaphore, #tpu.memory_space<semaphore_mem>>, %arg8: memref<!tpu.dma_semaphore, #tpu.memory_space<semaphore_mem>>, %arg9: memref<!tpu.dma_semaphore, #tpu.memory_space<semaphore_mem>>, %arg10: memref<!tpu.dma_semaphore, #tpu.memory_space<semaphore_mem>>) attributes {dimension_semantics = [#tpu.dimension_semantics<core_parallel>, #tpu.dimension_semantics<subcore_parallel>], iteration_bounds = array<i64: 2, 16>, scalar_prefetch = 0 : i64, scratch_operands = 6 : i64, tpu.core_type = #tpu.core_type<sc_vector_subcore>, window_params = [{transform_indices = #map}, {transform_indices = #map1}, {transform_indices = #map}]} {
    %mul3A = arith.constant 2 : i32
    %mul3A_0 = arith.muli %arg1, %mul3A : i32
    %add3A = arith.addi %mul3A_0, %arg0 : i32
    %mul3A_1 = arith.constant 1280 : i32
    %mul3A_2 = arith.muli %add3A, %mul3A_1 : i32
    "tpu.region"() ({
      %run_scoped3A = tpu.sem_alloc : memref<!tpu.dma_semaphore, #tpu.memory_space<semaphore_mem>>
      %dma_start3A = tpu.memref_slice %arg3[%mul3A_2] : memref<40960xi32, #tpu.memory_space<hbm>> -> memref<1280xi32, #tpu.memory_space<hbm>>
      %dma_start3A_278 = tpu.memref_slice %arg3[%mul3A_2] : memref<40960xi32, #tpu.memory_space<hbm>> -> memref<1280xi32, #tpu.memory_space<hbm>>
      tpu.enqueue_dma source(%dma_start3A_278 : memref<1280xi32, #tpu.memory_space<hbm>>) target(%arg5 : memref<1280xi32, #tpu.memory_space<vmem>>) target_semaphore(%run_scoped3A : memref<!tpu.dma_semaphore, #tpu.memory_space<semaphore_mem>>)
      %dma_wait3A = tpu.memref_slice %arg3[%mul3A_2] : memref<40960xi32, #tpu.memory_space<hbm>> -> memref<1280xi32, #tpu.memory_space<hbm>>
      %dma_wait3A_279 = tpu.memref_slice %arg3[%mul3A_2] : memref<40960xi32, #tpu.memory_space<hbm>> -> memref<1280xi32, #tpu.memory_space<hbm>>
      tpu.wait_dma2 semaphore(%run_scoped3A : memref<!tpu.dma_semaphore, #tpu.memory_space<semaphore_mem>>) src(%dma_wait3A_279 : memref<1280xi32, #tpu.memory_space<hbm>>) dst(%arg5 : memref<1280xi32, #tpu.memory_space<vmem>>)
      tpu.yield
    }) : () -> ()
    %add3A_3 = arith.constant 0 : i32
    %add3A_4 = arith.addi %mul3A_2, %add3A_3 : i32
    %lt3A = arith.constant 40000 : i32
    %lt3A_5 = arith.cmpi slt, %add3A_4, %lt3A : i32
    %convert_element_type3A = arith.extui %lt3A_5 : i1 to i32
    %cond3A = arith.constant 0 : i32
    %cond3A_6 = arith.cmpi ne, %convert_element_type3A, %cond3A : i32
    scf.if %cond3A_6 {
      %dma_start3A = arith.constant 0 : i32
      %dma_start3A_278 = arith.constant 0 : i32
      %dma_start3A_279 = arith.constant 0 : i32
      %dma_start3A_280 = tpu.memref_slice %arg6[%dma_start3A, %dma_start3A_278, %dma_start3A_279] : memref<3x128x256xf32, #tpu.memory_space<vmem>> -> memref<1x128x256xf32, #tpu.memory_space<vmem>>
      %dma_start3A_281 = tpu.memref_squeeze %dma_start3A_280 : memref<1x128x256xf32, #tpu.memory_space<vmem>> -> memref<128x256xf32, #tpu.memory_space<vmem>>
      %dma_start3A_282 = arith.constant 0 : i32
      %dma_start3A_283 = tpu.memref_slice %arg5[%dma_start3A_282] : memref<1280xi32, #tpu.memory_space<vmem>> -> memref<128xi32, #tpu.memory_space<vmem>>
      %dma_start3A_284 = arith.constant 0 : i32
      %dma_start3A_285 = arith.constant 0 : i32
      %dma_start3A_286 = tpu.memref_slice %arg2[%dma_start3A_284, %dma_start3A_285] : memref<53248x256xf32, #tpu.memory_space<hbm>> -> memref<53248x256xf32, #tpu.memory_space<hbm>>
      tpu.enqueue_indirect_dma source(%dma_start3A_286 : memref<53248x256xf32, #tpu.memory_space<hbm>>) target(%dma_start3A_281 : memref<128x256xf32, #tpu.memory_space<vmem>>) offsets(%dma_start3A_283 : memref<128xi32, #tpu.memory_space<vmem>>) semaphore(%arg7 : memref<!tpu.dma_semaphore, #tpu.memory_space<semaphore_mem>>)
    } else {
    }
    %add3A_7 = arith.constant 128 : i32
    %add3A_8 = arith.addi %mul3A_2, %add3A_7 : i32
    %lt3A_9 = arith.constant 40000 : i32
    %lt3A_10 = arith.cmpi slt, %add3A_8, %lt3A_9 : i32
    %convert_element_type3A_11 = arith.extui %lt3A_10 : i1 to i32
    %cond3A_12 = arith.constant 0 : i32
    %cond3A_13 = arith.cmpi ne, %convert_element_type3A_11, %cond3A_12 : i32
    scf.if %cond3A_13 {
      %dma_start3A = arith.constant 1 : i32
      %dma_start3A_278 = arith.constant 0 : i32
      %dma_start3A_279 = arith.constant 0 : i32
      %dma_start3A_280 = tpu.memref_slice %arg6[%dma_start3A, %dma_start3A_278, %dma_start3A_279] : memref<3x128x256xf32, #tpu.memory_space<vmem>> -> memref<1x128x256xf32, #tpu.memory_space<vmem>>
      %dma_start3A_281 = tpu.memref_squeeze %dma_start3A_280 : memref<1x128x256xf32, #tpu.memory_space<vmem>> -> memref<128x256xf32, #tpu.memory_space<vmem>>
      %dma_start3A_282 = arith.constant 128 : i32
      %dma_start3A_283 = tpu.memref_slice %arg5[%dma_start3A_282] : memref<1280xi32, #tpu.memory_space<vmem>> -> memref<128xi32, #tpu.memory_space<vmem>>
      %dma_start3A_284 = arith.constant 0 : i32
      %dma_start3A_285 = arith.constant 0 : i32
      %dma_start3A_286 = tpu.memref_slice %arg2[%dma_start3A_284, %dma_start3A_285] : memref<53248x256xf32, #tpu.memory_space<hbm>> -> memref<53248x256xf32, #tpu.memory_space<hbm>>
      tpu.enqueue_indirect_dma source(%dma_start3A_286 : memref<53248x256xf32, #tpu.memory_space<hbm>>) target(%dma_start3A_281 : memref<128x256xf32, #tpu.memory_space<vmem>>) offsets(%dma_start3A_283 : memref<128xi32, #tpu.memory_space<vmem>>) semaphore(%arg8 : memref<!tpu.dma_semaphore, #tpu.memory_space<semaphore_mem>>)
    } else {
    }
    %add3A_14 = arith.constant 256 : i32
    %add3A_15 = arith.addi %mul3A_2, %add3A_14 : i32
    %lt3A_16 = arith.constant 40000 : i32
    %lt3A_17 = arith.cmpi slt, %add3A_15, %lt3A_16 : i32
    %convert_element_type3A_18 = arith.extui %lt3A_17 : i1 to i32
    %cond3A_19 = arith.constant 0 : i32
    %cond3A_20 = arith.cmpi ne, %convert_element_type3A_18, %cond3A_19 : i32
    scf.if %cond3A_20 {
      %dma_start3A = arith.constant 2 : i32
      %dma_start3A_278 = arith.constant 0 : i32
      %dma_start3A_279 = arith.constant 0 : i32
      %dma_start3A_280 = tpu.memref_slice %arg6[%dma_start3A, %dma_start3A_278, %dma_start3A_279] : memref<3x128x256xf32, #tpu.memory_space<vmem>> -> memref<1x128x256xf32, #tpu.memory_space<vmem>>
      %dma_start3A_281 = tpu.memref_squeeze %dma_start3A_280 : memref<1x128x256xf32, #tpu.memory_space<vmem>> -> memref<128x256xf32, #tpu.memory_space<vmem>>
      %dma_start3A_282 = arith.constant 256 : i32
      %dma_start3A_283 = tpu.memref_slice %arg5[%dma_start3A_282] : memref<1280xi32, #tpu.memory_space<vmem>> -> memref<128xi32, #tpu.memory_space<vmem>>
      %dma_start3A_284 = arith.constant 0 : i32
      %dma_start3A_285 = arith.constant 0 : i32
      %dma_start3A_286 = tpu.memref_slice %arg2[%dma_start3A_284, %dma_start3A_285] : memref<53248x256xf32, #tpu.memory_space<hbm>> -> memref<53248x256xf32, #tpu.memory_space<hbm>>
      tpu.enqueue_indirect_dma source(%dma_start3A_286 : memref<53248x256xf32, #tpu.memory_space<hbm>>) target(%dma_start3A_281 : memref<128x256xf32, #tpu.memory_space<vmem>>) offsets(%dma_start3A_283 : memref<128xi32, #tpu.memory_space<vmem>>) semaphore(%arg9 : memref<!tpu.dma_semaphore, #tpu.memory_space<semaphore_mem>>)
    } else {
    }
    %add3A_21 = arith.constant 0 : i32
    %add3A_22 = arith.addi %mul3A_2, %add3A_21 : i32
    %lt3A_23 = arith.constant 40000 : i32
    %lt3A_24 = arith.cmpi slt, %add3A_22, %lt3A_23 : i32
    %convert_element_type3A_25 = arith.extui %lt3A_24 : i1 to i32
    %cond3A_26 = arith.constant 0 : i32
    %cond3A_27 = arith.cmpi ne, %convert_element_type3A_25, %cond3A_26 : i32
    scf.if %cond3A_27 {
      %dma_wait3A = arith.constant 0 : i32
      %dma_wait3A_278 = arith.constant 0 : i32
      %dma_wait3A_279 = arith.constant 0 : i32
      %dma_wait3A_280 = tpu.memref_slice %arg6[%dma_wait3A, %dma_wait3A_278, %dma_wait3A_279] : memref<3x128x256xf32, #tpu.memory_space<vmem>> -> memref<1x128x256xf32, #tpu.memory_space<vmem>>
      %dma_wait3A_281 = tpu.memref_squeeze %dma_wait3A_280 : memref<1x128x256xf32, #tpu.memory_space<vmem>> -> memref<128x256xf32, #tpu.memory_space<vmem>>
      %dma_wait3A_282 = arith.constant 0 : i32
      %dma_wait3A_283 = tpu.memref_slice %arg5[%dma_wait3A_282] : memref<1280xi32, #tpu.memory_space<vmem>> -> memref<128xi32, #tpu.memory_space<vmem>>
      %dma_wait3A_284 = arith.constant 0 : i32
      %dma_wait3A_285 = arith.constant 0 : i32
      %dma_wait3A_286 = tpu.memref_slice %arg2[%dma_wait3A_284, %dma_wait3A_285] : memref<53248x256xf32, #tpu.memory_space<hbm>> -> memref<53248x256xf32, #tpu.memory_space<hbm>>
      tpu.wait_indirect_dma semaphore(%arg7 : memref<!tpu.dma_semaphore, #tpu.memory_space<semaphore_mem>>) src(%dma_wait3A_286 : memref<53248x256xf32, #tpu.memory_space<hbm>>) dst(%dma_wait3A_281 : memref<128x256xf32, #tpu.memory_space<vmem>>)
    } else {
    }
    %add3A_28 = arith.constant 0 : i32
    %add3A_29 = arith.addi %mul3A_2, %add3A_28 : i32
    %add3A_30 = arith.constant 128 : i32
    %add3A_31 = arith.addi %add3A_29, %add3A_30 : i32
    %le3A = arith.constant 40000 : i32
    %le3A_32 = arith.cmpi sle, %add3A_31, %le3A : i32
    %convert_element_type3A_33 = arith.extui %le3A_32 : i1 to i32
    %cond3A_34 = arith.constant 0 : i32
    %cond3A_35 = arith.cmpi ne, %convert_element_type3A_33, %cond3A_34 : i32
    scf.if %cond3A_35 {
      %dma_start3A = arith.constant 0 : i32
      %dma_start3A_278 = arith.constant 0 : i32
      %dma_start3A_279 = arith.constant 0 : i32
      %dma_start3A_280 = tpu.memref_slice %arg6[%dma_start3A, %dma_start3A_278, %dma_start3A_279] : memref<3x128x256xf32, #tpu.memory_space<vmem>> -> memref<1x128x256xf32, #tpu.memory_space<vmem>>
      %dma_start3A_281 = tpu.memref_squeeze %dma_start3A_280 : memref<1x128x256xf32, #tpu.memory_space<vmem>> -> memref<128x256xf32, #tpu.memory_space<vmem>>
      %dma_start3A_282 = arith.constant 0 : i32
      %dma_start3A_283 = tpu.memref_slice %arg4[%add3A_29, %dma_start3A_282] : memref<40000x256xf32, #tpu.memory_space<hbm>> -> memref<128x256xf32, #tpu.memory_space<hbm>>
      %dma_start3A_284 = arith.constant 0 : i32
      %dma_start3A_285 = tpu.memref_slice %arg4[%add3A_29, %dma_start3A_284] : memref<40000x256xf32, #tpu.memory_space<hbm>> -> memref<128x256xf32, #tpu.memory_space<hbm>>
      %dma_start3A_286 = arith.constant 0 : i32
      %dma_start3A_287 = arith.constant 0 : i32
      %dma_start3A_288 = tpu.memref_slice %arg6[%dma_start3A, %dma_start3A_286, %dma_start3A_287] : memref<3x128x256xf32, #tpu.memory_space<vmem>> -> memref<1x128x256xf32, #tpu.memory_space<vmem>>
      %dma_start3A_289 = tpu.memref_squeeze %dma_start3A_288 : memref<1x128x256xf32, #tpu.memory_space<vmem>> -> memref<128x256xf32, #tpu.memory_space<vmem>>
      tpu.enqueue_dma source(%dma_start3A_289 : memref<128x256xf32, #tpu.memory_space<vmem>>) target(%dma_start3A_285 : memref<128x256xf32, #tpu.memory_space<hbm>>) target_semaphore(%arg10 : memref<!tpu.dma_semaphore, #tpu.memory_space<semaphore_mem>>)
      %dma_wait3A = arith.constant 0 : i32
      %dma_wait3A_290 = arith.constant 0 : i32
      %dma_wait3A_291 = arith.constant 0 : i32
      %dma_wait3A_292 = tpu.memref_slice %arg6[%dma_wait3A, %dma_wait3A_290, %dma_wait3A_291] : memref<3x128x256xf32, #tpu.memory_space<vmem>> -> memref<1x128x256xf32, #tpu.memory_space<vmem>>
      %dma_wait3A_293 = tpu.memref_squeeze %dma_wait3A_292 : memref<1x128x256xf32, #tpu.memory_space<vmem>> -> memref<128x256xf32, #tpu.memory_space<vmem>>
      %dma_wait3A_294 = arith.constant 0 : i32
      %dma_wait3A_295 = tpu.memref_slice %arg4[%add3A_29, %dma_wait3A_294] : memref<40000x256xf32, #tpu.memory_space<hbm>> -> memref<128x256xf32, #tpu.memory_space<hbm>>
      %dma_wait3A_296 = arith.constant 0 : i32
      %dma_wait3A_297 = tpu.memref_slice %arg4[%add3A_29, %dma_wait3A_296] : memref<40000x256xf32, #tpu.memory_space<hbm>> -> memref<128x256xf32, #tpu.memory_space<hbm>>
      %dma_wait3A_298 = arith.constant 0 : i32
      %dma_wait3A_299 = arith.constant 0 : i32
      %dma_wait3A_300 = tpu.memref_slice %arg6[%dma_wait3A, %dma_wait3A_298, %dma_wait3A_299] : memref<3x128x256xf32, #tpu.memory_space<vmem>> -> memref<1x128x256xf32, #tpu.memory_space<vmem>>
      %dma_wait3A_301 = tpu.memref_squeeze %dma_wait3A_300 : memref<1x128x256xf32, #tpu.memory_space<vmem>> -> memref<128x256xf32, #tpu.memory_space<vmem>>
      tpu.wait_dma2 semaphore(%arg10 : memref<!tpu.dma_semaphore, #tpu.memory_space<semaphore_mem>>) src(%dma_wait3A_301 : memref<128x256xf32, #tpu.memory_space<vmem>>) dst(%dma_wait3A_297 : memref<128x256xf32, #tpu.memory_space<hbm>>)
    } else {
    }
    %eq3A = arith.constant 39936 : i32
    %eq3A_36 = arith.cmpi eq, %add3A_29, %eq3A : i32
    %convert_element_type3A_37 = arith.extui %eq3A_36 : i1 to i32
    %cond3A_38 = arith.constant 0 : i32
    %cond3A_39 = arith.cmpi ne, %convert_element_type3A_37, %cond3A_38 : i32
    scf.if %cond3A_39 {
      %dma_start3A = arith.constant 0 : i32
      %dma_start3A_278 = arith.constant 0 : i32
      %dma_start3A_279 = arith.constant 0 : i32
      %dma_start3A_280 = tpu.memref_slice %arg6[%dma_start3A, %dma_start3A_278, %dma_start3A_279] : memref<3x128x256xf32, #tpu.memory_space<vmem>> -> memref<1x128x256xf32, #tpu.memory_space<vmem>>
      %dma_start3A_281 = tpu.memref_squeeze %dma_start3A_280 : memref<1x128x256xf32, #tpu.memory_space<vmem>> -> memref<128x256xf32, #tpu.memory_space<vmem>>
      %dma_start3A_282 = arith.constant 0 : i32
      %dma_start3A_283 = arith.constant 0 : i32
      %dma_start3A_284 = tpu.memref_slice %dma_start3A_281[%dma_start3A_282, %dma_start3A_283] : memref<128x256xf32, #tpu.memory_space<vmem>> -> memref<64x256xf32, #tpu.memory_space<vmem>>
      %dma_start3A_285 = arith.constant 0 : i32
      %dma_start3A_286 = tpu.memref_slice %arg4[%add3A_29, %dma_start3A_285] : memref<40000x256xf32, #tpu.memory_space<hbm>> -> memref<64x256xf32, #tpu.memory_space<hbm>>
      %dma_start3A_287 = arith.constant 0 : i32
      %dma_start3A_288 = tpu.memref_slice %arg4[%add3A_29, %dma_start3A_287] : memref<40000x256xf32, #tpu.memory_space<hbm>> -> memref<64x256xf32, #tpu.memory_space<hbm>>
      %dma_start3A_289 = arith.constant 0 : i32
      %dma_start3A_290 = arith.constant 0 : i32
      %dma_start3A_291 = tpu.memref_slice %arg6[%dma_start3A, %dma_start3A_289, %dma_start3A_290] : memref<3x128x256xf32, #tpu.memory_space<vmem>> -> memref<1x128x256xf32, #tpu.memory_space<vmem>>
      %dma_start3A_292 = tpu.memref_squeeze %dma_start3A_291 : memref<1x128x256xf32, #tpu.memory_space<vmem>> -> memref<128x256xf32, #tpu.memory_space<vmem>>
      %dma_start3A_293 = arith.constant 0 : i32
      %dma_start3A_294 = arith.constant 0 : i32
      %dma_start3A_295 = tpu.memref_slice %dma_start3A_292[%dma_start3A_293, %dma_start3A_294] : memref<128x256xf32, #tpu.memory_space<vmem>> -> memref<64x256xf32, #tpu.memory_space<vmem>>
      tpu.enqueue_dma source(%dma_start3A_295 : memref<64x256xf32, #tpu.memory_space<vmem>>) target(%dma_start3A_288 : memref<64x256xf32, #tpu.memory_space<hbm>>) target_semaphore(%arg10 : memref<!tpu.dma_semaphore, #tpu.memory_space<semaphore_mem>>)
      %dma_wait3A = arith.constant 0 : i32
      %dma_wait3A_296 = arith.constant 0 : i32
      %dma_wait3A_297 = arith.constant 0 : i32
      %dma_wait3A_298 = tpu.memref_slice %arg6[%dma_wait3A, %dma_wait3A_296, %dma_wait3A_297] : memref<3x128x256xf32, #tpu.memory_space<vmem>> -> memref<1x128x256xf32, #tpu.memory_space<vmem>>
      %dma_wait3A_299 = tpu.memref_squeeze %dma_wait3A_298 : memref<1x128x256xf32, #tpu.memory_space<vmem>> -> memref<128x256xf32, #tpu.memory_space<vmem>>
      %dma_wait3A_300 = arith.constant 0 : i32
      %dma_wait3A_301 = arith.constant 0 : i32
      %dma_wait3A_302 = tpu.memref_slice %dma_wait3A_299[%dma_wait3A_300, %dma_wait3A_301] : memref<128x256xf32, #tpu.memory_space<vmem>> -> memref<64x256xf32, #tpu.memory_space<vmem>>
      %dma_wait3A_303 = arith.constant 0 : i32
      %dma_wait3A_304 = tpu.memref_slice %arg4[%add3A_29, %dma_wait3A_303] : memref<40000x256xf32, #tpu.memory_space<hbm>> -> memref<64x256xf32, #tpu.memory_space<hbm>>
      %dma_wait3A_305 = arith.constant 0 : i32
      %dma_wait3A_306 = tpu.memref_slice %arg4[%add3A_29, %dma_wait3A_305] : memref<40000x256xf32, #tpu.memory_space<hbm>> -> memref<64x256xf32, #tpu.memory_space<hbm>>
      %dma_wait3A_307 = arith.constant 0 : i32
      %dma_wait3A_308 = arith.constant 0 : i32
      %dma_wait3A_309 = tpu.memref_slice %arg6[%dma_wait3A, %dma_wait3A_307, %dma_wait3A_308] : memref<3x128x256xf32, #tpu.memory_space<vmem>> -> memref<1x128x256xf32, #tpu.memory_space<vmem>>
      %dma_wait3A_310 = tpu.memref_squeeze %dma_wait3A_309 : memref<1x128x256xf32, #tpu.memory_space<vmem>> -> memref<128x256xf32, #tpu.memory_space<vmem>>
      %dma_wait3A_311 = arith.constant 0 : i32
      %dma_wait3A_312 = arith.constant 0 : i32
      %dma_wait3A_313 = tpu.memref_slice %dma_wait3A_310[%dma_wait3A_311, %dma_wait3A_312] : memref<128x256xf32, #tpu.memory_space<vmem>> -> memref<64x256xf32, #tpu.memory_space<vmem>>
      tpu.wait_dma2 semaphore(%arg10 : memref<!tpu.dma_semaphore, #tpu.memory_space<semaphore_mem>>) src(%dma_wait3A_313 : memref<64x256xf32, #tpu.memory_space<vmem>>) dst(%dma_wait3A_306 : memref<64x256xf32, #tpu.memory_space<hbm>>)
    } else {
    }
    %add3A_40 = arith.constant 384 : i32
    %add3A_41 = arith.addi %mul3A_2, %add3A_40 : i32
    %lt3A_42 = arith.constant 40000 : i32
    %lt3A_43 = arith.cmpi slt, %add3A_41, %lt3A_42 : i32
    %convert_element_type3A_44 = arith.extui %lt3A_43 : i1 to i32
    %cond3A_45 = arith.constant 0 : i32
    %cond3A_46 = arith.cmpi ne, %convert_element_type3A_44, %cond3A_45 : i32
    scf.if %cond3A_46 {
      %dma_start3A = arith.constant 0 : i32
      %dma_start3A_278 = arith.constant 0 : i32
      %dma_start3A_279 = arith.constant 0 : i32
      %dma_start3A_280 = tpu.memref_slice %arg6[%dma_start3A, %dma_start3A_278, %dma_start3A_279] : memref<3x128x256xf32, #tpu.memory_space<vmem>> -> memref<1x128x256xf32, #tpu.memory_space<vmem>>
      %dma_start3A_281 = tpu.memref_squeeze %dma_start3A_280 : memref<1x128x256xf32, #tpu.memory_space<vmem>> -> memref<128x256xf32, #tpu.memory_space<vmem>>
      %dma_start3A_282 = arith.constant 384 : i32
      %dma_start3A_283 = tpu.memref_slice %arg5[%dma_start3A_282] : memref<1280xi32, #tpu.memory_space<vmem>> -> memref<128xi32, #tpu.memory_space<vmem>>
      %dma_start3A_284 = arith.constant 0 : i32
      %dma_start3A_285 = arith.constant 0 : i32
      %dma_start3A_286 = tpu.memref_slice %arg2[%dma_start3A_284, %dma_start3A_285] : memref<53248x256xf32, #tpu.memory_space<hbm>> -> memref<53248x256xf32, #tpu.memory_space<hbm>>
      tpu.enqueue_indirect_dma source(%dma_start3A_286 : memref<53248x256xf32, #tpu.memory_space<hbm>>) target(%dma_start3A_281 : memref<128x256xf32, #tpu.memory_space<vmem>>) offsets(%dma_start3A_283 : memref<128xi32, #tpu.memory_space<vmem>>) semaphore(%arg7 : memref<!tpu.dma_semaphore, #tpu.memory_space<semaphore_mem>>)
    } else {
    }
    %add3A_47 = arith.constant 128 : i32
    %add3A_48 = arith.addi %mul3A_2, %add3A_47 : i32
    %lt3A_49 = arith.constant 40000 : i32
    %lt3A_50 = arith.cmpi slt, %add3A_48, %lt3A_49 : i32
    %convert_element_type3A_51 = arith.extui %lt3A_50 : i1 to i32
    %cond3A_52 = arith.constant 0 : i32
    %cond3A_53 = arith.cmpi ne, %convert_element_type3A_51, %cond3A_52 : i32
    scf.if %cond3A_53 {
      %dma_wait3A = arith.constant 1 : i32
      %dma_wait3A_278 = arith.constant 0 : i32
      %dma_wait3A_279 = arith.constant 0 : i32
      %dma_wait3A_280 = tpu.memref_slice %arg6[%dma_wait3A, %dma_wait3A_278, %dma_wait3A_279] : memref<3x128x256xf32, #tpu.memory_space<vmem>> -> memref<1x128x256xf32, #tpu.memory_space<vmem>>
      %dma_wait3A_281 = tpu.memref_squeeze %dma_wait3A_280 : memref<1x128x256xf32, #tpu.memory_space<vmem>> -> memref<128x256xf32, #tpu.memory_space<vmem>>
      %dma_wait3A_282 = arith.constant 128 : i32
      %dma_wait3A_283 = tpu.memref_slice %arg5[%dma_wait3A_282] : memref<1280xi32, #tpu.memory_space<vmem>> -> memref<128xi32, #tpu.memory_space<vmem>>
      %dma_wait3A_284 = arith.constant 0 : i32
      %dma_wait3A_285 = arith.constant 0 : i32
      %dma_wait3A_286 = tpu.memref_slice %arg2[%dma_wait3A_284, %dma_wait3A_285] : memref<53248x256xf32, #tpu.memory_space<hbm>> -> memref<53248x256xf32, #tpu.memory_space<hbm>>
      tpu.wait_indirect_dma semaphore(%arg8 : memref<!tpu.dma_semaphore, #tpu.memory_space<semaphore_mem>>) src(%dma_wait3A_286 : memref<53248x256xf32, #tpu.memory_space<hbm>>) dst(%dma_wait3A_281 : memref<128x256xf32, #tpu.memory_space<vmem>>)
    } else {
    }
    %add3A_54 = arith.constant 128 : i32
    %add3A_55 = arith.addi %mul3A_2, %add3A_54 : i32
    %add3A_56 = arith.constant 128 : i32
    %add3A_57 = arith.addi %add3A_55, %add3A_56 : i32
    %le3A_58 = arith.constant 40000 : i32
    %le3A_59 = arith.cmpi sle, %add3A_57, %le3A_58 : i32
    %convert_element_type3A_60 = arith.extui %le3A_59 : i1 to i32
    %cond3A_61 = arith.constant 0 : i32
    %cond3A_62 = arith.cmpi ne, %convert_element_type3A_60, %cond3A_61 : i32
    scf.if %cond3A_62 {
      %dma_start3A = arith.constant 1 : i32
      %dma_start3A_278 = arith.constant 0 : i32
      %dma_start3A_279 = arith.constant 0 : i32
      %dma_start3A_280 = tpu.memref_slice %arg6[%dma_start3A, %dma_start3A_278, %dma_start3A_279] : memref<3x128x256xf32, #tpu.memory_space<vmem>> -> memref<1x128x256xf32, #tpu.memory_space<vmem>>
      %dma_start3A_281 = tpu.memref_squeeze %dma_start3A_280 : memref<1x128x256xf32, #tpu.memory_space<vmem>> -> memref<128x256xf32, #tpu.memory_space<vmem>>
      %dma_start3A_282 = arith.constant 0 : i32
      %dma_start3A_283 = tpu.memref_slice %arg4[%add3A_55, %dma_start3A_282] : memref<40000x256xf32, #tpu.memory_space<hbm>> -> memref<128x256xf32, #tpu.memory_space<hbm>>
      %dma_start3A_284 = arith.constant 0 : i32
      %dma_start3A_285 = tpu.memref_slice %arg4[%add3A_55, %dma_start3A_284] : memref<40000x256xf32, #tpu.memory_space<hbm>> -> memref<128x256xf32, #tpu.memory_space<hbm>>
      %dma_start3A_286 = arith.constant 0 : i32
      %dma_start3A_287 = arith.constant 0 : i32
      %dma_start3A_288 = tpu.memref_slice %arg6[%dma_start3A, %dma_start3A_286, %dma_start3A_287] : memref<3x128x256xf32, #tpu.memory_space<vmem>> -> memref<1x128x256xf32, #tpu.memory_space<vmem>>
      %dma_start3A_289 = tpu.memref_squeeze %dma_start3A_288 : memref<1x128x256xf32, #tpu.memory_space<vmem>> -> memref<128x256xf32, #tpu.memory_space<vmem>>
      tpu.enqueue_dma source(%dma_start3A_289 : memref<128x256xf32, #tpu.memory_space<vmem>>) target(%dma_start3A_285 : memref<128x256xf32, #tpu.memory_space<hbm>>) target_semaphore(%arg10 : memref<!tpu.dma_semaphore, #tpu.memory_space<semaphore_mem>>)
      %dma_wait3A = arith.constant 1 : i32
      %dma_wait3A_290 = arith.constant 0 : i32
      %dma_wait3A_291 = arith.constant 0 : i32
      %dma_wait3A_292 = tpu.memref_slice %arg6[%dma_wait3A, %dma_wait3A_290, %dma_wait3A_291] : memref<3x128x256xf32, #tpu.memory_space<vmem>> -> memref<1x128x256xf32, #tpu.memory_space<vmem>>
      %dma_wait3A_293 = tpu.memref_squeeze %dma_wait3A_292 : memref<1x128x256xf32, #tpu.memory_space<vmem>> -> memref<128x256xf32, #tpu.memory_space<vmem>>
      %dma_wait3A_294 = arith.constant 0 : i32
      %dma_wait3A_295 = tpu.memref_slice %arg4[%add3A_55, %dma_wait3A_294] : memref<40000x256xf32, #tpu.memory_space<hbm>> -> memref<128x256xf32, #tpu.memory_space<hbm>>
      %dma_wait3A_296 = arith.constant 0 : i32
      %dma_wait3A_297 = tpu.memref_slice %arg4[%add3A_55, %dma_wait3A_296] : memref<40000x256xf32, #tpu.memory_space<hbm>> -> memref<128x256xf32, #tpu.memory_space<hbm>>
      %dma_wait3A_298 = arith.constant 0 : i32
      %dma_wait3A_299 = arith.constant 0 : i32
      %dma_wait3A_300 = tpu.memref_slice %arg6[%dma_wait3A, %dma_wait3A_298, %dma_wait3A_299] : memref<3x128x256xf32, #tpu.memory_space<vmem>> -> memref<1x128x256xf32, #tpu.memory_space<vmem>>
      %dma_wait3A_301 = tpu.memref_squeeze %dma_wait3A_300 : memref<1x128x256xf32, #tpu.memory_space<vmem>> -> memref<128x256xf32, #tpu.memory_space<vmem>>
      tpu.wait_dma2 semaphore(%arg10 : memref<!tpu.dma_semaphore, #tpu.memory_space<semaphore_mem>>) src(%dma_wait3A_301 : memref<128x256xf32, #tpu.memory_space<vmem>>) dst(%dma_wait3A_297 : memref<128x256xf32, #tpu.memory_space<hbm>>)
    } else {
    }
    %eq3A_63 = arith.constant 39936 : i32
    %eq3A_64 = arith.cmpi eq, %add3A_55, %eq3A_63 : i32
    %convert_element_type3A_65 = arith.extui %eq3A_64 : i1 to i32
    %cond3A_66 = arith.constant 0 : i32
    %cond3A_67 = arith.cmpi ne, %convert_element_type3A_65, %cond3A_66 : i32
    scf.if %cond3A_67 {
      %dma_start3A = arith.constant 1 : i32
      %dma_start3A_278 = arith.constant 0 : i32
      %dma_start3A_279 = arith.constant 0 : i32
      %dma_start3A_280 = tpu.memref_slice %arg6[%dma_start3A, %dma_start3A_278, %dma_start3A_279] : memref<3x128x256xf32, #tpu.memory_space<vmem>> -> memref<1x128x256xf32, #tpu.memory_space<vmem>>
      %dma_start3A_281 = tpu.memref_squeeze %dma_start3A_280 : memref<1x128x256xf32, #tpu.memory_space<vmem>> -> memref<128x256xf32, #tpu.memory_space<vmem>>
      %dma_start3A_282 = arith.constant 0 : i32
      %dma_start3A_283 = arith.constant 0 : i32
      %dma_start3A_284 = tpu.memref_slice %dma_start3A_281[%dma_start3A_282, %dma_start3A_283] : memref<128x256xf32, #tpu.memory_space<vmem>> -> memref<64x256xf32, #tpu.memory_space<vmem>>
      %dma_start3A_285 = arith.constant 0 : i32
      %dma_start3A_286 = tpu.memref_slice %arg4[%add3A_55, %dma_start3A_285] : memref<40000x256xf32, #tpu.memory_space<hbm>> -> memref<64x256xf32, #tpu.memory_space<hbm>>
      %dma_start3A_287 = arith.constant 0 : i32
      %dma_start3A_288 = tpu.memref_slice %arg4[%add3A_55, %dma_start3A_287] : memref<40000x256xf32, #tpu.memory_space<hbm>> -> memref<64x256xf32, #tpu.memory_space<hbm>>
      %dma_start3A_289 = arith.constant 0 : i32
      %dma_start3A_290 = arith.constant 0 : i32
      %dma_start3A_291 = tpu.memref_slice %arg6[%dma_start3A, %dma_start3A_289, %dma_start3A_290] : memref<3x128x256xf32, #tpu.memory_space<vmem>> -> memref<1x128x256xf32, #tpu.memory_space<vmem>>
      %dma_start3A_292 = tpu.memref_squeeze %dma_start3A_291 : memref<1x128x256xf32, #tpu.memory_space<vmem>> -> memref<128x256xf32, #tpu.memory_space<vmem>>
      %dma_start3A_293 = arith.constant 0 : i32
      %dma_start3A_294 = arith.constant 0 : i32
      %dma_start3A_295 = tpu.memref_slice %dma_start3A_292[%dma_start3A_293, %dma_start3A_294] : memref<128x256xf32, #tpu.memory_space<vmem>> -> memref<64x256xf32, #tpu.memory_space<vmem>>
      tpu.enqueue_dma source(%dma_start3A_295 : memref<64x256xf32, #tpu.memory_space<vmem>>) target(%dma_start3A_288 : memref<64x256xf32, #tpu.memory_space<hbm>>) target_semaphore(%arg10 : memref<!tpu.dma_semaphore, #tpu.memory_space<semaphore_mem>>)
      %dma_wait3A = arith.constant 1 : i32
      %dma_wait3A_296 = arith.constant 0 : i32
      %dma_wait3A_297 = arith.constant 0 : i32
      %dma_wait3A_298 = tpu.memref_slice %arg6[%dma_wait3A, %dma_wait3A_296, %dma_wait3A_297] : memref<3x128x256xf32, #tpu.memory_space<vmem>> -> memref<1x128x256xf32, #tpu.memory_space<vmem>>
      %dma_wait3A_299 = tpu.memref_squeeze %dma_wait3A_298 : memref<1x128x256xf32, #tpu.memory_space<vmem>> -> memref<128x256xf32, #tpu.memory_space<vmem>>
      %dma_wait3A_300 = arith.constant 0 : i32
      %dma_wait3A_301 = arith.constant 0 : i32
      %dma_wait3A_302 = tpu.memref_slice %dma_wait3A_299[%dma_wait3A_300, %dma_wait3A_301] : memref<128x256xf32, #tpu.memory_space<vmem>> -> memref<64x256xf32, #tpu.memory_space<vmem>>
      %dma_wait3A_303 = arith.constant 0 : i32
      %dma_wait3A_304 = tpu.memref_slice %arg4[%add3A_55, %dma_wait3A_303] : memref<40000x256xf32, #tpu.memory_space<hbm>> -> memref<64x256xf32, #tpu.memory_space<hbm>>
      %dma_wait3A_305 = arith.constant 0 : i32
      %dma_wait3A_306 = tpu.memref_slice %arg4[%add3A_55, %dma_wait3A_305] : memref<40000x256xf32, #tpu.memory_space<hbm>> -> memref<64x256xf32, #tpu.memory_space<hbm>>
      %dma_wait3A_307 = arith.constant 0 : i32
      %dma_wait3A_308 = arith.constant 0 : i32
      %dma_wait3A_309 = tpu.memref_slice %arg6[%dma_wait3A, %dma_wait3A_307, %dma_wait3A_308] : memref<3x128x256xf32, #tpu.memory_space<vmem>> -> memref<1x128x256xf32, #tpu.memory_space<vmem>>
      %dma_wait3A_310 = tpu.memref_squeeze %dma_wait3A_309 : memref<1x128x256xf32, #tpu.memory_space<vmem>> -> memref<128x256xf32, #tpu.memory_space<vmem>>
      %dma_wait3A_311 = arith.constant 0 : i32
      %dma_wait3A_312 = arith.constant 0 : i32
      %dma_wait3A_313 = tpu.memref_slice %dma_wait3A_310[%dma_wait3A_311, %dma_wait3A_312] : memref<128x256xf32, #tpu.memory_space<vmem>> -> memref<64x256xf32, #tpu.memory_space<vmem>>
      tpu.wait_dma2 semaphore(%arg10 : memref<!tpu.dma_semaphore, #tpu.memory_space<semaphore_mem>>) src(%dma_wait3A_313 : memref<64x256xf32, #tpu.memory_space<vmem>>) dst(%dma_wait3A_306 : memref<64x256xf32, #tpu.memory_space<hbm>>)
    } else {
    }
    %add3A_68 = arith.constant 512 : i32
    %add3A_69 = arith.addi %mul3A_2, %add3A_68 : i32
    %lt3A_70 = arith.constant 40000 : i32
    %lt3A_71 = arith.cmpi slt, %add3A_69, %lt3A_70 : i32
    %convert_element_type3A_72 = arith.extui %lt3A_71 : i1 to i32
    %cond3A_73 = arith.constant 0 : i32
    %cond3A_74 = arith.cmpi ne, %convert_element_type3A_72, %cond3A_73 : i32
    scf.if %cond3A_74 {
      %dma_start3A = arith.constant 1 : i32
      %dma_start3A_278 = arith.constant 0 : i32
      %dma_start3A_279 = arith.constant 0 : i32
      %dma_start3A_280 = tpu.memref_slice %arg6[%dma_start3A, %dma_start3A_278, %dma_start3A_279] : memref<3x128x256xf32, #tpu.memory_space<vmem>> -> memref<1x128x256xf32, #tpu.memory_space<vmem>>
      %dma_start3A_281 = tpu.memref_squeeze %dma_start3A_280 : memref<1x128x256xf32, #tpu.memory_space<vmem>> -> memref<128x256xf32, #tpu.memory_space<vmem>>
      %dma_start3A_282 = arith.constant 512 : i32
      %dma_start3A_283 = tpu.memref_slice %arg5[%dma_start3A_282] : memref<1280xi32, #tpu.memory_space<vmem>> -> memref<128xi32, #tpu.memory_space<vmem>>
      %dma_start3A_284 = arith.constant 0 : i32
      %dma_start3A_285 = arith.constant 0 : i32
      %dma_start3A_286 = tpu.memref_slice %arg2[%dma_start3A_284, %dma_start3A_285] : memref<53248x256xf32, #tpu.memory_space<hbm>> -> memref<53248x256xf32, #tpu.memory_space<hbm>>
      tpu.enqueue_indirect_dma source(%dma_start3A_286 : memref<53248x256xf32, #tpu.memory_space<hbm>>) target(%dma_start3A_281 : memref<128x256xf32, #tpu.memory_space<vmem>>) offsets(%dma_start3A_283 : memref<128xi32, #tpu.memory_space<vmem>>) semaphore(%arg8 : memref<!tpu.dma_semaphore, #tpu.memory_space<semaphore_mem>>)
    } else {
    }
    %add3A_75 = arith.constant 256 : i32
    %add3A_76 = arith.addi %mul3A_2, %add3A_75 : i32
    %lt3A_77 = arith.constant 40000 : i32
    %lt3A_78 = arith.cmpi slt, %add3A_76, %lt3A_77 : i32
    %convert_element_type3A_79 = arith.extui %lt3A_78 : i1 to i32
    %cond3A_80 = arith.constant 0 : i32
    %cond3A_81 = arith.cmpi ne, %convert_element_type3A_79, %cond3A_80 : i32
    scf.if %cond3A_81 {
      %dma_wait3A = arith.constant 2 : i32
      %dma_wait3A_278 = arith.constant 0 : i32
      %dma_wait3A_279 = arith.constant 0 : i32
      %dma_wait3A_280 = tpu.memref_slice %arg6[%dma_wait3A, %dma_wait3A_278, %dma_wait3A_279] : memref<3x128x256xf32, #tpu.memory_space<vmem>> -> memref<1x128x256xf32, #tpu.memory_space<vmem>>
      %dma_wait3A_281 = tpu.memref_squeeze %dma_wait3A_280 : memref<1x128x256xf32, #tpu.memory_space<vmem>> -> memref<128x256xf32, #tpu.memory_space<vmem>>
      %dma_wait3A_282 = arith.constant 256 : i32
      %dma_wait3A_283 = tpu.memref_slice %arg5[%dma_wait3A_282] : memref<1280xi32, #tpu.memory_space<vmem>> -> memref<128xi32, #tpu.memory_space<vmem>>
      %dma_wait3A_284 = arith.constant 0 : i32
      %dma_wait3A_285 = arith.constant 0 : i32
      %dma_wait3A_286 = tpu.memref_slice %arg2[%dma_wait3A_284, %dma_wait3A_285] : memref<53248x256xf32, #tpu.memory_space<hbm>> -> memref<53248x256xf32, #tpu.memory_space<hbm>>
      tpu.wait_indirect_dma semaphore(%arg9 : memref<!tpu.dma_semaphore, #tpu.memory_space<semaphore_mem>>) src(%dma_wait3A_286 : memref<53248x256xf32, #tpu.memory_space<hbm>>) dst(%dma_wait3A_281 : memref<128x256xf32, #tpu.memory_space<vmem>>)
    } else {
    }
    %add3A_82 = arith.constant 256 : i32
    %add3A_83 = arith.addi %mul3A_2, %add3A_82 : i32
    %add3A_84 = arith.constant 128 : i32
    %add3A_85 = arith.addi %add3A_83, %add3A_84 : i32
    %le3A_86 = arith.constant 40000 : i32
    %le3A_87 = arith.cmpi sle, %add3A_85, %le3A_86 : i32
    %convert_element_type3A_88 = arith.extui %le3A_87 : i1 to i32
    %cond3A_89 = arith.constant 0 : i32
    %cond3A_90 = arith.cmpi ne, %convert_element_type3A_88, %cond3A_89 : i32
    scf.if %cond3A_90 {
      %dma_start3A = arith.constant 2 : i32
      %dma_start3A_278 = arith.constant 0 : i32
      %dma_start3A_279 = arith.constant 0 : i32
      %dma_start3A_280 = tpu.memref_slice %arg6[%dma_start3A, %dma_start3A_278, %dma_start3A_279] : memref<3x128x256xf32, #tpu.memory_space<vmem>> -> memref<1x128x256xf32, #tpu.memory_space<vmem>>
      %dma_start3A_281 = tpu.memref_squeeze %dma_start3A_280 : memref<1x128x256xf32, #tpu.memory_space<vmem>> -> memref<128x256xf32, #tpu.memory_space<vmem>>
      %dma_start3A_282 = arith.constant 0 : i32
      %dma_start3A_283 = tpu.memref_slice %arg4[%add3A_83, %dma_start3A_282] : memref<40000x256xf32, #tpu.memory_space<hbm>> -> memref<128x256xf32, #tpu.memory_space<hbm>>
      %dma_start3A_284 = arith.constant 0 : i32
      %dma_start3A_285 = tpu.memref_slice %arg4[%add3A_83, %dma_start3A_284] : memref<40000x256xf32, #tpu.memory_space<hbm>> -> memref<128x256xf32, #tpu.memory_space<hbm>>
      %dma_start3A_286 = arith.constant 0 : i32
      %dma_start3A_287 = arith.constant 0 : i32
      %dma_start3A_288 = tpu.memref_slice %arg6[%dma_start3A, %dma_start3A_286, %dma_start3A_287] : memref<3x128x256xf32, #tpu.memory_space<vmem>> -> memref<1x128x256xf32, #tpu.memory_space<vmem>>
      %dma_start3A_289 = tpu.memref_squeeze %dma_start3A_288 : memref<1x128x256xf32, #tpu.memory_space<vmem>> -> memref<128x256xf32, #tpu.memory_space<vmem>>
      tpu.enqueue_dma source(%dma_start3A_289 : memref<128x256xf32, #tpu.memory_space<vmem>>) target(%dma_start3A_285 : memref<128x256xf32, #tpu.memory_space<hbm>>) target_semaphore(%arg10 : memref<!tpu.dma_semaphore, #tpu.memory_space<semaphore_mem>>)
      %dma_wait3A = arith.constant 2 : i32
      %dma_wait3A_290 = arith.constant 0 : i32
      %dma_wait3A_291 = arith.constant 0 : i32
      %dma_wait3A_292 = tpu.memref_slice %arg6[%dma_wait3A, %dma_wait3A_290, %dma_wait3A_291] : memref<3x128x256xf32, #tpu.memory_space<vmem>> -> memref<1x128x256xf32, #tpu.memory_space<vmem>>
      %dma_wait3A_293 = tpu.memref_squeeze %dma_wait3A_292 : memref<1x128x256xf32, #tpu.memory_space<vmem>> -> memref<128x256xf32, #tpu.memory_space<vmem>>
      %dma_wait3A_294 = arith.constant 0 : i32
      %dma_wait3A_295 = tpu.memref_slice %arg4[%add3A_83, %dma_wait3A_294] : memref<40000x256xf32, #tpu.memory_space<hbm>> -> memref<128x256xf32, #tpu.memory_space<hbm>>
      %dma_wait3A_296 = arith.constant 0 : i32
      %dma_wait3A_297 = tpu.memref_slice %arg4[%add3A_83, %dma_wait3A_296] : memref<40000x256xf32, #tpu.memory_space<hbm>> -> memref<128x256xf32, #tpu.memory_space<hbm>>
      %dma_wait3A_298 = arith.constant 0 : i32
      %dma_wait3A_299 = arith.constant 0 : i32
      %dma_wait3A_300 = tpu.memref_slice %arg6[%dma_wait3A, %dma_wait3A_298, %dma_wait3A_299] : memref<3x128x256xf32, #tpu.memory_space<vmem>> -> memref<1x128x256xf32, #tpu.memory_space<vmem>>
      %dma_wait3A_301 = tpu.memref_squeeze %dma_wait3A_300 : memref<1x128x256xf32, #tpu.memory_space<vmem>> -> memref<128x256xf32, #tpu.memory_space<vmem>>
      tpu.wait_dma2 semaphore(%arg10 : memref<!tpu.dma_semaphore, #tpu.memory_space<semaphore_mem>>) src(%dma_wait3A_301 : memref<128x256xf32, #tpu.memory_space<vmem>>) dst(%dma_wait3A_297 : memref<128x256xf32, #tpu.memory_space<hbm>>)
    } else {
    }
    %eq3A_91 = arith.constant 39936 : i32
    %eq3A_92 = arith.cmpi eq, %add3A_83, %eq3A_91 : i32
    %convert_element_type3A_93 = arith.extui %eq3A_92 : i1 to i32
    %cond3A_94 = arith.constant 0 : i32
    %cond3A_95 = arith.cmpi ne, %convert_element_type3A_93, %cond3A_94 : i32
    scf.if %cond3A_95 {
      %dma_start3A = arith.constant 2 : i32
      %dma_start3A_278 = arith.constant 0 : i32
      %dma_start3A_279 = arith.constant 0 : i32
      %dma_start3A_280 = tpu.memref_slice %arg6[%dma_start3A, %dma_start3A_278, %dma_start3A_279] : memref<3x128x256xf32, #tpu.memory_space<vmem>> -> memref<1x128x256xf32, #tpu.memory_space<vmem>>
      %dma_start3A_281 = tpu.memref_squeeze %dma_start3A_280 : memref<1x128x256xf32, #tpu.memory_space<vmem>> -> memref<128x256xf32, #tpu.memory_space<vmem>>
      %dma_start3A_282 = arith.constant 0 : i32
      %dma_start3A_283 = arith.constant 0 : i32
      %dma_start3A_284 = tpu.memref_slice %dma_start3A_281[%dma_start3A_282, %dma_start3A_283] : memref<128x256xf32, #tpu.memory_space<vmem>> -> memref<64x256xf32, #tpu.memory_space<vmem>>
      %dma_start3A_285 = arith.constant 0 : i32
      %dma_start3A_286 = tpu.memref_slice %arg4[%add3A_83, %dma_start3A_285] : memref<40000x256xf32, #tpu.memory_space<hbm>> -> memref<64x256xf32, #tpu.memory_space<hbm>>
      %dma_start3A_287 = arith.constant 0 : i32
      %dma_start3A_288 = tpu.memref_slice %arg4[%add3A_83, %dma_start3A_287] : memref<40000x256xf32, #tpu.memory_space<hbm>> -> memref<64x256xf32, #tpu.memory_space<hbm>>
      %dma_start3A_289 = arith.constant 0 : i32
      %dma_start3A_290 = arith.constant 0 : i32
      %dma_start3A_291 = tpu.memref_slice %arg6[%dma_start3A, %dma_start3A_289, %dma_start3A_290] : memref<3x128x256xf32, #tpu.memory_space<vmem>> -> memref<1x128x256xf32, #tpu.memory_space<vmem>>
      %dma_start3A_292 = tpu.memref_squeeze %dma_start3A_291 : memref<1x128x256xf32, #tpu.memory_space<vmem>> -> memref<128x256xf32, #tpu.memory_space<vmem>>
      %dma_start3A_293 = arith.constant 0 : i32
      %dma_start3A_294 = arith.constant 0 : i32
      %dma_start3A_295 = tpu.memref_slice %dma_start3A_292[%dma_start3A_293, %dma_start3A_294] : memref<128x256xf32, #tpu.memory_space<vmem>> -> memref<64x256xf32, #tpu.memory_space<vmem>>
      tpu.enqueue_dma source(%dma_start3A_295 : memref<64x256xf32, #tpu.memory_space<vmem>>) target(%dma_start3A_288 : memref<64x256xf32, #tpu.memory_space<hbm>>) target_semaphore(%arg10 : memref<!tpu.dma_semaphore, #tpu.memory_space<semaphore_mem>>)
      %dma_wait3A = arith.constant 2 : i32
      %dma_wait3A_296 = arith.constant 0 : i32
      %dma_wait3A_297 = arith.constant 0 : i32
      %dma_wait3A_298 = tpu.memref_slice %arg6[%dma_wait3A, %dma_wait3A_296, %dma_wait3A_297] : memref<3x128x256xf32, #tpu.memory_space<vmem>> -> memref<1x128x256xf32, #tpu.memory_space<vmem>>
      %dma_wait3A_299 = tpu.memref_squeeze %dma_wait3A_298 : memref<1x128x256xf32, #tpu.memory_space<vmem>> -> memref<128x256xf32, #tpu.memory_space<vmem>>
      %dma_wait3A_300 = arith.constant 0 : i32
      %dma_wait3A_301 = arith.constant 0 : i32
      %dma_wait3A_302 = tpu.memref_slice %dma_wait3A_299[%dma_wait3A_300, %dma_wait3A_301] : memref<128x256xf32, #tpu.memory_space<vmem>> -> memref<64x256xf32, #tpu.memory_space<vmem>>
      %dma_wait3A_303 = arith.constant 0 : i32
      %dma_wait3A_304 = tpu.memref_slice %arg4[%add3A_83, %dma_wait3A_303] : memref<40000x256xf32, #tpu.memory_space<hbm>> -> memref<64x256xf32, #tpu.memory_space<hbm>>
      %dma_wait3A_305 = arith.constant 0 : i32
      %dma_wait3A_306 = tpu.memref_slice %arg4[%add3A_83, %dma_wait3A_305] : memref<40000x256xf32, #tpu.memory_space<hbm>> -> memref<64x256xf32, #tpu.memory_space<hbm>>
      %dma_wait3A_307 = arith.constant 0 : i32
      %dma_wait3A_308 = arith.constant 0 : i32
      %dma_wait3A_309 = tpu.memref_slice %arg6[%dma_wait3A, %dma_wait3A_307, %dma_wait3A_308] : memref<3x128x256xf32, #tpu.memory_space<vmem>> -> memref<1x128x256xf32, #tpu.memory_space<vmem>>
      %dma_wait3A_310 = tpu.memref_squeeze %dma_wait3A_309 : memref<1x128x256xf32, #tpu.memory_space<vmem>> -> memref<128x256xf32, #tpu.memory_space<vmem>>
      %dma_wait3A_311 = arith.constant 0 : i32
      %dma_wait3A_312 = arith.constant 0 : i32
      %dma_wait3A_313 = tpu.memref_slice %dma_wait3A_310[%dma_wait3A_311, %dma_wait3A_312] : memref<128x256xf32, #tpu.memory_space<vmem>> -> memref<64x256xf32, #tpu.memory_space<vmem>>
      tpu.wait_dma2 semaphore(%arg10 : memref<!tpu.dma_semaphore, #tpu.memory_space<semaphore_mem>>) src(%dma_wait3A_313 : memref<64x256xf32, #tpu.memory_space<vmem>>) dst(%dma_wait3A_306 : memref<64x256xf32, #tpu.memory_space<hbm>>)
    } else {
    }
    %add3A_96 = arith.constant 640 : i32
    %add3A_97 = arith.addi %mul3A_2, %add3A_96 : i32
    %lt3A_98 = arith.constant 40000 : i32
    %lt3A_99 = arith.cmpi slt, %add3A_97, %lt3A_98 : i32
    %convert_element_type3A_100 = arith.extui %lt3A_99 : i1 to i32
    %cond3A_101 = arith.constant 0 : i32
    %cond3A_102 = arith.cmpi ne, %convert_element_type3A_100, %cond3A_101 : i32
    scf.if %cond3A_102 {
      %dma_start3A = arith.constant 2 : i32
      %dma_start3A_278 = arith.constant 0 : i32
      %dma_start3A_279 = arith.constant 0 : i32
      %dma_start3A_280 = tpu.memref_slice %arg6[%dma_start3A, %dma_start3A_278, %dma_start3A_279] : memref<3x128x256xf32, #tpu.memory_space<vmem>> -> memref<1x128x256xf32, #tpu.memory_space<vmem>>
      %dma_start3A_281 = tpu.memref_squeeze %dma_start3A_280 : memref<1x128x256xf32, #tpu.memory_space<vmem>> -> memref<128x256xf32, #tpu.memory_space<vmem>>
      %dma_start3A_282 = arith.constant 640 : i32
      %dma_start3A_283 = tpu.memref_slice %arg5[%dma_start3A_282] : memref<1280xi32, #tpu.memory_space<vmem>> -> memref<128xi32, #tpu.memory_space<vmem>>
      %dma_start3A_284 = arith.constant 0 : i32
      %dma_start3A_285 = arith.constant 0 : i32
      %dma_start3A_286 = tpu.memref_slice %arg2[%dma_start3A_284, %dma_start3A_285] : memref<53248x256xf32, #tpu.memory_space<hbm>> -> memref<53248x256xf32, #tpu.memory_space<hbm>>
      tpu.enqueue_indirect_dma source(%dma_start3A_286 : memref<53248x256xf32, #tpu.memory_space<hbm>>) target(%dma_start3A_281 : memref<128x256xf32, #tpu.memory_space<vmem>>) offsets(%dma_start3A_283 : memref<128xi32, #tpu.memory_space<vmem>>) semaphore(%arg9 : memref<!tpu.dma_semaphore, #tpu.memory_space<semaphore_mem>>)
    } else {
    }
    %add3A_103 = arith.constant 384 : i32
    %add3A_104 = arith.addi %mul3A_2, %add3A_103 : i32
    %lt3A_105 = arith.constant 40000 : i32
    %lt3A_106 = arith.cmpi slt, %add3A_104, %lt3A_105 : i32
    %convert_element_type3A_107 = arith.extui %lt3A_106 : i1 to i32
    %cond3A_108 = arith.constant 0 : i32
    %cond3A_109 = arith.cmpi ne, %convert_element_type3A_107, %cond3A_108 : i32
    scf.if %cond3A_109 {
      %dma_wait3A = arith.constant 0 : i32
      %dma_wait3A_278 = arith.constant 0 : i32
      %dma_wait3A_279 = arith.constant 0 : i32
      %dma_wait3A_280 = tpu.memref_slice %arg6[%dma_wait3A, %dma_wait3A_278, %dma_wait3A_279] : memref<3x128x256xf32, #tpu.memory_space<vmem>> -> memref<1x128x256xf32, #tpu.memory_space<vmem>>
      %dma_wait3A_281 = tpu.memref_squeeze %dma_wait3A_280 : memref<1x128x256xf32, #tpu.memory_space<vmem>> -> memref<128x256xf32, #tpu.memory_space<vmem>>
      %dma_wait3A_282 = arith.constant 384 : i32
      %dma_wait3A_283 = tpu.memref_slice %arg5[%dma_wait3A_282] : memref<1280xi32, #tpu.memory_space<vmem>> -> memref<128xi32, #tpu.memory_space<vmem>>
      %dma_wait3A_284 = arith.constant 0 : i32
      %dma_wait3A_285 = arith.constant 0 : i32
      %dma_wait3A_286 = tpu.memref_slice %arg2[%dma_wait3A_284, %dma_wait3A_285] : memref<53248x256xf32, #tpu.memory_space<hbm>> -> memref<53248x256xf32, #tpu.memory_space<hbm>>
      tpu.wait_indirect_dma semaphore(%arg7 : memref<!tpu.dma_semaphore, #tpu.memory_space<semaphore_mem>>) src(%dma_wait3A_286 : memref<53248x256xf32, #tpu.memory_space<hbm>>) dst(%dma_wait3A_281 : memref<128x256xf32, #tpu.memory_space<vmem>>)
    } else {
    }
    %add3A_110 = arith.constant 384 : i32
    %add3A_111 = arith.addi %mul3A_2, %add3A_110 : i32
    %add3A_112 = arith.constant 128 : i32
    %add3A_113 = arith.addi %add3A_111, %add3A_112 : i32
    %le3A_114 = arith.constant 40000 : i32
    %le3A_115 = arith.cmpi sle, %add3A_113, %le3A_114 : i32
    %convert_element_type3A_116 = arith.extui %le3A_115 : i1 to i32
    %cond3A_117 = arith.constant 0 : i32
    %cond3A_118 = arith.cmpi ne, %convert_element_type3A_116, %cond3A_117 : i32
    scf.if %cond3A_118 {
      %dma_start3A = arith.constant 0 : i32
      %dma_start3A_278 = arith.constant 0 : i32
      %dma_start3A_279 = arith.constant 0 : i32
      %dma_start3A_280 = tpu.memref_slice %arg6[%dma_start3A, %dma_start3A_278, %dma_start3A_279] : memref<3x128x256xf32, #tpu.memory_space<vmem>> -> memref<1x128x256xf32, #tpu.memory_space<vmem>>
      %dma_start3A_281 = tpu.memref_squeeze %dma_start3A_280 : memref<1x128x256xf32, #tpu.memory_space<vmem>> -> memref<128x256xf32, #tpu.memory_space<vmem>>
      %dma_start3A_282 = arith.constant 0 : i32
      %dma_start3A_283 = tpu.memref_slice %arg4[%add3A_111, %dma_start3A_282] : memref<40000x256xf32, #tpu.memory_space<hbm>> -> memref<128x256xf32, #tpu.memory_space<hbm>>
      %dma_start3A_284 = arith.constant 0 : i32
      %dma_start3A_285 = tpu.memref_slice %arg4[%add3A_111, %dma_start3A_284] : memref<40000x256xf32, #tpu.memory_space<hbm>> -> memref<128x256xf32, #tpu.memory_space<hbm>>
      %dma_start3A_286 = arith.constant 0 : i32
      %dma_start3A_287 = arith.constant 0 : i32
      %dma_start3A_288 = tpu.memref_slice %arg6[%dma_start3A, %dma_start3A_286, %dma_start3A_287] : memref<3x128x256xf32, #tpu.memory_space<vmem>> -> memref<1x128x256xf32, #tpu.memory_space<vmem>>
      %dma_start3A_289 = tpu.memref_squeeze %dma_start3A_288 : memref<1x128x256xf32, #tpu.memory_space<vmem>> -> memref<128x256xf32, #tpu.memory_space<vmem>>
      tpu.enqueue_dma source(%dma_start3A_289 : memref<128x256xf32, #tpu.memory_space<vmem>>) target(%dma_start3A_285 : memref<128x256xf32, #tpu.memory_space<hbm>>) target_semaphore(%arg10 : memref<!tpu.dma_semaphore, #tpu.memory_space<semaphore_mem>>)
      %dma_wait3A = arith.constant 0 : i32
      %dma_wait3A_290 = arith.constant 0 : i32
      %dma_wait3A_291 = arith.constant 0 : i32
      %dma_wait3A_292 = tpu.memref_slice %arg6[%dma_wait3A, %dma_wait3A_290, %dma_wait3A_291] : memref<3x128x256xf32, #tpu.memory_space<vmem>> -> memref<1x128x256xf32, #tpu.memory_space<vmem>>
      %dma_wait3A_293 = tpu.memref_squeeze %dma_wait3A_292 : memref<1x128x256xf32, #tpu.memory_space<vmem>> -> memref<128x256xf32, #tpu.memory_space<vmem>>
      %dma_wait3A_294 = arith.constant 0 : i32
      %dma_wait3A_295 = tpu.memref_slice %arg4[%add3A_111, %dma_wait3A_294] : memref<40000x256xf32, #tpu.memory_space<hbm>> -> memref<128x256xf32, #tpu.memory_space<hbm>>
      %dma_wait3A_296 = arith.constant 0 : i32
      %dma_wait3A_297 = tpu.memref_slice %arg4[%add3A_111, %dma_wait3A_296] : memref<40000x256xf32, #tpu.memory_space<hbm>> -> memref<128x256xf32, #tpu.memory_space<hbm>>
      %dma_wait3A_298 = arith.constant 0 : i32
      %dma_wait3A_299 = arith.constant 0 : i32
      %dma_wait3A_300 = tpu.memref_slice %arg6[%dma_wait3A, %dma_wait3A_298, %dma_wait3A_299] : memref<3x128x256xf32, #tpu.memory_space<vmem>> -> memref<1x128x256xf32, #tpu.memory_space<vmem>>
      %dma_wait3A_301 = tpu.memref_squeeze %dma_wait3A_300 : memref<1x128x256xf32, #tpu.memory_space<vmem>> -> memref<128x256xf32, #tpu.memory_space<vmem>>
      tpu.wait_dma2 semaphore(%arg10 : memref<!tpu.dma_semaphore, #tpu.memory_space<semaphore_mem>>) src(%dma_wait3A_301 : memref<128x256xf32, #tpu.memory_space<vmem>>) dst(%dma_wait3A_297 : memref<128x256xf32, #tpu.memory_space<hbm>>)
    } else {
    }
    %eq3A_119 = arith.constant 39936 : i32
    %eq3A_120 = arith.cmpi eq, %add3A_111, %eq3A_119 : i32
    %convert_element_type3A_121 = arith.extui %eq3A_120 : i1 to i32
    %cond3A_122 = arith.constant 0 : i32
    %cond3A_123 = arith.cmpi ne, %convert_element_type3A_121, %cond3A_122 : i32
    scf.if %cond3A_123 {
      %dma_start3A = arith.constant 0 : i32
      %dma_start3A_278 = arith.constant 0 : i32
      %dma_start3A_279 = arith.constant 0 : i32
      %dma_start3A_280 = tpu.memref_slice %arg6[%dma_start3A, %dma_start3A_278, %dma_start3A_279] : memref<3x128x256xf32, #tpu.memory_space<vmem>> -> memref<1x128x256xf32, #tpu.memory_space<vmem>>
      %dma_start3A_281 = tpu.memref_squeeze %dma_start3A_280 : memref<1x128x256xf32, #tpu.memory_space<vmem>> -> memref<128x256xf32, #tpu.memory_space<vmem>>
      %dma_start3A_282 = arith.constant 0 : i32
      %dma_start3A_283 = arith.constant 0 : i32
      %dma_start3A_284 = tpu.memref_slice %dma_start3A_281[%dma_start3A_282, %dma_start3A_283] : memref<128x256xf32, #tpu.memory_space<vmem>> -> memref<64x256xf32, #tpu.memory_space<vmem>>
      %dma_start3A_285 = arith.constant 0 : i32
      %dma_start3A_286 = tpu.memref_slice %arg4[%add3A_111, %dma_start3A_285] : memref<40000x256xf32, #tpu.memory_space<hbm>> -> memref<64x256xf32, #tpu.memory_space<hbm>>
      %dma_start3A_287 = arith.constant 0 : i32
      %dma_start3A_288 = tpu.memref_slice %arg4[%add3A_111, %dma_start3A_287] : memref<40000x256xf32, #tpu.memory_space<hbm>> -> memref<64x256xf32, #tpu.memory_space<hbm>>
      %dma_start3A_289 = arith.constant 0 : i32
      %dma_start3A_290 = arith.constant 0 : i32
      %dma_start3A_291 = tpu.memref_slice %arg6[%dma_start3A, %dma_start3A_289, %dma_start3A_290] : memref<3x128x256xf32, #tpu.memory_space<vmem>> -> memref<1x128x256xf32, #tpu.memory_space<vmem>>
      %dma_start3A_292 = tpu.memref_squeeze %dma_start3A_291 : memref<1x128x256xf32, #tpu.memory_space<vmem>> -> memref<128x256xf32, #tpu.memory_space<vmem>>
      %dma_start3A_293 = arith.constant 0 : i32
      %dma_start3A_294 = arith.constant 0 : i32
      %dma_start3A_295 = tpu.memref_slice %dma_start3A_292[%dma_start3A_293, %dma_start3A_294] : memref<128x256xf32, #tpu.memory_space<vmem>> -> memref<64x256xf32, #tpu.memory_space<vmem>>
      tpu.enqueue_dma source(%dma_start3A_295 : memref<64x256xf32, #tpu.memory_space<vmem>>) target(%dma_start3A_288 : memref<64x256xf32, #tpu.memory_space<hbm>>) target_semaphore(%arg10 : memref<!tpu.dma_semaphore, #tpu.memory_space<semaphore_mem>>)
      %dma_wait3A = arith.constant 0 : i32
      %dma_wait3A_296 = arith.constant 0 : i32
      %dma_wait3A_297 = arith.constant 0 : i32
      %dma_wait3A_298 = tpu.memref_slice %arg6[%dma_wait3A, %dma_wait3A_296, %dma_wait3A_297] : memref<3x128x256xf32, #tpu.memory_space<vmem>> -> memref<1x128x256xf32, #tpu.memory_space<vmem>>
      %dma_wait3A_299 = tpu.memref_squeeze %dma_wait3A_298 : memref<1x128x256xf32, #tpu.memory_space<vmem>> -> memref<128x256xf32, #tpu.memory_space<vmem>>
      %dma_wait3A_300 = arith.constant 0 : i32
      %dma_wait3A_301 = arith.constant 0 : i32
      %dma_wait3A_302 = tpu.memref_slice %dma_wait3A_299[%dma_wait3A_300, %dma_wait3A_301] : memref<128x256xf32, #tpu.memory_space<vmem>> -> memref<64x256xf32, #tpu.memory_space<vmem>>
      %dma_wait3A_303 = arith.constant 0 : i32
      %dma_wait3A_304 = tpu.memref_slice %arg4[%add3A_111, %dma_wait3A_303] : memref<40000x256xf32, #tpu.memory_space<hbm>> -> memref<64x256xf32, #tpu.memory_space<hbm>>
      %dma_wait3A_305 = arith.constant 0 : i32
      %dma_wait3A_306 = tpu.memref_slice %arg4[%add3A_111, %dma_wait3A_305] : memref<40000x256xf32, #tpu.memory_space<hbm>> -> memref<64x256xf32, #tpu.memory_space<hbm>>
      %dma_wait3A_307 = arith.constant 0 : i32
      %dma_wait3A_308 = arith.constant 0 : i32
      %dma_wait3A_309 = tpu.memref_slice %arg6[%dma_wait3A, %dma_wait3A_307, %dma_wait3A_308] : memref<3x128x256xf32, #tpu.memory_space<vmem>> -> memref<1x128x256xf32, #tpu.memory_space<vmem>>
      %dma_wait3A_310 = tpu.memref_squeeze %dma_wait3A_309 : memref<1x128x256xf32, #tpu.memory_space<vmem>> -> memref<128x256xf32, #tpu.memory_space<vmem>>
      %dma_wait3A_311 = arith.constant 0 : i32
      %dma_wait3A_312 = arith.constant 0 : i32
      %dma_wait3A_313 = tpu.memref_slice %dma_wait3A_310[%dma_wait3A_311, %dma_wait3A_312] : memref<128x256xf32, #tpu.memory_space<vmem>> -> memref<64x256xf32, #tpu.memory_space<vmem>>
      tpu.wait_dma2 semaphore(%arg10 : memref<!tpu.dma_semaphore, #tpu.memory_space<semaphore_mem>>) src(%dma_wait3A_313 : memref<64x256xf32, #tpu.memory_space<vmem>>) dst(%dma_wait3A_306 : memref<64x256xf32, #tpu.memory_space<hbm>>)
    } else {
    }
    %add3A_124 = arith.constant 768 : i32
    %add3A_125 = arith.addi %mul3A_2, %add3A_124 : i32
    %lt3A_126 = arith.constant 40000 : i32
    %lt3A_127 = arith.cmpi slt, %add3A_125, %lt3A_126 : i32
    %convert_element_type3A_128 = arith.extui %lt3A_127 : i1 to i32
    %cond3A_129 = arith.constant 0 : i32
    %cond3A_130 = arith.cmpi ne, %convert_element_type3A_128, %cond3A_129 : i32
    scf.if %cond3A_130 {
      %dma_start3A = arith.constant 0 : i32
      %dma_start3A_278 = arith.constant 0 : i32
      %dma_start3A_279 = arith.constant 0 : i32
      %dma_start3A_280 = tpu.memref_slice %arg6[%dma_start3A, %dma_start3A_278, %dma_start3A_279] : memref<3x128x256xf32, #tpu.memory_space<vmem>> -> memref<1x128x256xf32, #tpu.memory_space<vmem>>
      %dma_start3A_281 = tpu.memref_squeeze %dma_start3A_280 : memref<1x128x256xf32, #tpu.memory_space<vmem>> -> memref<128x256xf32, #tpu.memory_space<vmem>>
      %dma_start3A_282 = arith.constant 768 : i32
      %dma_start3A_283 = tpu.memref_slice %arg5[%dma_start3A_282] : memref<1280xi32, #tpu.memory_space<vmem>> -> memref<128xi32, #tpu.memory_space<vmem>>
      %dma_start3A_284 = arith.constant 0 : i32
      %dma_start3A_285 = arith.constant 0 : i32
      %dma_start3A_286 = tpu.memref_slice %arg2[%dma_start3A_284, %dma_start3A_285] : memref<53248x256xf32, #tpu.memory_space<hbm>> -> memref<53248x256xf32, #tpu.memory_space<hbm>>
      tpu.enqueue_indirect_dma source(%dma_start3A_286 : memref<53248x256xf32, #tpu.memory_space<hbm>>) target(%dma_start3A_281 : memref<128x256xf32, #tpu.memory_space<vmem>>) offsets(%dma_start3A_283 : memref<128xi32, #tpu.memory_space<vmem>>) semaphore(%arg7 : memref<!tpu.dma_semaphore, #tpu.memory_space<semaphore_mem>>)
    } else {
    }
    %add3A_131 = arith.constant 512 : i32
    %add3A_132 = arith.addi %mul3A_2, %add3A_131 : i32
    %lt3A_133 = arith.constant 40000 : i32
    %lt3A_134 = arith.cmpi slt, %add3A_132, %lt3A_133 : i32
    %convert_element_type3A_135 = arith.extui %lt3A_134 : i1 to i32
    %cond3A_136 = arith.constant 0 : i32
    %cond3A_137 = arith.cmpi ne, %convert_element_type3A_135, %cond3A_136 : i32
    scf.if %cond3A_137 {
      %dma_wait3A = arith.constant 1 : i32
      %dma_wait3A_278 = arith.constant 0 : i32
      %dma_wait3A_279 = arith.constant 0 : i32
      %dma_wait3A_280 = tpu.memref_slice %arg6[%dma_wait3A, %dma_wait3A_278, %dma_wait3A_279] : memref<3x128x256xf32, #tpu.memory_space<vmem>> -> memref<1x128x256xf32, #tpu.memory_space<vmem>>
      %dma_wait3A_281 = tpu.memref_squeeze %dma_wait3A_280 : memref<1x128x256xf32, #tpu.memory_space<vmem>> -> memref<128x256xf32, #tpu.memory_space<vmem>>
      %dma_wait3A_282 = arith.constant 512 : i32
      %dma_wait3A_283 = tpu.memref_slice %arg5[%dma_wait3A_282] : memref<1280xi32, #tpu.memory_space<vmem>> -> memref<128xi32, #tpu.memory_space<vmem>>
      %dma_wait3A_284 = arith.constant 0 : i32
      %dma_wait3A_285 = arith.constant 0 : i32
      %dma_wait3A_286 = tpu.memref_slice %arg2[%dma_wait3A_284, %dma_wait3A_285] : memref<53248x256xf32, #tpu.memory_space<hbm>> -> memref<53248x256xf32, #tpu.memory_space<hbm>>
      tpu.wait_indirect_dma semaphore(%arg8 : memref<!tpu.dma_semaphore, #tpu.memory_space<semaphore_mem>>) src(%dma_wait3A_286 : memref<53248x256xf32, #tpu.memory_space<hbm>>) dst(%dma_wait3A_281 : memref<128x256xf32, #tpu.memory_space<vmem>>)
    } else {
    }
    %add3A_138 = arith.constant 512 : i32
    %add3A_139 = arith.addi %mul3A_2, %add3A_138 : i32
    %add3A_140 = arith.constant 128 : i32
    %add3A_141 = arith.addi %add3A_139, %add3A_140 : i32
    %le3A_142 = arith.constant 40000 : i32
    %le3A_143 = arith.cmpi sle, %add3A_141, %le3A_142 : i32
    %convert_element_type3A_144 = arith.extui %le3A_143 : i1 to i32
    %cond3A_145 = arith.constant 0 : i32
    %cond3A_146 = arith.cmpi ne, %convert_element_type3A_144, %cond3A_145 : i32
    scf.if %cond3A_146 {
      %dma_start3A = arith.constant 1 : i32
      %dma_start3A_278 = arith.constant 0 : i32
      %dma_start3A_279 = arith.constant 0 : i32
      %dma_start3A_280 = tpu.memref_slice %arg6[%dma_start3A, %dma_start3A_278, %dma_start3A_279] : memref<3x128x256xf32, #tpu.memory_space<vmem>> -> memref<1x128x256xf32, #tpu.memory_space<vmem>>
      %dma_start3A_281 = tpu.memref_squeeze %dma_start3A_280 : memref<1x128x256xf32, #tpu.memory_space<vmem>> -> memref<128x256xf32, #tpu.memory_space<vmem>>
      %dma_start3A_282 = arith.constant 0 : i32
      %dma_start3A_283 = tpu.memref_slice %arg4[%add3A_139, %dma_start3A_282] : memref<40000x256xf32, #tpu.memory_space<hbm>> -> memref<128x256xf32, #tpu.memory_space<hbm>>
      %dma_start3A_284 = arith.constant 0 : i32
      %dma_start3A_285 = tpu.memref_slice %arg4[%add3A_139, %dma_start3A_284] : memref<40000x256xf32, #tpu.memory_space<hbm>> -> memref<128x256xf32, #tpu.memory_space<hbm>>
      %dma_start3A_286 = arith.constant 0 : i32
      %dma_start3A_287 = arith.constant 0 : i32
      %dma_start3A_288 = tpu.memref_slice %arg6[%dma_start3A, %dma_start3A_286, %dma_start3A_287] : memref<3x128x256xf32, #tpu.memory_space<vmem>> -> memref<1x128x256xf32, #tpu.memory_space<vmem>>
      %dma_start3A_289 = tpu.memref_squeeze %dma_start3A_288 : memref<1x128x256xf32, #tpu.memory_space<vmem>> -> memref<128x256xf32, #tpu.memory_space<vmem>>
      tpu.enqueue_dma source(%dma_start3A_289 : memref<128x256xf32, #tpu.memory_space<vmem>>) target(%dma_start3A_285 : memref<128x256xf32, #tpu.memory_space<hbm>>) target_semaphore(%arg10 : memref<!tpu.dma_semaphore, #tpu.memory_space<semaphore_mem>>)
      %dma_wait3A = arith.constant 1 : i32
      %dma_wait3A_290 = arith.constant 0 : i32
      %dma_wait3A_291 = arith.constant 0 : i32
      %dma_wait3A_292 = tpu.memref_slice %arg6[%dma_wait3A, %dma_wait3A_290, %dma_wait3A_291] : memref<3x128x256xf32, #tpu.memory_space<vmem>> -> memref<1x128x256xf32, #tpu.memory_space<vmem>>
      %dma_wait3A_293 = tpu.memref_squeeze %dma_wait3A_292 : memref<1x128x256xf32, #tpu.memory_space<vmem>> -> memref<128x256xf32, #tpu.memory_space<vmem>>
      %dma_wait3A_294 = arith.constant 0 : i32
      %dma_wait3A_295 = tpu.memref_slice %arg4[%add3A_139, %dma_wait3A_294] : memref<40000x256xf32, #tpu.memory_space<hbm>> -> memref<128x256xf32, #tpu.memory_space<hbm>>
      %dma_wait3A_296 = arith.constant 0 : i32
      %dma_wait3A_297 = tpu.memref_slice %arg4[%add3A_139, %dma_wait3A_296] : memref<40000x256xf32, #tpu.memory_space<hbm>> -> memref<128x256xf32, #tpu.memory_space<hbm>>
      %dma_wait3A_298 = arith.constant 0 : i32
      %dma_wait3A_299 = arith.constant 0 : i32
      %dma_wait3A_300 = tpu.memref_slice %arg6[%dma_wait3A, %dma_wait3A_298, %dma_wait3A_299] : memref<3x128x256xf32, #tpu.memory_space<vmem>> -> memref<1x128x256xf32, #tpu.memory_space<vmem>>
      %dma_wait3A_301 = tpu.memref_squeeze %dma_wait3A_300 : memref<1x128x256xf32, #tpu.memory_space<vmem>> -> memref<128x256xf32, #tpu.memory_space<vmem>>
      tpu.wait_dma2 semaphore(%arg10 : memref<!tpu.dma_semaphore, #tpu.memory_space<semaphore_mem>>) src(%dma_wait3A_301 : memref<128x256xf32, #tpu.memory_space<vmem>>) dst(%dma_wait3A_297 : memref<128x256xf32, #tpu.memory_space<hbm>>)
    } else {
    }
    %eq3A_147 = arith.constant 39936 : i32
    %eq3A_148 = arith.cmpi eq, %add3A_139, %eq3A_147 : i32
    %convert_element_type3A_149 = arith.extui %eq3A_148 : i1 to i32
    %cond3A_150 = arith.constant 0 : i32
    %cond3A_151 = arith.cmpi ne, %convert_element_type3A_149, %cond3A_150 : i32
    scf.if %cond3A_151 {
      %dma_start3A = arith.constant 1 : i32
      %dma_start3A_278 = arith.constant 0 : i32
      %dma_start3A_279 = arith.constant 0 : i32
      %dma_start3A_280 = tpu.memref_slice %arg6[%dma_start3A, %dma_start3A_278, %dma_start3A_279] : memref<3x128x256xf32, #tpu.memory_space<vmem>> -> memref<1x128x256xf32, #tpu.memory_space<vmem>>
      %dma_start3A_281 = tpu.memref_squeeze %dma_start3A_280 : memref<1x128x256xf32, #tpu.memory_space<vmem>> -> memref<128x256xf32, #tpu.memory_space<vmem>>
      %dma_start3A_282 = arith.constant 0 : i32
      %dma_start3A_283 = arith.constant 0 : i32
      %dma_start3A_284 = tpu.memref_slice %dma_start3A_281[%dma_start3A_282, %dma_start3A_283] : memref<128x256xf32, #tpu.memory_space<vmem>> -> memref<64x256xf32, #tpu.memory_space<vmem>>
      %dma_start3A_285 = arith.constant 0 : i32
      %dma_start3A_286 = tpu.memref_slice %arg4[%add3A_139, %dma_start3A_285] : memref<40000x256xf32, #tpu.memory_space<hbm>> -> memref<64x256xf32, #tpu.memory_space<hbm>>
      %dma_start3A_287 = arith.constant 0 : i32
      %dma_start3A_288 = tpu.memref_slice %arg4[%add3A_139, %dma_start3A_287] : memref<40000x256xf32, #tpu.memory_space<hbm>> -> memref<64x256xf32, #tpu.memory_space<hbm>>
      %dma_start3A_289 = arith.constant 0 : i32
      %dma_start3A_290 = arith.constant 0 : i32
      %dma_start3A_291 = tpu.memref_slice %arg6[%dma_start3A, %dma_start3A_289, %dma_start3A_290] : memref<3x128x256xf32, #tpu.memory_space<vmem>> -> memref<1x128x256xf32, #tpu.memory_space<vmem>>
      %dma_start3A_292 = tpu.memref_squeeze %dma_start3A_291 : memref<1x128x256xf32, #tpu.memory_space<vmem>> -> memref<128x256xf32, #tpu.memory_space<vmem>>
      %dma_start3A_293 = arith.constant 0 : i32
      %dma_start3A_294 = arith.constant 0 : i32
      %dma_start3A_295 = tpu.memref_slice %dma_start3A_292[%dma_start3A_293, %dma_start3A_294] : memref<128x256xf32, #tpu.memory_space<vmem>> -> memref<64x256xf32, #tpu.memory_space<vmem>>
      tpu.enqueue_dma source(%dma_start3A_295 : memref<64x256xf32, #tpu.memory_space<vmem>>) target(%dma_start3A_288 : memref<64x256xf32, #tpu.memory_space<hbm>>) target_semaphore(%arg10 : memref<!tpu.dma_semaphore, #tpu.memory_space<semaphore_mem>>)
      %dma_wait3A = arith.constant 1 : i32
      %dma_wait3A_296 = arith.constant 0 : i32
      %dma_wait3A_297 = arith.constant 0 : i32
      %dma_wait3A_298 = tpu.memref_slice %arg6[%dma_wait3A, %dma_wait3A_296, %dma_wait3A_297] : memref<3x128x256xf32, #tpu.memory_space<vmem>> -> memref<1x128x256xf32, #tpu.memory_space<vmem>>
      %dma_wait3A_299 = tpu.memref_squeeze %dma_wait3A_298 : memref<1x128x256xf32, #tpu.memory_space<vmem>> -> memref<128x256xf32, #tpu.memory_space<vmem>>
      %dma_wait3A_300 = arith.constant 0 : i32
      %dma_wait3A_301 = arith.constant 0 : i32
      %dma_wait3A_302 = tpu.memref_slice %dma_wait3A_299[%dma_wait3A_300, %dma_wait3A_301] : memref<128x256xf32, #tpu.memory_space<vmem>> -> memref<64x256xf32, #tpu.memory_space<vmem>>
      %dma_wait3A_303 = arith.constant 0 : i32
      %dma_wait3A_304 = tpu.memref_slice %arg4[%add3A_139, %dma_wait3A_303] : memref<40000x256xf32, #tpu.memory_space<hbm>> -> memref<64x256xf32, #tpu.memory_space<hbm>>
      %dma_wait3A_305 = arith.constant 0 : i32
      %dma_wait3A_306 = tpu.memref_slice %arg4[%add3A_139, %dma_wait3A_305] : memref<40000x256xf32, #tpu.memory_space<hbm>> -> memref<64x256xf32, #tpu.memory_space<hbm>>
      %dma_wait3A_307 = arith.constant 0 : i32
      %dma_wait3A_308 = arith.constant 0 : i32
      %dma_wait3A_309 = tpu.memref_slice %arg6[%dma_wait3A, %dma_wait3A_307, %dma_wait3A_308] : memref<3x128x256xf32, #tpu.memory_space<vmem>> -> memref<1x128x256xf32, #tpu.memory_space<vmem>>
      %dma_wait3A_310 = tpu.memref_squeeze %dma_wait3A_309 : memref<1x128x256xf32, #tpu.memory_space<vmem>> -> memref<128x256xf32, #tpu.memory_space<vmem>>
      %dma_wait3A_311 = arith.constant 0 : i32
      %dma_wait3A_312 = arith.constant 0 : i32
      %dma_wait3A_313 = tpu.memref_slice %dma_wait3A_310[%dma_wait3A_311, %dma_wait3A_312] : memref<128x256xf32, #tpu.memory_space<vmem>> -> memref<64x256xf32, #tpu.memory_space<vmem>>
      tpu.wait_dma2 semaphore(%arg10 : memref<!tpu.dma_semaphore, #tpu.memory_space<semaphore_mem>>) src(%dma_wait3A_313 : memref<64x256xf32, #tpu.memory_space<vmem>>) dst(%dma_wait3A_306 : memref<64x256xf32, #tpu.memory_space<hbm>>)
    } else {
    }
    %add3A_152 = arith.constant 896 : i32
    %add3A_153 = arith.addi %mul3A_2, %add3A_152 : i32
    %lt3A_154 = arith.constant 40000 : i32
    %lt3A_155 = arith.cmpi slt, %add3A_153, %lt3A_154 : i32
    %convert_element_type3A_156 = arith.extui %lt3A_155 : i1 to i32
    %cond3A_157 = arith.constant 0 : i32
    %cond3A_158 = arith.cmpi ne, %convert_element_type3A_156, %cond3A_157 : i32
    scf.if %cond3A_158 {
      %dma_start3A = arith.constant 1 : i32
      %dma_start3A_278 = arith.constant 0 : i32
      %dma_start3A_279 = arith.constant 0 : i32
      %dma_start3A_280 = tpu.memref_slice %arg6[%dma_start3A, %dma_start3A_278, %dma_start3A_279] : memref<3x128x256xf32, #tpu.memory_space<vmem>> -> memref<1x128x256xf32, #tpu.memory_space<vmem>>
      %dma_start3A_281 = tpu.memref_squeeze %dma_start3A_280 : memref<1x128x256xf32, #tpu.memory_space<vmem>> -> memref<128x256xf32, #tpu.memory_space<vmem>>
      %dma_start3A_282 = arith.constant 896 : i32
      %dma_start3A_283 = tpu.memref_slice %arg5[%dma_start3A_282] : memref<1280xi32, #tpu.memory_space<vmem>> -> memref<128xi32, #tpu.memory_space<vmem>>
      %dma_start3A_284 = arith.constant 0 : i32
      %dma_start3A_285 = arith.constant 0 : i32
      %dma_start3A_286 = tpu.memref_slice %arg2[%dma_start3A_284, %dma_start3A_285] : memref<53248x256xf32, #tpu.memory_space<hbm>> -> memref<53248x256xf32, #tpu.memory_space<hbm>>
      tpu.enqueue_indirect_dma source(%dma_start3A_286 : memref<53248x256xf32, #tpu.memory_space<hbm>>) target(%dma_start3A_281 : memref<128x256xf32, #tpu.memory_space<vmem>>) offsets(%dma_start3A_283 : memref<128xi32, #tpu.memory_space<vmem>>) semaphore(%arg8 : memref<!tpu.dma_semaphore, #tpu.memory_space<semaphore_mem>>)
    } else {
    }
    %add3A_159 = arith.constant 640 : i32
    %add3A_160 = arith.addi %mul3A_2, %add3A_159 : i32
    %lt3A_161 = arith.constant 40000 : i32
    %lt3A_162 = arith.cmpi slt, %add3A_160, %lt3A_161 : i32
    %convert_element_type3A_163 = arith.extui %lt3A_162 : i1 to i32
    %cond3A_164 = arith.constant 0 : i32
    %cond3A_165 = arith.cmpi ne, %convert_element_type3A_163, %cond3A_164 : i32
    scf.if %cond3A_165 {
      %dma_wait3A = arith.constant 2 : i32
      %dma_wait3A_278 = arith.constant 0 : i32
      %dma_wait3A_279 = arith.constant 0 : i32
      %dma_wait3A_280 = tpu.memref_slice %arg6[%dma_wait3A, %dma_wait3A_278, %dma_wait3A_279] : memref<3x128x256xf32, #tpu.memory_space<vmem>> -> memref<1x128x256xf32, #tpu.memory_space<vmem>>
      %dma_wait3A_281 = tpu.memref_squeeze %dma_wait3A_280 : memref<1x128x256xf32, #tpu.memory_space<vmem>> -> memref<128x256xf32, #tpu.memory_space<vmem>>
      %dma_wait3A_282 = arith.constant 640 : i32
      %dma_wait3A_283 = tpu.memref_slice %arg5[%dma_wait3A_282] : memref<1280xi32, #tpu.memory_space<vmem>> -> memref<128xi32, #tpu.memory_space<vmem>>
      %dma_wait3A_284 = arith.constant 0 : i32
      %dma_wait3A_285 = arith.constant 0 : i32
      %dma_wait3A_286 = tpu.memref_slice %arg2[%dma_wait3A_284, %dma_wait3A_285] : memref<53248x256xf32, #tpu.memory_space<hbm>> -> memref<53248x256xf32, #tpu.memory_space<hbm>>
      tpu.wait_indirect_dma semaphore(%arg9 : memref<!tpu.dma_semaphore, #tpu.memory_space<semaphore_mem>>) src(%dma_wait3A_286 : memref<53248x256xf32, #tpu.memory_space<hbm>>) dst(%dma_wait3A_281 : memref<128x256xf32, #tpu.memory_space<vmem>>)
    } else {
    }
    %add3A_166 = arith.constant 640 : i32
    %add3A_167 = arith.addi %mul3A_2, %add3A_166 : i32
    %add3A_168 = arith.constant 128 : i32
    %add3A_169 = arith.addi %add3A_167, %add3A_168 : i32
    %le3A_170 = arith.constant 40000 : i32
    %le3A_171 = arith.cmpi sle, %add3A_169, %le3A_170 : i32
    %convert_element_type3A_172 = arith.extui %le3A_171 : i1 to i32
    %cond3A_173 = arith.constant 0 : i32
    %cond3A_174 = arith.cmpi ne, %convert_element_type3A_172, %cond3A_173 : i32
    scf.if %cond3A_174 {
      %dma_start3A = arith.constant 2 : i32
      %dma_start3A_278 = arith.constant 0 : i32
      %dma_start3A_279 = arith.constant 0 : i32
      %dma_start3A_280 = tpu.memref_slice %arg6[%dma_start3A, %dma_start3A_278, %dma_start3A_279] : memref<3x128x256xf32, #tpu.memory_space<vmem>> -> memref<1x128x256xf32, #tpu.memory_space<vmem>>
      %dma_start3A_281 = tpu.memref_squeeze %dma_start3A_280 : memref<1x128x256xf32, #tpu.memory_space<vmem>> -> memref<128x256xf32, #tpu.memory_space<vmem>>
      %dma_start3A_282 = arith.constant 0 : i32
      %dma_start3A_283 = tpu.memref_slice %arg4[%add3A_167, %dma_start3A_282] : memref<40000x256xf32, #tpu.memory_space<hbm>> -> memref<128x256xf32, #tpu.memory_space<hbm>>
      %dma_start3A_284 = arith.constant 0 : i32
      %dma_start3A_285 = tpu.memref_slice %arg4[%add3A_167, %dma_start3A_284] : memref<40000x256xf32, #tpu.memory_space<hbm>> -> memref<128x256xf32, #tpu.memory_space<hbm>>
      %dma_start3A_286 = arith.constant 0 : i32
      %dma_start3A_287 = arith.constant 0 : i32
      %dma_start3A_288 = tpu.memref_slice %arg6[%dma_start3A, %dma_start3A_286, %dma_start3A_287] : memref<3x128x256xf32, #tpu.memory_space<vmem>> -> memref<1x128x256xf32, #tpu.memory_space<vmem>>
      %dma_start3A_289 = tpu.memref_squeeze %dma_start3A_288 : memref<1x128x256xf32, #tpu.memory_space<vmem>> -> memref<128x256xf32, #tpu.memory_space<vmem>>
      tpu.enqueue_dma source(%dma_start3A_289 : memref<128x256xf32, #tpu.memory_space<vmem>>) target(%dma_start3A_285 : memref<128x256xf32, #tpu.memory_space<hbm>>) target_semaphore(%arg10 : memref<!tpu.dma_semaphore, #tpu.memory_space<semaphore_mem>>)
      %dma_wait3A = arith.constant 2 : i32
      %dma_wait3A_290 = arith.constant 0 : i32
      %dma_wait3A_291 = arith.constant 0 : i32
      %dma_wait3A_292 = tpu.memref_slice %arg6[%dma_wait3A, %dma_wait3A_290, %dma_wait3A_291] : memref<3x128x256xf32, #tpu.memory_space<vmem>> -> memref<1x128x256xf32, #tpu.memory_space<vmem>>
      %dma_wait3A_293 = tpu.memref_squeeze %dma_wait3A_292 : memref<1x128x256xf32, #tpu.memory_space<vmem>> -> memref<128x256xf32, #tpu.memory_space<vmem>>
      %dma_wait3A_294 = arith.constant 0 : i32
      %dma_wait3A_295 = tpu.memref_slice %arg4[%add3A_167, %dma_wait3A_294] : memref<40000x256xf32, #tpu.memory_space<hbm>> -> memref<128x256xf32, #tpu.memory_space<hbm>>
      %dma_wait3A_296 = arith.constant 0 : i32
      %dma_wait3A_297 = tpu.memref_slice %arg4[%add3A_167, %dma_wait3A_296] : memref<40000x256xf32, #tpu.memory_space<hbm>> -> memref<128x256xf32, #tpu.memory_space<hbm>>
      %dma_wait3A_298 = arith.constant 0 : i32
      %dma_wait3A_299 = arith.constant 0 : i32
      %dma_wait3A_300 = tpu.memref_slice %arg6[%dma_wait3A, %dma_wait3A_298, %dma_wait3A_299] : memref<3x128x256xf32, #tpu.memory_space<vmem>> -> memref<1x128x256xf32, #tpu.memory_space<vmem>>
      %dma_wait3A_301 = tpu.memref_squeeze %dma_wait3A_300 : memref<1x128x256xf32, #tpu.memory_space<vmem>> -> memref<128x256xf32, #tpu.memory_space<vmem>>
      tpu.wait_dma2 semaphore(%arg10 : memref<!tpu.dma_semaphore, #tpu.memory_space<semaphore_mem>>) src(%dma_wait3A_301 : memref<128x256xf32, #tpu.memory_space<vmem>>) dst(%dma_wait3A_297 : memref<128x256xf32, #tpu.memory_space<hbm>>)
    } else {
    }
    %eq3A_175 = arith.constant 39936 : i32
    %eq3A_176 = arith.cmpi eq, %add3A_167, %eq3A_175 : i32
    %convert_element_type3A_177 = arith.extui %eq3A_176 : i1 to i32
    %cond3A_178 = arith.constant 0 : i32
    %cond3A_179 = arith.cmpi ne, %convert_element_type3A_177, %cond3A_178 : i32
    scf.if %cond3A_179 {
      %dma_start3A = arith.constant 2 : i32
      %dma_start3A_278 = arith.constant 0 : i32
      %dma_start3A_279 = arith.constant 0 : i32
      %dma_start3A_280 = tpu.memref_slice %arg6[%dma_start3A, %dma_start3A_278, %dma_start3A_279] : memref<3x128x256xf32, #tpu.memory_space<vmem>> -> memref<1x128x256xf32, #tpu.memory_space<vmem>>
      %dma_start3A_281 = tpu.memref_squeeze %dma_start3A_280 : memref<1x128x256xf32, #tpu.memory_space<vmem>> -> memref<128x256xf32, #tpu.memory_space<vmem>>
      %dma_start3A_282 = arith.constant 0 : i32
      %dma_start3A_283 = arith.constant 0 : i32
      %dma_start3A_284 = tpu.memref_slice %dma_start3A_281[%dma_start3A_282, %dma_start3A_283] : memref<128x256xf32, #tpu.memory_space<vmem>> -> memref<64x256xf32, #tpu.memory_space<vmem>>
      %dma_start3A_285 = arith.constant 0 : i32
      %dma_start3A_286 = tpu.memref_slice %arg4[%add3A_167, %dma_start3A_285] : memref<40000x256xf32, #tpu.memory_space<hbm>> -> memref<64x256xf32, #tpu.memory_space<hbm>>
      %dma_start3A_287 = arith.constant 0 : i32
      %dma_start3A_288 = tpu.memref_slice %arg4[%add3A_167, %dma_start3A_287] : memref<40000x256xf32, #tpu.memory_space<hbm>> -> memref<64x256xf32, #tpu.memory_space<hbm>>
      %dma_start3A_289 = arith.constant 0 : i32
      %dma_start3A_290 = arith.constant 0 : i32
      %dma_start3A_291 = tpu.memref_slice %arg6[%dma_start3A, %dma_start3A_289, %dma_start3A_290] : memref<3x128x256xf32, #tpu.memory_space<vmem>> -> memref<1x128x256xf32, #tpu.memory_space<vmem>>
      %dma_start3A_292 = tpu.memref_squeeze %dma_start3A_291 : memref<1x128x256xf32, #tpu.memory_space<vmem>> -> memref<128x256xf32, #tpu.memory_space<vmem>>
      %dma_start3A_293 = arith.constant 0 : i32
      %dma_start3A_294 = arith.constant 0 : i32
      %dma_start3A_295 = tpu.memref_slice %dma_start3A_292[%dma_start3A_293, %dma_start3A_294] : memref<128x256xf32, #tpu.memory_space<vmem>> -> memref<64x256xf32, #tpu.memory_space<vmem>>
      tpu.enqueue_dma source(%dma_start3A_295 : memref<64x256xf32, #tpu.memory_space<vmem>>) target(%dma_start3A_288 : memref<64x256xf32, #tpu.memory_space<hbm>>) target_semaphore(%arg10 : memref<!tpu.dma_semaphore, #tpu.memory_space<semaphore_mem>>)
      %dma_wait3A = arith.constant 2 : i32
      %dma_wait3A_296 = arith.constant 0 : i32
      %dma_wait3A_297 = arith.constant 0 : i32
      %dma_wait3A_298 = tpu.memref_slice %arg6[%dma_wait3A, %dma_wait3A_296, %dma_wait3A_297] : memref<3x128x256xf32, #tpu.memory_space<vmem>> -> memref<1x128x256xf32, #tpu.memory_space<vmem>>
      %dma_wait3A_299 = tpu.memref_squeeze %dma_wait3A_298 : memref<1x128x256xf32, #tpu.memory_space<vmem>> -> memref<128x256xf32, #tpu.memory_space<vmem>>
      %dma_wait3A_300 = arith.constant 0 : i32
      %dma_wait3A_301 = arith.constant 0 : i32
      %dma_wait3A_302 = tpu.memref_slice %dma_wait3A_299[%dma_wait3A_300, %dma_wait3A_301] : memref<128x256xf32, #tpu.memory_space<vmem>> -> memref<64x256xf32, #tpu.memory_space<vmem>>
      %dma_wait3A_303 = arith.constant 0 : i32
      %dma_wait3A_304 = tpu.memref_slice %arg4[%add3A_167, %dma_wait3A_303] : memref<40000x256xf32, #tpu.memory_space<hbm>> -> memref<64x256xf32, #tpu.memory_space<hbm>>
      %dma_wait3A_305 = arith.constant 0 : i32
      %dma_wait3A_306 = tpu.memref_slice %arg4[%add3A_167, %dma_wait3A_305] : memref<40000x256xf32, #tpu.memory_space<hbm>> -> memref<64x256xf32, #tpu.memory_space<hbm>>
      %dma_wait3A_307 = arith.constant 0 : i32
      %dma_wait3A_308 = arith.constant 0 : i32
      %dma_wait3A_309 = tpu.memref_slice %arg6[%dma_wait3A, %dma_wait3A_307, %dma_wait3A_308] : memref<3x128x256xf32, #tpu.memory_space<vmem>> -> memref<1x128x256xf32, #tpu.memory_space<vmem>>
      %dma_wait3A_310 = tpu.memref_squeeze %dma_wait3A_309 : memref<1x128x256xf32, #tpu.memory_space<vmem>> -> memref<128x256xf32, #tpu.memory_space<vmem>>
      %dma_wait3A_311 = arith.constant 0 : i32
      %dma_wait3A_312 = arith.constant 0 : i32
      %dma_wait3A_313 = tpu.memref_slice %dma_wait3A_310[%dma_wait3A_311, %dma_wait3A_312] : memref<128x256xf32, #tpu.memory_space<vmem>> -> memref<64x256xf32, #tpu.memory_space<vmem>>
      tpu.wait_dma2 semaphore(%arg10 : memref<!tpu.dma_semaphore, #tpu.memory_space<semaphore_mem>>) src(%dma_wait3A_313 : memref<64x256xf32, #tpu.memory_space<vmem>>) dst(%dma_wait3A_306 : memref<64x256xf32, #tpu.memory_space<hbm>>)
    } else {
    }
    %add3A_180 = arith.constant 1024 : i32
    %add3A_181 = arith.addi %mul3A_2, %add3A_180 : i32
    %lt3A_182 = arith.constant 40000 : i32
    %lt3A_183 = arith.cmpi slt, %add3A_181, %lt3A_182 : i32
    %convert_element_type3A_184 = arith.extui %lt3A_183 : i1 to i32
    %cond3A_185 = arith.constant 0 : i32
    %cond3A_186 = arith.cmpi ne, %convert_element_type3A_184, %cond3A_185 : i32
    scf.if %cond3A_186 {
      %dma_start3A = arith.constant 2 : i32
      %dma_start3A_278 = arith.constant 0 : i32
      %dma_start3A_279 = arith.constant 0 : i32
      %dma_start3A_280 = tpu.memref_slice %arg6[%dma_start3A, %dma_start3A_278, %dma_start3A_279] : memref<3x128x256xf32, #tpu.memory_space<vmem>> -> memref<1x128x256xf32, #tpu.memory_space<vmem>>
      %dma_start3A_281 = tpu.memref_squeeze %dma_start3A_280 : memref<1x128x256xf32, #tpu.memory_space<vmem>> -> memref<128x256xf32, #tpu.memory_space<vmem>>
      %dma_start3A_282 = arith.constant 1024 : i32
      %dma_start3A_283 = tpu.memref_slice %arg5[%dma_start3A_282] : memref<1280xi32, #tpu.memory_space<vmem>> -> memref<128xi32, #tpu.memory_space<vmem>>
      %dma_start3A_284 = arith.constant 0 : i32
      %dma_start3A_285 = arith.constant 0 : i32
      %dma_start3A_286 = tpu.memref_slice %arg2[%dma_start3A_284, %dma_start3A_285] : memref<53248x256xf32, #tpu.memory_space<hbm>> -> memref<53248x256xf32, #tpu.memory_space<hbm>>
      tpu.enqueue_indirect_dma source(%dma_start3A_286 : memref<53248x256xf32, #tpu.memory_space<hbm>>) target(%dma_start3A_281 : memref<128x256xf32, #tpu.memory_space<vmem>>) offsets(%dma_start3A_283 : memref<128xi32, #tpu.memory_space<vmem>>) semaphore(%arg9 : memref<!tpu.dma_semaphore, #tpu.memory_space<semaphore_mem>>)
    } else {
    }
    %add3A_187 = arith.constant 768 : i32
    %add3A_188 = arith.addi %mul3A_2, %add3A_187 : i32
    %lt3A_189 = arith.constant 40000 : i32
    %lt3A_190 = arith.cmpi slt, %add3A_188, %lt3A_189 : i32
    %convert_element_type3A_191 = arith.extui %lt3A_190 : i1 to i32
    %cond3A_192 = arith.constant 0 : i32
    %cond3A_193 = arith.cmpi ne, %convert_element_type3A_191, %cond3A_192 : i32
    scf.if %cond3A_193 {
      %dma_wait3A = arith.constant 0 : i32
      %dma_wait3A_278 = arith.constant 0 : i32
      %dma_wait3A_279 = arith.constant 0 : i32
      %dma_wait3A_280 = tpu.memref_slice %arg6[%dma_wait3A, %dma_wait3A_278, %dma_wait3A_279] : memref<3x128x256xf32, #tpu.memory_space<vmem>> -> memref<1x128x256xf32, #tpu.memory_space<vmem>>
      %dma_wait3A_281 = tpu.memref_squeeze %dma_wait3A_280 : memref<1x128x256xf32, #tpu.memory_space<vmem>> -> memref<128x256xf32, #tpu.memory_space<vmem>>
      %dma_wait3A_282 = arith.constant 768 : i32
      %dma_wait3A_283 = tpu.memref_slice %arg5[%dma_wait3A_282] : memref<1280xi32, #tpu.memory_space<vmem>> -> memref<128xi32, #tpu.memory_space<vmem>>
      %dma_wait3A_284 = arith.constant 0 : i32
      %dma_wait3A_285 = arith.constant 0 : i32
      %dma_wait3A_286 = tpu.memref_slice %arg2[%dma_wait3A_284, %dma_wait3A_285] : memref<53248x256xf32, #tpu.memory_space<hbm>> -> memref<53248x256xf32, #tpu.memory_space<hbm>>
      tpu.wait_indirect_dma semaphore(%arg7 : memref<!tpu.dma_semaphore, #tpu.memory_space<semaphore_mem>>) src(%dma_wait3A_286 : memref<53248x256xf32, #tpu.memory_space<hbm>>) dst(%dma_wait3A_281 : memref<128x256xf32, #tpu.memory_space<vmem>>)
    } else {
    }
    %add3A_194 = arith.constant 768 : i32
    %add3A_195 = arith.addi %mul3A_2, %add3A_194 : i32
    %add3A_196 = arith.constant 128 : i32
    %add3A_197 = arith.addi %add3A_195, %add3A_196 : i32
    %le3A_198 = arith.constant 40000 : i32
    %le3A_199 = arith.cmpi sle, %add3A_197, %le3A_198 : i32
    %convert_element_type3A_200 = arith.extui %le3A_199 : i1 to i32
    %cond3A_201 = arith.constant 0 : i32
    %cond3A_202 = arith.cmpi ne, %convert_element_type3A_200, %cond3A_201 : i32
    scf.if %cond3A_202 {
      %dma_start3A = arith.constant 0 : i32
      %dma_start3A_278 = arith.constant 0 : i32
      %dma_start3A_279 = arith.constant 0 : i32
      %dma_start3A_280 = tpu.memref_slice %arg6[%dma_start3A, %dma_start3A_278, %dma_start3A_279] : memref<3x128x256xf32, #tpu.memory_space<vmem>> -> memref<1x128x256xf32, #tpu.memory_space<vmem>>
      %dma_start3A_281 = tpu.memref_squeeze %dma_start3A_280 : memref<1x128x256xf32, #tpu.memory_space<vmem>> -> memref<128x256xf32, #tpu.memory_space<vmem>>
      %dma_start3A_282 = arith.constant 0 : i32
      %dma_start3A_283 = tpu.memref_slice %arg4[%add3A_195, %dma_start3A_282] : memref<40000x256xf32, #tpu.memory_space<hbm>> -> memref<128x256xf32, #tpu.memory_space<hbm>>
      %dma_start3A_284 = arith.constant 0 : i32
      %dma_start3A_285 = tpu.memref_slice %arg4[%add3A_195, %dma_start3A_284] : memref<40000x256xf32, #tpu.memory_space<hbm>> -> memref<128x256xf32, #tpu.memory_space<hbm>>
      %dma_start3A_286 = arith.constant 0 : i32
      %dma_start3A_287 = arith.constant 0 : i32
      %dma_start3A_288 = tpu.memref_slice %arg6[%dma_start3A, %dma_start3A_286, %dma_start3A_287] : memref<3x128x256xf32, #tpu.memory_space<vmem>> -> memref<1x128x256xf32, #tpu.memory_space<vmem>>
      %dma_start3A_289 = tpu.memref_squeeze %dma_start3A_288 : memref<1x128x256xf32, #tpu.memory_space<vmem>> -> memref<128x256xf32, #tpu.memory_space<vmem>>
      tpu.enqueue_dma source(%dma_start3A_289 : memref<128x256xf32, #tpu.memory_space<vmem>>) target(%dma_start3A_285 : memref<128x256xf32, #tpu.memory_space<hbm>>) target_semaphore(%arg10 : memref<!tpu.dma_semaphore, #tpu.memory_space<semaphore_mem>>)
      %dma_wait3A = arith.constant 0 : i32
      %dma_wait3A_290 = arith.constant 0 : i32
      %dma_wait3A_291 = arith.constant 0 : i32
      %dma_wait3A_292 = tpu.memref_slice %arg6[%dma_wait3A, %dma_wait3A_290, %dma_wait3A_291] : memref<3x128x256xf32, #tpu.memory_space<vmem>> -> memref<1x128x256xf32, #tpu.memory_space<vmem>>
      %dma_wait3A_293 = tpu.memref_squeeze %dma_wait3A_292 : memref<1x128x256xf32, #tpu.memory_space<vmem>> -> memref<128x256xf32, #tpu.memory_space<vmem>>
      %dma_wait3A_294 = arith.constant 0 : i32
      %dma_wait3A_295 = tpu.memref_slice %arg4[%add3A_195, %dma_wait3A_294] : memref<40000x256xf32, #tpu.memory_space<hbm>> -> memref<128x256xf32, #tpu.memory_space<hbm>>
      %dma_wait3A_296 = arith.constant 0 : i32
      %dma_wait3A_297 = tpu.memref_slice %arg4[%add3A_195, %dma_wait3A_296] : memref<40000x256xf32, #tpu.memory_space<hbm>> -> memref<128x256xf32, #tpu.memory_space<hbm>>
      %dma_wait3A_298 = arith.constant 0 : i32
      %dma_wait3A_299 = arith.constant 0 : i32
      %dma_wait3A_300 = tpu.memref_slice %arg6[%dma_wait3A, %dma_wait3A_298, %dma_wait3A_299] : memref<3x128x256xf32, #tpu.memory_space<vmem>> -> memref<1x128x256xf32, #tpu.memory_space<vmem>>
      %dma_wait3A_301 = tpu.memref_squeeze %dma_wait3A_300 : memref<1x128x256xf32, #tpu.memory_space<vmem>> -> memref<128x256xf32, #tpu.memory_space<vmem>>
      tpu.wait_dma2 semaphore(%arg10 : memref<!tpu.dma_semaphore, #tpu.memory_space<semaphore_mem>>) src(%dma_wait3A_301 : memref<128x256xf32, #tpu.memory_space<vmem>>) dst(%dma_wait3A_297 : memref<128x256xf32, #tpu.memory_space<hbm>>)
    } else {
    }
    %eq3A_203 = arith.constant 39936 : i32
    %eq3A_204 = arith.cmpi eq, %add3A_195, %eq3A_203 : i32
    %convert_element_type3A_205 = arith.extui %eq3A_204 : i1 to i32
    %cond3A_206 = arith.constant 0 : i32
    %cond3A_207 = arith.cmpi ne, %convert_element_type3A_205, %cond3A_206 : i32
    scf.if %cond3A_207 {
      %dma_start3A = arith.constant 0 : i32
      %dma_start3A_278 = arith.constant 0 : i32
      %dma_start3A_279 = arith.constant 0 : i32
      %dma_start3A_280 = tpu.memref_slice %arg6[%dma_start3A, %dma_start3A_278, %dma_start3A_279] : memref<3x128x256xf32, #tpu.memory_space<vmem>> -> memref<1x128x256xf32, #tpu.memory_space<vmem>>
      %dma_start3A_281 = tpu.memref_squeeze %dma_start3A_280 : memref<1x128x256xf32, #tpu.memory_space<vmem>> -> memref<128x256xf32, #tpu.memory_space<vmem>>
      %dma_start3A_282 = arith.constant 0 : i32
      %dma_start3A_283 = arith.constant 0 : i32
      %dma_start3A_284 = tpu.memref_slice %dma_start3A_281[%dma_start3A_282, %dma_start3A_283] : memref<128x256xf32, #tpu.memory_space<vmem>> -> memref<64x256xf32, #tpu.memory_space<vmem>>
      %dma_start3A_285 = arith.constant 0 : i32
      %dma_start3A_286 = tpu.memref_slice %arg4[%add3A_195, %dma_start3A_285] : memref<40000x256xf32, #tpu.memory_space<hbm>> -> memref<64x256xf32, #tpu.memory_space<hbm>>
      %dma_start3A_287 = arith.constant 0 : i32
      %dma_start3A_288 = tpu.memref_slice %arg4[%add3A_195, %dma_start3A_287] : memref<40000x256xf32, #tpu.memory_space<hbm>> -> memref<64x256xf32, #tpu.memory_space<hbm>>
      %dma_start3A_289 = arith.constant 0 : i32
      %dma_start3A_290 = arith.constant 0 : i32
      %dma_start3A_291 = tpu.memref_slice %arg6[%dma_start3A, %dma_start3A_289, %dma_start3A_290] : memref<3x128x256xf32, #tpu.memory_space<vmem>> -> memref<1x128x256xf32, #tpu.memory_space<vmem>>
      %dma_start3A_292 = tpu.memref_squeeze %dma_start3A_291 : memref<1x128x256xf32, #tpu.memory_space<vmem>> -> memref<128x256xf32, #tpu.memory_space<vmem>>
      %dma_start3A_293 = arith.constant 0 : i32
      %dma_start3A_294 = arith.constant 0 : i32
      %dma_start3A_295 = tpu.memref_slice %dma_start3A_292[%dma_start3A_293, %dma_start3A_294] : memref<128x256xf32, #tpu.memory_space<vmem>> -> memref<64x256xf32, #tpu.memory_space<vmem>>
      tpu.enqueue_dma source(%dma_start3A_295 : memref<64x256xf32, #tpu.memory_space<vmem>>) target(%dma_start3A_288 : memref<64x256xf32, #tpu.memory_space<hbm>>) target_semaphore(%arg10 : memref<!tpu.dma_semaphore, #tpu.memory_space<semaphore_mem>>)
      %dma_wait3A = arith.constant 0 : i32
      %dma_wait3A_296 = arith.constant 0 : i32
      %dma_wait3A_297 = arith.constant 0 : i32
      %dma_wait3A_298 = tpu.memref_slice %arg6[%dma_wait3A, %dma_wait3A_296, %dma_wait3A_297] : memref<3x128x256xf32, #tpu.memory_space<vmem>> -> memref<1x128x256xf32, #tpu.memory_space<vmem>>
      %dma_wait3A_299 = tpu.memref_squeeze %dma_wait3A_298 : memref<1x128x256xf32, #tpu.memory_space<vmem>> -> memref<128x256xf32, #tpu.memory_space<vmem>>
      %dma_wait3A_300 = arith.constant 0 : i32
      %dma_wait3A_301 = arith.constant 0 : i32
      %dma_wait3A_302 = tpu.memref_slice %dma_wait3A_299[%dma_wait3A_300, %dma_wait3A_301] : memref<128x256xf32, #tpu.memory_space<vmem>> -> memref<64x256xf32, #tpu.memory_space<vmem>>
      %dma_wait3A_303 = arith.constant 0 : i32
      %dma_wait3A_304 = tpu.memref_slice %arg4[%add3A_195, %dma_wait3A_303] : memref<40000x256xf32, #tpu.memory_space<hbm>> -> memref<64x256xf32, #tpu.memory_space<hbm>>
      %dma_wait3A_305 = arith.constant 0 : i32
      %dma_wait3A_306 = tpu.memref_slice %arg4[%add3A_195, %dma_wait3A_305] : memref<40000x256xf32, #tpu.memory_space<hbm>> -> memref<64x256xf32, #tpu.memory_space<hbm>>
      %dma_wait3A_307 = arith.constant 0 : i32
      %dma_wait3A_308 = arith.constant 0 : i32
      %dma_wait3A_309 = tpu.memref_slice %arg6[%dma_wait3A, %dma_wait3A_307, %dma_wait3A_308] : memref<3x128x256xf32, #tpu.memory_space<vmem>> -> memref<1x128x256xf32, #tpu.memory_space<vmem>>
      %dma_wait3A_310 = tpu.memref_squeeze %dma_wait3A_309 : memref<1x128x256xf32, #tpu.memory_space<vmem>> -> memref<128x256xf32, #tpu.memory_space<vmem>>
      %dma_wait3A_311 = arith.constant 0 : i32
      %dma_wait3A_312 = arith.constant 0 : i32
      %dma_wait3A_313 = tpu.memref_slice %dma_wait3A_310[%dma_wait3A_311, %dma_wait3A_312] : memref<128x256xf32, #tpu.memory_space<vmem>> -> memref<64x256xf32, #tpu.memory_space<vmem>>
      tpu.wait_dma2 semaphore(%arg10 : memref<!tpu.dma_semaphore, #tpu.memory_space<semaphore_mem>>) src(%dma_wait3A_313 : memref<64x256xf32, #tpu.memory_space<vmem>>) dst(%dma_wait3A_306 : memref<64x256xf32, #tpu.memory_space<hbm>>)
    } else {
    }
    %add3A_208 = arith.constant 1152 : i32
    %add3A_209 = arith.addi %mul3A_2, %add3A_208 : i32
    %lt3A_210 = arith.constant 40000 : i32
    %lt3A_211 = arith.cmpi slt, %add3A_209, %lt3A_210 : i32
    %convert_element_type3A_212 = arith.extui %lt3A_211 : i1 to i32
    %cond3A_213 = arith.constant 0 : i32
    %cond3A_214 = arith.cmpi ne, %convert_element_type3A_212, %cond3A_213 : i32
    scf.if %cond3A_214 {
      %dma_start3A = arith.constant 0 : i32
      %dma_start3A_278 = arith.constant 0 : i32
      %dma_start3A_279 = arith.constant 0 : i32
      %dma_start3A_280 = tpu.memref_slice %arg6[%dma_start3A, %dma_start3A_278, %dma_start3A_279] : memref<3x128x256xf32, #tpu.memory_space<vmem>> -> memref<1x128x256xf32, #tpu.memory_space<vmem>>
      %dma_start3A_281 = tpu.memref_squeeze %dma_start3A_280 : memref<1x128x256xf32, #tpu.memory_space<vmem>> -> memref<128x256xf32, #tpu.memory_space<vmem>>
      %dma_start3A_282 = arith.constant 1152 : i32
      %dma_start3A_283 = tpu.memref_slice %arg5[%dma_start3A_282] : memref<1280xi32, #tpu.memory_space<vmem>> -> memref<128xi32, #tpu.memory_space<vmem>>
      %dma_start3A_284 = arith.constant 0 : i32
      %dma_start3A_285 = arith.constant 0 : i32
      %dma_start3A_286 = tpu.memref_slice %arg2[%dma_start3A_284, %dma_start3A_285] : memref<53248x256xf32, #tpu.memory_space<hbm>> -> memref<53248x256xf32, #tpu.memory_space<hbm>>
      tpu.enqueue_indirect_dma source(%dma_start3A_286 : memref<53248x256xf32, #tpu.memory_space<hbm>>) target(%dma_start3A_281 : memref<128x256xf32, #tpu.memory_space<vmem>>) offsets(%dma_start3A_283 : memref<128xi32, #tpu.memory_space<vmem>>) semaphore(%arg7 : memref<!tpu.dma_semaphore, #tpu.memory_space<semaphore_mem>>)
    } else {
    }
    %add3A_215 = arith.constant 896 : i32
    %add3A_216 = arith.addi %mul3A_2, %add3A_215 : i32
    %lt3A_217 = arith.constant 40000 : i32
    %lt3A_218 = arith.cmpi slt, %add3A_216, %lt3A_217 : i32
    %convert_element_type3A_219 = arith.extui %lt3A_218 : i1 to i32
    %cond3A_220 = arith.constant 0 : i32
    %cond3A_221 = arith.cmpi ne, %convert_element_type3A_219, %cond3A_220 : i32
    scf.if %cond3A_221 {
      %dma_wait3A = arith.constant 1 : i32
      %dma_wait3A_278 = arith.constant 0 : i32
      %dma_wait3A_279 = arith.constant 0 : i32
      %dma_wait3A_280 = tpu.memref_slice %arg6[%dma_wait3A, %dma_wait3A_278, %dma_wait3A_279] : memref<3x128x256xf32, #tpu.memory_space<vmem>> -> memref<1x128x256xf32, #tpu.memory_space<vmem>>
      %dma_wait3A_281 = tpu.memref_squeeze %dma_wait3A_280 : memref<1x128x256xf32, #tpu.memory_space<vmem>> -> memref<128x256xf32, #tpu.memory_space<vmem>>
      %dma_wait3A_282 = arith.constant 896 : i32
      %dma_wait3A_283 = tpu.memref_slice %arg5[%dma_wait3A_282] : memref<1280xi32, #tpu.memory_space<vmem>> -> memref<128xi32, #tpu.memory_space<vmem>>
      %dma_wait3A_284 = arith.constant 0 : i32
      %dma_wait3A_285 = arith.constant 0 : i32
      %dma_wait3A_286 = tpu.memref_slice %arg2[%dma_wait3A_284, %dma_wait3A_285] : memref<53248x256xf32, #tpu.memory_space<hbm>> -> memref<53248x256xf32, #tpu.memory_space<hbm>>
      tpu.wait_indirect_dma semaphore(%arg8 : memref<!tpu.dma_semaphore, #tpu.memory_space<semaphore_mem>>) src(%dma_wait3A_286 : memref<53248x256xf32, #tpu.memory_space<hbm>>) dst(%dma_wait3A_281 : memref<128x256xf32, #tpu.memory_space<vmem>>)
    } else {
    }
    %add3A_222 = arith.constant 896 : i32
    %add3A_223 = arith.addi %mul3A_2, %add3A_222 : i32
    %add3A_224 = arith.constant 128 : i32
    %add3A_225 = arith.addi %add3A_223, %add3A_224 : i32
    %le3A_226 = arith.constant 40000 : i32
    %le3A_227 = arith.cmpi sle, %add3A_225, %le3A_226 : i32
    %convert_element_type3A_228 = arith.extui %le3A_227 : i1 to i32
    %cond3A_229 = arith.constant 0 : i32
    %cond3A_230 = arith.cmpi ne, %convert_element_type3A_228, %cond3A_229 : i32
    scf.if %cond3A_230 {
      %dma_start3A = arith.constant 1 : i32
      %dma_start3A_278 = arith.constant 0 : i32
      %dma_start3A_279 = arith.constant 0 : i32
      %dma_start3A_280 = tpu.memref_slice %arg6[%dma_start3A, %dma_start3A_278, %dma_start3A_279] : memref<3x128x256xf32, #tpu.memory_space<vmem>> -> memref<1x128x256xf32, #tpu.memory_space<vmem>>
      %dma_start3A_281 = tpu.memref_squeeze %dma_start3A_280 : memref<1x128x256xf32, #tpu.memory_space<vmem>> -> memref<128x256xf32, #tpu.memory_space<vmem>>
      %dma_start3A_282 = arith.constant 0 : i32
      %dma_start3A_283 = tpu.memref_slice %arg4[%add3A_223, %dma_start3A_282] : memref<40000x256xf32, #tpu.memory_space<hbm>> -> memref<128x256xf32, #tpu.memory_space<hbm>>
      %dma_start3A_284 = arith.constant 0 : i32
      %dma_start3A_285 = tpu.memref_slice %arg4[%add3A_223, %dma_start3A_284] : memref<40000x256xf32, #tpu.memory_space<hbm>> -> memref<128x256xf32, #tpu.memory_space<hbm>>
      %dma_start3A_286 = arith.constant 0 : i32
      %dma_start3A_287 = arith.constant 0 : i32
      %dma_start3A_288 = tpu.memref_slice %arg6[%dma_start3A, %dma_start3A_286, %dma_start3A_287] : memref<3x128x256xf32, #tpu.memory_space<vmem>> -> memref<1x128x256xf32, #tpu.memory_space<vmem>>
      %dma_start3A_289 = tpu.memref_squeeze %dma_start3A_288 : memref<1x128x256xf32, #tpu.memory_space<vmem>> -> memref<128x256xf32, #tpu.memory_space<vmem>>
      tpu.enqueue_dma source(%dma_start3A_289 : memref<128x256xf32, #tpu.memory_space<vmem>>) target(%dma_start3A_285 : memref<128x256xf32, #tpu.memory_space<hbm>>) target_semaphore(%arg10 : memref<!tpu.dma_semaphore, #tpu.memory_space<semaphore_mem>>)
      %dma_wait3A = arith.constant 1 : i32
      %dma_wait3A_290 = arith.constant 0 : i32
      %dma_wait3A_291 = arith.constant 0 : i32
      %dma_wait3A_292 = tpu.memref_slice %arg6[%dma_wait3A, %dma_wait3A_290, %dma_wait3A_291] : memref<3x128x256xf32, #tpu.memory_space<vmem>> -> memref<1x128x256xf32, #tpu.memory_space<vmem>>
      %dma_wait3A_293 = tpu.memref_squeeze %dma_wait3A_292 : memref<1x128x256xf32, #tpu.memory_space<vmem>> -> memref<128x256xf32, #tpu.memory_space<vmem>>
      %dma_wait3A_294 = arith.constant 0 : i32
      %dma_wait3A_295 = tpu.memref_slice %arg4[%add3A_223, %dma_wait3A_294] : memref<40000x256xf32, #tpu.memory_space<hbm>> -> memref<128x256xf32, #tpu.memory_space<hbm>>
      %dma_wait3A_296 = arith.constant 0 : i32
      %dma_wait3A_297 = tpu.memref_slice %arg4[%add3A_223, %dma_wait3A_296] : memref<40000x256xf32, #tpu.memory_space<hbm>> -> memref<128x256xf32, #tpu.memory_space<hbm>>
      %dma_wait3A_298 = arith.constant 0 : i32
      %dma_wait3A_299 = arith.constant 0 : i32
      %dma_wait3A_300 = tpu.memref_slice %arg6[%dma_wait3A, %dma_wait3A_298, %dma_wait3A_299] : memref<3x128x256xf32, #tpu.memory_space<vmem>> -> memref<1x128x256xf32, #tpu.memory_space<vmem>>
      %dma_wait3A_301 = tpu.memref_squeeze %dma_wait3A_300 : memref<1x128x256xf32, #tpu.memory_space<vmem>> -> memref<128x256xf32, #tpu.memory_space<vmem>>
      tpu.wait_dma2 semaphore(%arg10 : memref<!tpu.dma_semaphore, #tpu.memory_space<semaphore_mem>>) src(%dma_wait3A_301 : memref<128x256xf32, #tpu.memory_space<vmem>>) dst(%dma_wait3A_297 : memref<128x256xf32, #tpu.memory_space<hbm>>)
    } else {
    }
    %eq3A_231 = arith.constant 39936 : i32
    %eq3A_232 = arith.cmpi eq, %add3A_223, %eq3A_231 : i32
    %convert_element_type3A_233 = arith.extui %eq3A_232 : i1 to i32
    %cond3A_234 = arith.constant 0 : i32
    %cond3A_235 = arith.cmpi ne, %convert_element_type3A_233, %cond3A_234 : i32
    scf.if %cond3A_235 {
      %dma_start3A = arith.constant 1 : i32
      %dma_start3A_278 = arith.constant 0 : i32
      %dma_start3A_279 = arith.constant 0 : i32
      %dma_start3A_280 = tpu.memref_slice %arg6[%dma_start3A, %dma_start3A_278, %dma_start3A_279] : memref<3x128x256xf32, #tpu.memory_space<vmem>> -> memref<1x128x256xf32, #tpu.memory_space<vmem>>
      %dma_start3A_281 = tpu.memref_squeeze %dma_start3A_280 : memref<1x128x256xf32, #tpu.memory_space<vmem>> -> memref<128x256xf32, #tpu.memory_space<vmem>>
      %dma_start3A_282 = arith.constant 0 : i32
      %dma_start3A_283 = arith.constant 0 : i32
      %dma_start3A_284 = tpu.memref_slice %dma_start3A_281[%dma_start3A_282, %dma_start3A_283] : memref<128x256xf32, #tpu.memory_space<vmem>> -> memref<64x256xf32, #tpu.memory_space<vmem>>
      %dma_start3A_285 = arith.constant 0 : i32
      %dma_start3A_286 = tpu.memref_slice %arg4[%add3A_223, %dma_start3A_285] : memref<40000x256xf32, #tpu.memory_space<hbm>> -> memref<64x256xf32, #tpu.memory_space<hbm>>
      %dma_start3A_287 = arith.constant 0 : i32
      %dma_start3A_288 = tpu.memref_slice %arg4[%add3A_223, %dma_start3A_287] : memref<40000x256xf32, #tpu.memory_space<hbm>> -> memref<64x256xf32, #tpu.memory_space<hbm>>
      %dma_start3A_289 = arith.constant 0 : i32
      %dma_start3A_290 = arith.constant 0 : i32
      %dma_start3A_291 = tpu.memref_slice %arg6[%dma_start3A, %dma_start3A_289, %dma_start3A_290] : memref<3x128x256xf32, #tpu.memory_space<vmem>> -> memref<1x128x256xf32, #tpu.memory_space<vmem>>
      %dma_start3A_292 = tpu.memref_squeeze %dma_start3A_291 : memref<1x128x256xf32, #tpu.memory_space<vmem>> -> memref<128x256xf32, #tpu.memory_space<vmem>>
      %dma_start3A_293 = arith.constant 0 : i32
      %dma_start3A_294 = arith.constant 0 : i32
      %dma_start3A_295 = tpu.memref_slice %dma_start3A_292[%dma_start3A_293, %dma_start3A_294] : memref<128x256xf32, #tpu.memory_space<vmem>> -> memref<64x256xf32, #tpu.memory_space<vmem>>
      tpu.enqueue_dma source(%dma_start3A_295 : memref<64x256xf32, #tpu.memory_space<vmem>>) target(%dma_start3A_288 : memref<64x256xf32, #tpu.memory_space<hbm>>) target_semaphore(%arg10 : memref<!tpu.dma_semaphore, #tpu.memory_space<semaphore_mem>>)
      %dma_wait3A = arith.constant 1 : i32
      %dma_wait3A_296 = arith.constant 0 : i32
      %dma_wait3A_297 = arith.constant 0 : i32
      %dma_wait3A_298 = tpu.memref_slice %arg6[%dma_wait3A, %dma_wait3A_296, %dma_wait3A_297] : memref<3x128x256xf32, #tpu.memory_space<vmem>> -> memref<1x128x256xf32, #tpu.memory_space<vmem>>
      %dma_wait3A_299 = tpu.memref_squeeze %dma_wait3A_298 : memref<1x128x256xf32, #tpu.memory_space<vmem>> -> memref<128x256xf32, #tpu.memory_space<vmem>>
      %dma_wait3A_300 = arith.constant 0 : i32
      %dma_wait3A_301 = arith.constant 0 : i32
      %dma_wait3A_302 = tpu.memref_slice %dma_wait3A_299[%dma_wait3A_300, %dma_wait3A_301] : memref<128x256xf32, #tpu.memory_space<vmem>> -> memref<64x256xf32, #tpu.memory_space<vmem>>
      %dma_wait3A_303 = arith.constant 0 : i32
      %dma_wait3A_304 = tpu.memref_slice %arg4[%add3A_223, %dma_wait3A_303] : memref<40000x256xf32, #tpu.memory_space<hbm>> -> memref<64x256xf32, #tpu.memory_space<hbm>>
      %dma_wait3A_305 = arith.constant 0 : i32
      %dma_wait3A_306 = tpu.memref_slice %arg4[%add3A_223, %dma_wait3A_305] : memref<40000x256xf32, #tpu.memory_space<hbm>> -> memref<64x256xf32, #tpu.memory_space<hbm>>
      %dma_wait3A_307 = arith.constant 0 : i32
      %dma_wait3A_308 = arith.constant 0 : i32
      %dma_wait3A_309 = tpu.memref_slice %arg6[%dma_wait3A, %dma_wait3A_307, %dma_wait3A_308] : memref<3x128x256xf32, #tpu.memory_space<vmem>> -> memref<1x128x256xf32, #tpu.memory_space<vmem>>
      %dma_wait3A_310 = tpu.memref_squeeze %dma_wait3A_309 : memref<1x128x256xf32, #tpu.memory_space<vmem>> -> memref<128x256xf32, #tpu.memory_space<vmem>>
      %dma_wait3A_311 = arith.constant 0 : i32
      %dma_wait3A_312 = arith.constant 0 : i32
      %dma_wait3A_313 = tpu.memref_slice %dma_wait3A_310[%dma_wait3A_311, %dma_wait3A_312] : memref<128x256xf32, #tpu.memory_space<vmem>> -> memref<64x256xf32, #tpu.memory_space<vmem>>
      tpu.wait_dma2 semaphore(%arg10 : memref<!tpu.dma_semaphore, #tpu.memory_space<semaphore_mem>>) src(%dma_wait3A_313 : memref<64x256xf32, #tpu.memory_space<vmem>>) dst(%dma_wait3A_306 : memref<64x256xf32, #tpu.memory_space<hbm>>)
    } else {
    }
    %add3A_236 = arith.constant 1024 : i32
    %add3A_237 = arith.addi %mul3A_2, %add3A_236 : i32
    %lt3A_238 = arith.constant 40000 : i32
    %lt3A_239 = arith.cmpi slt, %add3A_237, %lt3A_238 : i32
    %convert_element_type3A_240 = arith.extui %lt3A_239 : i1 to i32
    %cond3A_241 = arith.constant 0 : i32
    %cond3A_242 = arith.cmpi ne, %convert_element_type3A_240, %cond3A_241 : i32
    scf.if %cond3A_242 {
      %dma_wait3A = arith.constant 2 : i32
      %dma_wait3A_278 = arith.constant 0 : i32
      %dma_wait3A_279 = arith.constant 0 : i32
      %dma_wait3A_280 = tpu.memref_slice %arg6[%dma_wait3A, %dma_wait3A_278, %dma_wait3A_279] : memref<3x128x256xf32, #tpu.memory_space<vmem>> -> memref<1x128x256xf32, #tpu.memory_space<vmem>>
      %dma_wait3A_281 = tpu.memref_squeeze %dma_wait3A_280 : memref<1x128x256xf32, #tpu.memory_space<vmem>> -> memref<128x256xf32, #tpu.memory_space<vmem>>
      %dma_wait3A_282 = arith.constant 1024 : i32
      %dma_wait3A_283 = tpu.memref_slice %arg5[%dma_wait3A_282] : memref<1280xi32, #tpu.memory_space<vmem>> -> memref<128xi32, #tpu.memory_space<vmem>>
      %dma_wait3A_284 = arith.constant 0 : i32
      %dma_wait3A_285 = arith.constant 0 : i32
      %dma_wait3A_286 = tpu.memref_slice %arg2[%dma_wait3A_284, %dma_wait3A_285] : memref<53248x256xf32, #tpu.memory_space<hbm>> -> memref<53248x256xf32, #tpu.memory_space<hbm>>
      tpu.wait_indirect_dma semaphore(%arg9 : memref<!tpu.dma_semaphore, #tpu.memory_space<semaphore_mem>>) src(%dma_wait3A_286 : memref<53248x256xf32, #tpu.memory_space<hbm>>) dst(%dma_wait3A_281 : memref<128x256xf32, #tpu.memory_space<vmem>>)
    } else {
    }
    %add3A_243 = arith.constant 1024 : i32
    %add3A_244 = arith.addi %mul3A_2, %add3A_243 : i32
    %add3A_245 = arith.constant 128 : i32
    %add3A_246 = arith.addi %add3A_244, %add3A_245 : i32
    %le3A_247 = arith.constant 40000 : i32
    %le3A_248 = arith.cmpi sle, %add3A_246, %le3A_247 : i32
    %convert_element_type3A_249 = arith.extui %le3A_248 : i1 to i32
    %cond3A_250 = arith.constant 0 : i32
    %cond3A_251 = arith.cmpi ne, %convert_element_type3A_249, %cond3A_250 : i32
    scf.if %cond3A_251 {
      %dma_start3A = arith.constant 2 : i32
      %dma_start3A_278 = arith.constant 0 : i32
      %dma_start3A_279 = arith.constant 0 : i32
      %dma_start3A_280 = tpu.memref_slice %arg6[%dma_start3A, %dma_start3A_278, %dma_start3A_279] : memref<3x128x256xf32, #tpu.memory_space<vmem>> -> memref<1x128x256xf32, #tpu.memory_space<vmem>>
      %dma_start3A_281 = tpu.memref_squeeze %dma_start3A_280 : memref<1x128x256xf32, #tpu.memory_space<vmem>> -> memref<128x256xf32, #tpu.memory_space<vmem>>
      %dma_start3A_282 = arith.constant 0 : i32
      %dma_start3A_283 = tpu.memref_slice %arg4[%add3A_244, %dma_start3A_282] : memref<40000x256xf32, #tpu.memory_space<hbm>> -> memref<128x256xf32, #tpu.memory_space<hbm>>
      %dma_start3A_284 = arith.constant 0 : i32
      %dma_start3A_285 = tpu.memref_slice %arg4[%add3A_244, %dma_start3A_284] : memref<40000x256xf32, #tpu.memory_space<hbm>> -> memref<128x256xf32, #tpu.memory_space<hbm>>
      %dma_start3A_286 = arith.constant 0 : i32
      %dma_start3A_287 = arith.constant 0 : i32
      %dma_start3A_288 = tpu.memref_slice %arg6[%dma_start3A, %dma_start3A_286, %dma_start3A_287] : memref<3x128x256xf32, #tpu.memory_space<vmem>> -> memref<1x128x256xf32, #tpu.memory_space<vmem>>
      %dma_start3A_289 = tpu.memref_squeeze %dma_start3A_288 : memref<1x128x256xf32, #tpu.memory_space<vmem>> -> memref<128x256xf32, #tpu.memory_space<vmem>>
      tpu.enqueue_dma source(%dma_start3A_289 : memref<128x256xf32, #tpu.memory_space<vmem>>) target(%dma_start3A_285 : memref<128x256xf32, #tpu.memory_space<hbm>>) target_semaphore(%arg10 : memref<!tpu.dma_semaphore, #tpu.memory_space<semaphore_mem>>)
      %dma_wait3A = arith.constant 2 : i32
      %dma_wait3A_290 = arith.constant 0 : i32
      %dma_wait3A_291 = arith.constant 0 : i32
      %dma_wait3A_292 = tpu.memref_slice %arg6[%dma_wait3A, %dma_wait3A_290, %dma_wait3A_291] : memref<3x128x256xf32, #tpu.memory_space<vmem>> -> memref<1x128x256xf32, #tpu.memory_space<vmem>>
      %dma_wait3A_293 = tpu.memref_squeeze %dma_wait3A_292 : memref<1x128x256xf32, #tpu.memory_space<vmem>> -> memref<128x256xf32, #tpu.memory_space<vmem>>
      %dma_wait3A_294 = arith.constant 0 : i32
      %dma_wait3A_295 = tpu.memref_slice %arg4[%add3A_244, %dma_wait3A_294] : memref<40000x256xf32, #tpu.memory_space<hbm>> -> memref<128x256xf32, #tpu.memory_space<hbm>>
      %dma_wait3A_296 = arith.constant 0 : i32
      %dma_wait3A_297 = tpu.memref_slice %arg4[%add3A_244, %dma_wait3A_296] : memref<40000x256xf32, #tpu.memory_space<hbm>> -> memref<128x256xf32, #tpu.memory_space<hbm>>
      %dma_wait3A_298 = arith.constant 0 : i32
      %dma_wait3A_299 = arith.constant 0 : i32
      %dma_wait3A_300 = tpu.memref_slice %arg6[%dma_wait3A, %dma_wait3A_298, %dma_wait3A_299] : memref<3x128x256xf32, #tpu.memory_space<vmem>> -> memref<1x128x256xf32, #tpu.memory_space<vmem>>
      %dma_wait3A_301 = tpu.memref_squeeze %dma_wait3A_300 : memref<1x128x256xf32, #tpu.memory_space<vmem>> -> memref<128x256xf32, #tpu.memory_space<vmem>>
      tpu.wait_dma2 semaphore(%arg10 : memref<!tpu.dma_semaphore, #tpu.memory_space<semaphore_mem>>) src(%dma_wait3A_301 : memref<128x256xf32, #tpu.memory_space<vmem>>) dst(%dma_wait3A_297 : memref<128x256xf32, #tpu.memory_space<hbm>>)
    } else {
    }
    %eq3A_252 = arith.constant 39936 : i32
    %eq3A_253 = arith.cmpi eq, %add3A_244, %eq3A_252 : i32
    %convert_element_type3A_254 = arith.extui %eq3A_253 : i1 to i32
    %cond3A_255 = arith.constant 0 : i32
    %cond3A_256 = arith.cmpi ne, %convert_element_type3A_254, %cond3A_255 : i32
    scf.if %cond3A_256 {
      %dma_start3A = arith.constant 2 : i32
      %dma_start3A_278 = arith.constant 0 : i32
      %dma_start3A_279 = arith.constant 0 : i32
      %dma_start3A_280 = tpu.memref_slice %arg6[%dma_start3A, %dma_start3A_278, %dma_start3A_279] : memref<3x128x256xf32, #tpu.memory_space<vmem>> -> memref<1x128x256xf32, #tpu.memory_space<vmem>>
      %dma_start3A_281 = tpu.memref_squeeze %dma_start3A_280 : memref<1x128x256xf32, #tpu.memory_space<vmem>> -> memref<128x256xf32, #tpu.memory_space<vmem>>
      %dma_start3A_282 = arith.constant 0 : i32
      %dma_start3A_283 = arith.constant 0 : i32
      %dma_start3A_284 = tpu.memref_slice %dma_start3A_281[%dma_start3A_282, %dma_start3A_283] : memref<128x256xf32, #tpu.memory_space<vmem>> -> memref<64x256xf32, #tpu.memory_space<vmem>>
      %dma_start3A_285 = arith.constant 0 : i32
      %dma_start3A_286 = tpu.memref_slice %arg4[%add3A_244, %dma_start3A_285] : memref<40000x256xf32, #tpu.memory_space<hbm>> -> memref<64x256xf32, #tpu.memory_space<hbm>>
      %dma_start3A_287 = arith.constant 0 : i32
      %dma_start3A_288 = tpu.memref_slice %arg4[%add3A_244, %dma_start3A_287] : memref<40000x256xf32, #tpu.memory_space<hbm>> -> memref<64x256xf32, #tpu.memory_space<hbm>>
      %dma_start3A_289 = arith.constant 0 : i32
      %dma_start3A_290 = arith.constant 0 : i32
      %dma_start3A_291 = tpu.memref_slice %arg6[%dma_start3A, %dma_start3A_289, %dma_start3A_290] : memref<3x128x256xf32, #tpu.memory_space<vmem>> -> memref<1x128x256xf32, #tpu.memory_space<vmem>>
      %dma_start3A_292 = tpu.memref_squeeze %dma_start3A_291 : memref<1x128x256xf32, #tpu.memory_space<vmem>> -> memref<128x256xf32, #tpu.memory_space<vmem>>
      %dma_start3A_293 = arith.constant 0 : i32
      %dma_start3A_294 = arith.constant 0 : i32
      %dma_start3A_295 = tpu.memref_slice %dma_start3A_292[%dma_start3A_293, %dma_start3A_294] : memref<128x256xf32, #tpu.memory_space<vmem>> -> memref<64x256xf32, #tpu.memory_space<vmem>>
      tpu.enqueue_dma source(%dma_start3A_295 : memref<64x256xf32, #tpu.memory_space<vmem>>) target(%dma_start3A_288 : memref<64x256xf32, #tpu.memory_space<hbm>>) target_semaphore(%arg10 : memref<!tpu.dma_semaphore, #tpu.memory_space<semaphore_mem>>)
      %dma_wait3A = arith.constant 2 : i32
      %dma_wait3A_296 = arith.constant 0 : i32
      %dma_wait3A_297 = arith.constant 0 : i32
      %dma_wait3A_298 = tpu.memref_slice %arg6[%dma_wait3A, %dma_wait3A_296, %dma_wait3A_297] : memref<3x128x256xf32, #tpu.memory_space<vmem>> -> memref<1x128x256xf32, #tpu.memory_space<vmem>>
      %dma_wait3A_299 = tpu.memref_squeeze %dma_wait3A_298 : memref<1x128x256xf32, #tpu.memory_space<vmem>> -> memref<128x256xf32, #tpu.memory_space<vmem>>
      %dma_wait3A_300 = arith.constant 0 : i32
      %dma_wait3A_301 = arith.constant 0 : i32
      %dma_wait3A_302 = tpu.memref_slice %dma_wait3A_299[%dma_wait3A_300, %dma_wait3A_301] : memref<128x256xf32, #tpu.memory_space<vmem>> -> memref<64x256xf32, #tpu.memory_space<vmem>>
      %dma_wait3A_303 = arith.constant 0 : i32
      %dma_wait3A_304 = tpu.memref_slice %arg4[%add3A_244, %dma_wait3A_303] : memref<40000x256xf32, #tpu.memory_space<hbm>> -> memref<64x256xf32, #tpu.memory_space<hbm>>
      %dma_wait3A_305 = arith.constant 0 : i32
      %dma_wait3A_306 = tpu.memref_slice %arg4[%add3A_244, %dma_wait3A_305] : memref<40000x256xf32, #tpu.memory_space<hbm>> -> memref<64x256xf32, #tpu.memory_space<hbm>>
      %dma_wait3A_307 = arith.constant 0 : i32
      %dma_wait3A_308 = arith.constant 0 : i32
      %dma_wait3A_309 = tpu.memref_slice %arg6[%dma_wait3A, %dma_wait3A_307, %dma_wait3A_308] : memref<3x128x256xf32, #tpu.memory_space<vmem>> -> memref<1x128x256xf32, #tpu.memory_space<vmem>>
      %dma_wait3A_310 = tpu.memref_squeeze %dma_wait3A_309 : memref<1x128x256xf32, #tpu.memory_space<vmem>> -> memref<128x256xf32, #tpu.memory_space<vmem>>
      %dma_wait3A_311 = arith.constant 0 : i32
      %dma_wait3A_312 = arith.constant 0 : i32
      %dma_wait3A_313 = tpu.memref_slice %dma_wait3A_310[%dma_wait3A_311, %dma_wait3A_312] : memref<128x256xf32, #tpu.memory_space<vmem>> -> memref<64x256xf32, #tpu.memory_space<vmem>>
      tpu.wait_dma2 semaphore(%arg10 : memref<!tpu.dma_semaphore, #tpu.memory_space<semaphore_mem>>) src(%dma_wait3A_313 : memref<64x256xf32, #tpu.memory_space<vmem>>) dst(%dma_wait3A_306 : memref<64x256xf32, #tpu.memory_space<hbm>>)
    } else {
    }
    %add3A_257 = arith.constant 1152 : i32
    %add3A_258 = arith.addi %mul3A_2, %add3A_257 : i32
    %lt3A_259 = arith.constant 40000 : i32
    %lt3A_260 = arith.cmpi slt, %add3A_258, %lt3A_259 : i32
    %convert_element_type3A_261 = arith.extui %lt3A_260 : i1 to i32
    %cond3A_262 = arith.constant 0 : i32
    %cond3A_263 = arith.cmpi ne, %convert_element_type3A_261, %cond3A_262 : i32
    scf.if %cond3A_263 {
      %dma_wait3A = arith.constant 0 : i32
      %dma_wait3A_278 = arith.constant 0 : i32
      %dma_wait3A_279 = arith.constant 0 : i32
      %dma_wait3A_280 = tpu.memref_slice %arg6[%dma_wait3A, %dma_wait3A_278, %dma_wait3A_279] : memref<3x128x256xf32, #tpu.memory_space<vmem>> -> memref<1x128x256xf32, #tpu.memory_space<vmem>>
      %dma_wait3A_281 = tpu.memref_squeeze %dma_wait3A_280 : memref<1x128x256xf32, #tpu.memory_space<vmem>> -> memref<128x256xf32, #tpu.memory_space<vmem>>
      %dma_wait3A_282 = arith.constant 1152 : i32
      %dma_wait3A_283 = tpu.memref_slice %arg5[%dma_wait3A_282] : memref<1280xi32, #tpu.memory_space<vmem>> -> memref<128xi32, #tpu.memory_space<vmem>>
      %dma_wait3A_284 = arith.constant 0 : i32
      %dma_wait3A_285 = arith.constant 0 : i32
      %dma_wait3A_286 = tpu.memref_slice %arg2[%dma_wait3A_284, %dma_wait3A_285] : memref<53248x256xf32, #tpu.memory_space<hbm>> -> memref<53248x256xf32, #tpu.memory_space<hbm>>
      tpu.wait_indirect_dma semaphore(%arg7 : memref<!tpu.dma_semaphore, #tpu.memory_space<semaphore_mem>>) src(%dma_wait3A_286 : memref<53248x256xf32, #tpu.memory_space<hbm>>) dst(%dma_wait3A_281 : memref<128x256xf32, #tpu.memory_space<vmem>>)
    } else {
    }
    %add3A_264 = arith.constant 1152 : i32
    %add3A_265 = arith.addi %mul3A_2, %add3A_264 : i32
    %add3A_266 = arith.constant 128 : i32
    %add3A_267 = arith.addi %add3A_265, %add3A_266 : i32
    %le3A_268 = arith.constant 40000 : i32
    %le3A_269 = arith.cmpi sle, %add3A_267, %le3A_268 : i32
    %convert_element_type3A_270 = arith.extui %le3A_269 : i1 to i32
    %cond3A_271 = arith.constant 0 : i32
    %cond3A_272 = arith.cmpi ne, %convert_element_type3A_270, %cond3A_271 : i32
    scf.if %cond3A_272 {
      %dma_start3A = arith.constant 0 : i32
      %dma_start3A_278 = arith.constant 0 : i32
      %dma_start3A_279 = arith.constant 0 : i32
      %dma_start3A_280 = tpu.memref_slice %arg6[%dma_start3A, %dma_start3A_278, %dma_start3A_279] : memref<3x128x256xf32, #tpu.memory_space<vmem>> -> memref<1x128x256xf32, #tpu.memory_space<vmem>>
      %dma_start3A_281 = tpu.memref_squeeze %dma_start3A_280 : memref<1x128x256xf32, #tpu.memory_space<vmem>> -> memref<128x256xf32, #tpu.memory_space<vmem>>
      %dma_start3A_282 = arith.constant 0 : i32
      %dma_start3A_283 = tpu.memref_slice %arg4[%add3A_265, %dma_start3A_282] : memref<40000x256xf32, #tpu.memory_space<hbm>> -> memref<128x256xf32, #tpu.memory_space<hbm>>
      %dma_start3A_284 = arith.constant 0 : i32
      %dma_start3A_285 = tpu.memref_slice %arg4[%add3A_265, %dma_start3A_284] : memref<40000x256xf32, #tpu.memory_space<hbm>> -> memref<128x256xf32, #tpu.memory_space<hbm>>
      %dma_start3A_286 = arith.constant 0 : i32
      %dma_start3A_287 = arith.constant 0 : i32
      %dma_start3A_288 = tpu.memref_slice %arg6[%dma_start3A, %dma_start3A_286, %dma_start3A_287] : memref<3x128x256xf32, #tpu.memory_space<vmem>> -> memref<1x128x256xf32, #tpu.memory_space<vmem>>
      %dma_start3A_289 = tpu.memref_squeeze %dma_start3A_288 : memref<1x128x256xf32, #tpu.memory_space<vmem>> -> memref<128x256xf32, #tpu.memory_space<vmem>>
      tpu.enqueue_dma source(%dma_start3A_289 : memref<128x256xf32, #tpu.memory_space<vmem>>) target(%dma_start3A_285 : memref<128x256xf32, #tpu.memory_space<hbm>>) target_semaphore(%arg10 : memref<!tpu.dma_semaphore, #tpu.memory_space<semaphore_mem>>)
      %dma_wait3A = arith.constant 0 : i32
      %dma_wait3A_290 = arith.constant 0 : i32
      %dma_wait3A_291 = arith.constant 0 : i32
      %dma_wait3A_292 = tpu.memref_slice %arg6[%dma_wait3A, %dma_wait3A_290, %dma_wait3A_291] : memref<3x128x256xf32, #tpu.memory_space<vmem>> -> memref<1x128x256xf32, #tpu.memory_space<vmem>>
      %dma_wait3A_293 = tpu.memref_squeeze %dma_wait3A_292 : memref<1x128x256xf32, #tpu.memory_space<vmem>> -> memref<128x256xf32, #tpu.memory_space<vmem>>
      %dma_wait3A_294 = arith.constant 0 : i32
      %dma_wait3A_295 = tpu.memref_slice %arg4[%add3A_265, %dma_wait3A_294] : memref<40000x256xf32, #tpu.memory_space<hbm>> -> memref<128x256xf32, #tpu.memory_space<hbm>>
      %dma_wait3A_296 = arith.constant 0 : i32
      %dma_wait3A_297 = tpu.memref_slice %arg4[%add3A_265, %dma_wait3A_296] : memref<40000x256xf32, #tpu.memory_space<hbm>> -> memref<128x256xf32, #tpu.memory_space<hbm>>
      %dma_wait3A_298 = arith.constant 0 : i32
      %dma_wait3A_299 = arith.constant 0 : i32
      %dma_wait3A_300 = tpu.memref_slice %arg6[%dma_wait3A, %dma_wait3A_298, %dma_wait3A_299] : memref<3x128x256xf32, #tpu.memory_space<vmem>> -> memref<1x128x256xf32, #tpu.memory_space<vmem>>
      %dma_wait3A_301 = tpu.memref_squeeze %dma_wait3A_300 : memref<1x128x256xf32, #tpu.memory_space<vmem>> -> memref<128x256xf32, #tpu.memory_space<vmem>>
      tpu.wait_dma2 semaphore(%arg10 : memref<!tpu.dma_semaphore, #tpu.memory_space<semaphore_mem>>) src(%dma_wait3A_301 : memref<128x256xf32, #tpu.memory_space<vmem>>) dst(%dma_wait3A_297 : memref<128x256xf32, #tpu.memory_space<hbm>>)
    } else {
    }
    %eq3A_273 = arith.constant 39936 : i32
    %eq3A_274 = arith.cmpi eq, %add3A_265, %eq3A_273 : i32
    %convert_element_type3A_275 = arith.extui %eq3A_274 : i1 to i32
    %cond3A_276 = arith.constant 0 : i32
    %cond3A_277 = arith.cmpi ne, %convert_element_type3A_275, %cond3A_276 : i32
    scf.if %cond3A_277 {
      %dma_start3A = arith.constant 0 : i32
      %dma_start3A_278 = arith.constant 0 : i32
      %dma_start3A_279 = arith.constant 0 : i32
      %dma_start3A_280 = tpu.memref_slice %arg6[%dma_start3A, %dma_start3A_278, %dma_start3A_279] : memref<3x128x256xf32, #tpu.memory_space<vmem>> -> memref<1x128x256xf32, #tpu.memory_space<vmem>>
      %dma_start3A_281 = tpu.memref_squeeze %dma_start3A_280 : memref<1x128x256xf32, #tpu.memory_space<vmem>> -> memref<128x256xf32, #tpu.memory_space<vmem>>
      %dma_start3A_282 = arith.constant 0 : i32
      %dma_start3A_283 = arith.constant 0 : i32
      %dma_start3A_284 = tpu.memref_slice %dma_start3A_281[%dma_start3A_282, %dma_start3A_283] : memref<128x256xf32, #tpu.memory_space<vmem>> -> memref<64x256xf32, #tpu.memory_space<vmem>>
      %dma_start3A_285 = arith.constant 0 : i32
      %dma_start3A_286 = tpu.memref_slice %arg4[%add3A_265, %dma_start3A_285] : memref<40000x256xf32, #tpu.memory_space<hbm>> -> memref<64x256xf32, #tpu.memory_space<hbm>>
      %dma_start3A_287 = arith.constant 0 : i32
      %dma_start3A_288 = tpu.memref_slice %arg4[%add3A_265, %dma_start3A_287] : memref<40000x256xf32, #tpu.memory_space<hbm>> -> memref<64x256xf32, #tpu.memory_space<hbm>>
      %dma_start3A_289 = arith.constant 0 : i32
      %dma_start3A_290 = arith.constant 0 : i32
      %dma_start3A_291 = tpu.memref_slice %arg6[%dma_start3A, %dma_start3A_289, %dma_start3A_290] : memref<3x128x256xf32, #tpu.memory_space<vmem>> -> memref<1x128x256xf32, #tpu.memory_space<vmem>>
      %dma_start3A_292 = tpu.memref_squeeze %dma_start3A_291 : memref<1x128x256xf32, #tpu.memory_space<vmem>> -> memref<128x256xf32, #tpu.memory_space<vmem>>
      %dma_start3A_293 = arith.constant 0 : i32
      %dma_start3A_294 = arith.constant 0 : i32
      %dma_start3A_295 = tpu.memref_slice %dma_start3A_292[%dma_start3A_293, %dma_start3A_294] : memref<128x256xf32, #tpu.memory_space<vmem>> -> memref<64x256xf32, #tpu.memory_space<vmem>>
      tpu.enqueue_dma source(%dma_start3A_295 : memref<64x256xf32, #tpu.memory_space<vmem>>) target(%dma_start3A_288 : memref<64x256xf32, #tpu.memory_space<hbm>>) target_semaphore(%arg10 : memref<!tpu.dma_semaphore, #tpu.memory_space<semaphore_mem>>)
      %dma_wait3A = arith.constant 0 : i32
      %dma_wait3A_296 = arith.constant 0 : i32
      %dma_wait3A_297 = arith.constant 0 : i32
      %dma_wait3A_298 = tpu.memref_slice %arg6[%dma_wait3A, %dma_wait3A_296, %dma_wait3A_297] : memref<3x128x256xf32, #tpu.memory_space<vmem>> -> memref<1x128x256xf32, #tpu.memory_space<vmem>>
      %dma_wait3A_299 = tpu.memref_squeeze %dma_wait3A_298 : memref<1x128x256xf32, #tpu.memory_space<vmem>> -> memref<128x256xf32, #tpu.memory_space<vmem>>
      %dma_wait3A_300 = arith.constant 0 : i32
      %dma_wait3A_301 = arith.constant 0 : i32
      %dma_wait3A_302 = tpu.memref_slice %dma_wait3A_299[%dma_wait3A_300, %dma_wait3A_301] : memref<128x256xf32, #tpu.memory_space<vmem>> -> memref<64x256xf32, #tpu.memory_space<vmem>>
      %dma_wait3A_303 = arith.constant 0 : i32
      %dma_wait3A_304 = tpu.memref_slice %arg4[%add3A_265, %dma_wait3A_303] : memref<40000x256xf32, #tpu.memory_space<hbm>> -> memref<64x256xf32, #tpu.memory_space<hbm>>
      %dma_wait3A_305 = arith.constant 0 : i32
      %dma_wait3A_306 = tpu.memref_slice %arg4[%add3A_265, %dma_wait3A_305] : memref<40000x256xf32, #tpu.memory_space<hbm>> -> memref<64x256xf32, #tpu.memory_space<hbm>>
      %dma_wait3A_307 = arith.constant 0 : i32
      %dma_wait3A_308 = arith.constant 0 : i32
      %dma_wait3A_309 = tpu.memref_slice %arg6[%dma_wait3A, %dma_wait3A_307, %dma_wait3A_308] : memref<3x128x256xf32, #tpu.memory_space<vmem>> -> memref<1x128x256xf32, #tpu.memory_space<vmem>>
      %dma_wait3A_310 = tpu.memref_squeeze %dma_wait3A_309 : memref<1x128x256xf32, #tpu.memory_space<vmem>> -> memref<128x256xf32, #tpu.memory_space<vmem>>
      %dma_wait3A_311 = arith.constant 0 : i32
      %dma_wait3A_312 = arith.constant 0 : i32
      %dma_wait3A_313 = tpu.memref_slice %dma_wait3A_310[%dma_wait3A_311, %dma_wait3A_312] : memref<128x256xf32, #tpu.memory_space<vmem>> -> memref<64x256xf32, #tpu.memory_space<vmem>>
      tpu.wait_dma2 semaphore(%arg10 : memref<!tpu.dma_semaphore, #tpu.memory_space<semaphore_mem>>) src(%dma_wait3A_313 : memref<64x256xf32, #tpu.memory_space<vmem>>) dst(%dma_wait3A_306 : memref<64x256xf32, #tpu.memory_space<hbm>>)
    } else {
    }
    return
  }
}

module attributes {stable_mosaic.version = 14 : i64} {
  func.func @_tc_body(%arg0: i32, %arg1: memref<27x4096xf32, #tpu.memory_space<vmem>>, %arg2: memref<9x4096xf32, #tpu.memory_space<vmem>>, %arg3: memref<9x192xf32, #tpu.memory_space<vmem>>, %arg4: memref<27x256xf32, #tpu.memory_space<vmem>>, %arg5: memref<64x256xf32, #tpu.memory_space<vmem>>, %arg6: memref<1x256xf32, #tpu.memory_space<vmem>>, %arg7: memref<4096x256xf32, #tpu.memory_space<vmem>>) attributes {dimension_semantics = [#tpu.dimension_semantics<arbitrary>], iteration_bounds = array<i64: 13>, scalar_prefetch = 0 : i64, scratch_operands = 0 : i64, tpu.core_type = #tpu.core_type<tc>, window_params = [{transform_indices = @transform_0, window_bounds = array<i64: 27, 4096>}, {transform_indices = @transform_1, window_bounds = array<i64: 9, 4096>}, {pipeline_mode = #tpu.pipeline_mode<synchronous>, transform_indices = @transform_2, window_bounds = array<i64: 9, 192>}, {pipeline_mode = #tpu.pipeline_mode<synchronous>, transform_indices = @transform_3, window_bounds = array<i64: 27, 256>}, {pipeline_mode = #tpu.pipeline_mode<synchronous>, transform_indices = @transform_4, window_bounds = array<i64: 64, 256>}, {pipeline_mode = #tpu.pipeline_mode<synchronous>, transform_indices = @transform_5, window_bounds = array<i64: 1, 256>}, {transform_indices = @transform_6, window_bounds = array<i64: 4096, 256>}]} {
    %get3A = arith.constant 0 : index
    %get3A_0 = arith.constant 0 : index
    %get3A_1 = vector.load %arg2[%get3A, %get3A_0] : memref<9x4096xf32, #tpu.memory_space<vmem>>, vector<9x4096xf32>
    %get3A_2 = arith.constant 0 : index
    %get3A_3 = arith.constant 0 : index
    %get3A_4 = vector.load %arg3[%get3A_2, %get3A_3] : memref<9x192xf32, #tpu.memory_space<vmem>>, vector<9x192xf32>
    %dot_general3A = arith.constant dense<0.000000e+00> : vector<4096x192xf32>
    %dot_general3A_5 = tpu.matmul %get3A_1, %get3A_4, %dot_general3A {dimension_numbers = #tpu.dot_dimension_numbers<[0], [0], [1], [1], [0, 1, 1, 1], [], []>, transpose_lhs_hint = true} : vector<9x4096xf32>, vector<9x192xf32>, vector<4096x192xf32> -> vector<4096x192xf32>
    %slice3A = vector.extract_strided_slice %dot_general3A_5 {offsets = [0, 0], sizes = [4096, 64], strides = [1, 1]} : vector<4096x192xf32> to vector<4096x64xf32>
    %slice3A_6 = vector.extract_strided_slice %dot_general3A_5 {offsets = [0, 64], sizes = [4096, 64], strides = [1, 1]} : vector<4096x192xf32> to vector<4096x64xf32>
    %slice3A_7 = vector.extract_strided_slice %dot_general3A_5 {offsets = [0, 128], sizes = [4096, 64], strides = [1, 1]} : vector<4096x192xf32> to vector<4096x64xf32>
    %mul3A = arith.mulf %slice3A, %slice3A : vector<4096x64xf32>
    %mul3A_8 = arith.mulf %slice3A_6, %slice3A_6 : vector<4096x64xf32>
    %add3A = arith.addf %mul3A, %mul3A_8 : vector<4096x64xf32>
    %mul3A_9 = arith.mulf %slice3A_7, %slice3A_7 : vector<4096x64xf32>
    %add3A_10 = arith.addf %add3A, %mul3A_9 : vector<4096x64xf32>
    %add3A_11 = arith.constant 9.99999993E-9 : f32
    %add3A_12 = vector.broadcast %add3A_11 : f32 to vector<4096x64xf32>
    %add3A_13 = arith.addf %add3A_10, %add3A_12 : vector<4096x64xf32>
    %sqrt3A = math.sqrt %add3A_13 : vector<4096x64xf32>
    %get3A_14 = arith.constant 0 : index
    %get3A_15 = arith.constant 0 : index
    %get3A_16 = vector.load %arg1[%get3A_14, %get3A_15] : memref<27x4096xf32, #tpu.memory_space<vmem>>, vector<27x4096xf32>
    %get3A_17 = arith.constant 0 : index
    %get3A_18 = arith.constant 0 : index
    %get3A_19 = vector.load %arg4[%get3A_17, %get3A_18] : memref<27x256xf32, #tpu.memory_space<vmem>>, vector<27x256xf32>
    %dot_general3A_20 = arith.constant dense<0.000000e+00> : vector<4096x256xf32>
    %dot_general3A_21 = tpu.matmul %get3A_16, %get3A_19, %dot_general3A_20 {dimension_numbers = #tpu.dot_dimension_numbers<[0], [0], [1], [1], [0, 1, 1, 1], [], []>, transpose_lhs_hint = true} : vector<27x4096xf32>, vector<27x256xf32>, vector<4096x256xf32> -> vector<4096x256xf32>
    %get3A_22 = arith.constant 0 : index
    %get3A_23 = arith.constant 0 : index
    %get3A_24 = vector.load %arg5[%get3A_22, %get3A_23] : memref<64x256xf32, #tpu.memory_space<vmem>>, vector<64x256xf32>
    %dot_general3A_25 = arith.constant dense<0.000000e+00> : vector<4096x256xf32>
    %dot_general3A_26 = tpu.matmul %sqrt3A, %get3A_24, %dot_general3A_25 {dimension_numbers = #tpu.dot_dimension_numbers<[1], [0], [0], [1], [0, 0, 1, 1], [], []>, transpose_lhs_hint = false} : vector<4096x64xf32>, vector<64x256xf32>, vector<4096x256xf32> -> vector<4096x256xf32>
    %add3A_27 = arith.addf %dot_general3A_21, %dot_general3A_26 : vector<4096x256xf32>
    %get3A_28 = arith.constant 0 : index
    %get3A_29 = arith.constant 0 : index
    %get3A_30 = vector.load %arg6[%get3A_28, %get3A_29] : memref<1x256xf32, #tpu.memory_space<vmem>>, vector<1x256xf32>
    %add3A_31 = vector.broadcast %get3A_30 : vector<1x256xf32> to vector<4096x256xf32>
    %add3A_32 = arith.addf %add3A_27, %add3A_31 : vector<4096x256xf32>
    %max3A = arith.constant 0.000000e+00 : f32
    %max3A_33 = vector.broadcast %max3A : f32 to vector<4096x256xf32>
    %max3A_34 = arith.maximumf %add3A_32, %max3A_33 : vector<4096x256xf32>
    %swap3A = arith.constant 0 : index
    %swap3A_35 = arith.constant 0 : index
    %swap3A_36 = vector.load %arg7[%swap3A, %swap3A_35] : memref<4096x256xf32, #tpu.memory_space<vmem>>, vector<4096x256xf32>
    tpu.vector_store %arg7[%swap3A, %swap3A_35], %max3A_34 {strides = array<i32>} : memref<4096x256xf32, #tpu.memory_space<vmem>>, vector<4096x256xf32>,
    return
  }
  func.func @transform_0(%arg0: i32) -> (i32, i32) {
    %c0_i32 = arith.constant 0 : i32
    %c0_i32_0 = arith.constant 0 : i32
    return %c0_i32, %arg0 : i32, i32
  }
  func.func @transform_1(%arg0: i32) -> (i32, i32) {
    %c0_i32 = arith.constant 0 : i32
    %c0_i32_0 = arith.constant 0 : i32
    return %c0_i32, %arg0 : i32, i32
  }
  func.func @transform_2(%arg0: i32) -> (i32, i32) {
    %c0_i32 = arith.constant 0 : i32
    %c0_i32_0 = arith.constant 0 : i32
    %c0_i32_1 = arith.constant 0 : i32
    return %c0_i32, %c0_i32_0 : i32, i32
  }
  func.func @transform_3(%arg0: i32) -> (i32, i32) {
    %c0_i32 = arith.constant 0 : i32
    %c0_i32_0 = arith.constant 0 : i32
    %c0_i32_1 = arith.constant 0 : i32
    return %c0_i32, %c0_i32_0 : i32, i32
  }
  func.func @transform_4(%arg0: i32) -> (i32, i32) {
    %c0_i32 = arith.constant 0 : i32
    %c0_i32_0 = arith.constant 0 : i32
    %c0_i32_1 = arith.constant 0 : i32
    return %c0_i32, %c0_i32_0 : i32, i32
  }
  func.func @transform_5(%arg0: i32) -> (i32, i32) {
    %c0_i32 = arith.constant 0 : i32
    %c0_i32_0 = arith.constant 0 : i32
    %c0_i32_1 = arith.constant 0 : i32
    return %c0_i32, %c0_i32_0 : i32, i32
  }
  func.func @transform_6(%arg0: i32) -> (i32, i32) {
    %c0_i32 = arith.constant 0 : i32
    %c0_i32_0 = arith.constant 0 : i32
    return %arg0, %c0_i32 : i32, i32
  }
}

</mosaic_0001>

<sc_bundles>
// kernel: kernel.4.cloned.1.call-start
scs
__scs_entry_jumppad:
0x0: {  	(pc) =	sbr.rel $0x88, $3  }
0x1: {  	(tag) =	ssettag $0x0;
	lr =	simm.s32 $0x1  }
0x2: {  	[smem:$0x3F9B] =	sst lr;
	_ =	strace $0xD0000000  }
0x3: {  	_ = 	snop  }
0x4: {  	_ = 	snop  }
0x5: {  	_ = 	snop  }
0x6: {  	_ = 	snop  }
0x7: {  	_ = 	snop  }
__scs_overlays_trampoline_lowered:
0x8: {  	[smem:$0x3FAA] =	sst s0  }
0x9: {  	[smem:$0x3FAB] =	sst s1  }
0xa: {  	[smem:$0x3FAC] =	sst s2  }
0xb: {  	[smem:$0x3FAD] =	sst s3  }
0xc: {  	[smem:$0x3FAE] =	sst s4  }
0xd: {  	[smem:$0x3FAF] =	sst s5  }
0xe: {  	[smem:$0x3FB0] =	sst s6  }
0xf: {  	[smem:$0x3FB1] =	sst s7  }
0x10: {  	[smem:$0x3FB2] =	sst s8  }
0x11: {  	[smem:$0x3FB3] =	sst s9;
	s0 =	simm.s32 @!p0 $0x0  }
0x12: {  	s1 =	sld [smem:$0x3F99];
	s0 =	simm.s32 @p0 $0x1  }
0x13: {  	[smem:$0x3FB4] =	sst s0;
	s0 =	simm.s32 @!p1 $0x0  }
0x14: {  	s2 =	sld [smem:$0x3F98];
	s0 =	simm.s32 @p1 $0x1  }
0x15: {  	[smem:$0x3FB5] =	sst s0;
	s0 =	simm.s32 @!p2 $0x0  }
0x16: {  	s3 =	sld [smem:$0x3FDB];
	s0 =	simm.s32 @p2 $0x1  }
0x17: {  	s4 =	simm.s32 $0x1BF5;
	[smem:$0x3FB7] =	sst s0  }
0x18: {  	s0 =	sld [smem:$0x3F9A];
	_ =	swait.ge [sflag:s4], $0x0  }
0x19: {  	s7 =	sld [smem:$0x3F9B]  }
0x1a: {  	s8 =	sadd.s32 $0xFFFFE003, lr  }
0x1b: {  	s9 =	sadd.s32 $0xFFFFFEF7, lr;
	s5 =	simm.s32 $0xFFFFFFFF;
	p2 =	slt.u32 s8, $0xFFFFF086  }
0x1c: {  	p1 =	slt.u32 s9, $0xF7A;
	s5 =	simm.s32 @!p2 $0x0  }
0x1d: {  	s5 =	simm.s32 @p1 $0x1;
	p0 =	seq.s32 s7, s2  }
0x1e: {  	s7 =	smul.u32 @!p0 $0xF7A, s2;
	p2 =	seq.s32 @!p0 s5, $0x0  }
0x1f: {  	s9 =	smul.u32 $0xF7A, s1;
	s8 =	simm.s32 @!p0 $0x1BF5;
	p2 =	por !p2, p0  }
0x20: {  	[sflag:s8] =	ssyncset.s32 @!p0 $0xFFFFF086;
	s6 =	sadd.s32 @!p0 s3, s7;
	s7 =	simm.s32 @!p0 $0x108  }
0x21: {  	s3 =	sadd.s32 s3, s9;
	s6 =	sadd.s32 @!p0 $0x88, s6;
	s7 =	simm.s32 @p2 $0x1082  }
0x22: {  	[simem:s7], [sflag:s8] =	dma.local @!p0 [hbm:s6], $0xF7A  }
0x23: {  	s9 =	sor.u32 $0xD0000000, s2;
	s6 =	simm.s32 $0x108;
	_ =	swait.ge @!p0 [sflag:s8], $0x0  }
0x24: {  	s3 =	sadd.s32 $0x88, s3;
	s6 =	simm.s32 @!p1 $0x1082;
	[sflag:s4] =	ssyncset.s32 $0xFFFFF086  }
0x25: {  	[simem:s6], [sflag:s4] =	dma.local [hbm:s3], $0xF7A  }
0x26: {  	[smem:$0x3F9B] =	sst s1;
	(tag) =	ssettag s2;
	_ =	strace s9  }
0x27: {  	s1 =	sld [smem:$0x3FAB]  }
0x28: {  	s2 =	sld [smem:$0x3FAC]  }
0x29: {  	s4 =	sld [smem:$0x3FAE]  }
0x2a: {  	p0 =	seq.s32 s5, $0x0;
	s5 =	sld [smem:$0x3FAF]  }
0x2b: {  	s6 =	sld [smem:$0x3FB0]  }
0x2c: {  	s7 =	sld [smem:$0x3FB1]  }
0x2d: {  	s3 =	simm.s32 $0x108;
	s8 =	sld [smem:$0x3FB2]  }
0x2e: {  	s3 =	simm.s32 @!p0 $0x1082;
	s9 =	sld [smem:$0x3FB3]  }
0x2f: {  	lr =	sadd.s32 s0, s3;
	s0 =	sld [smem:$0x3FAA]  }
0x30: {  	s3 =	sld [smem:$0x3FAD]  }
0x31: {  	[smem:$0x3FB6] =	sst s10  }
0x32: {  	s10 =	sld [smem:$0x3FB4];
	_ =	sdelay $0x3  }
0x33: {  	p0 =	seq.s32 s10, $0x1;
	s10 =	sld [smem:$0x3FB6];
	_ =	sdelay $0x3  }
0x34: {  	[smem:$0x3FB6] =	sst s10  }
0x35: {  	s10 =	sld [smem:$0x3FB5];
	_ =	sdelay $0x3  }
0x36: {  	p1 =	seq.s32 s10, $0x1;
	s10 =	sld [smem:$0x3FB6];
	_ =	sdelay $0x3  }
0x37: {  	[smem:$0x3FB6] =	sst s10  }
0x38: {  	s10 =	sld [smem:$0x3FB7]  }
0x39: {  	_ = 	snop;
	(pc) =	sbr.ind lr, $3  }
0x3a: {  	_ = 	snop  }
0x3b: {  	_ = 	snop  }
0x3c: {  	p2 =	seq.s32 s10, $0x1;
	s10 =	sld [smem:$0x3FB6]  }
0x3d: {  	_ =	shalt  }
0x3e: {  	_ =	shalt  }
0x3f: {  	_ =	shalt  }
0x40: {  	_ =	shalt  }
0x41: {  	_ =	shalt  }
0x42: {  	_ =	shalt  }
0x43: {  	_ =	shalt  }
0x44: {  	_ =	shalt  }
0x45: {  	_ =	shalt  }
0x46: {  	_ =	shalt  }
0x47: {  	_ =	shalt  }
0x48: {  	_ =	shalt  }
0x49: {  	_ =	shalt  }
0x4a: {  	_ =	shalt  }
0x4b: {  	_ =	shalt  }
0x4c: {  	_ =	shalt  }
0x4d: {  	_ =	shalt  }
0x4e: {  	_ =	shalt  }
0x4f: {  	_ =	shalt  }
0x50: {  	_ =	shalt  }
0x51: {  	_ =	shalt  }
0x52: {  	_ =	shalt  }
0x53: {  	_ =	shalt  }
0x54: {  	_ =	shalt  }
0x55: {  	_ =	shalt  }
0x56: {  	_ =	shalt  }
0x57: {  	_ =	shalt  }
0x58: {  	_ =	shalt  }
0x59: {  	_ =	shalt  }
0x5a: {  	_ =	shalt  }
0x5b: {  	_ =	shalt  }
0x5c: {  	_ =	shalt  }
0x5d: {  	_ =	shalt  }
0x5e: {  	_ =	shalt  }
0x5f: {  	_ =	shalt  }
0x60: {  	_ =	shalt  }
0x61: {  	_ =	shalt  }
0x62: {  	_ =	shalt  }
0x63: {  	_ =	shalt  }
0x64: {  	_ =	shalt  }
0x65: {  	_ =	shalt  }
0x66: {  	_ =	shalt  }
0x67: {  	_ =	shalt  }
0x68: {  	_ =	shalt  }
0x69: {  	_ =	shalt  }
0x6a: {  	_ =	shalt  }
0x6b: {  	_ =	shalt  }
0x6c: {  	_ =	shalt  }
0x6d: {  	_ =	shalt  }
0x6e: {  	_ =	shalt  }
0x6f: {  	_ =	shalt  }
0x70: {  	_ =	shalt  }
0x71: {  	_ =	shalt  }
0x72: {  	_ =	shalt  }
0x73: {  	_ =	shalt  }
0x74: {  	_ =	shalt  }
0x75: {  	_ =	shalt  }
0x76: {  	_ =	shalt  }
0x77: {  	_ =	shalt  }
0x78: {  	_ =	shalt  }
0x79: {  	_ =	shalt  }
0x7a: {  	_ =	shalt  }
0x7b: {  	_ =	shalt  }
0x7c: {  	_ =	shalt  }
0x7d: {  	_ =	shalt  }
0x7e: {  	_ =	shalt  }
0x7f: {  	_ =	shalt  }
0x80: {  	_ =	shalt  }
0x81: {  	_ =	shalt  }
0x82: {  	_ =	shalt  }
0x83: {  	_ =	shalt  }
0x84: {  	_ =	shalt  }
0x85: {  	_ =	shalt  }
0x86: {  	_ =	shalt  }
0x87: {  	_ =	shalt  }
.Lfunc_end0:
.L_simem_size_0:
called_computation_lowered:
.L_overlay_start_0:
0x88: {  	s2 =	sld [smem:$0x3FD9]  }
0x89: {  	s3 =	sld [smem:$0x3FFE];
	_ =	sdelay $0x1  }
0x8a: {  	s1 =	srdreg.scid  }
0x8b: {  	s0 =	sand.u32 $0x1, s1  }
0x8c: {  	s17 =	sshll.u32 s0, $0xA;
	s2 =	sadd.s32 s3, s2  }
0x8d: {  	s2 =	sadd.s32 s2, s17  }
0x8e: {  	[smem:$0x3FC2] =	sst s2  }
0x8f: {  	_ = 	snop  }
0x90: {  	s2 =	sld [smem:$0x3FD0];
	(tm) =	ssettm $0x1  }
0x91: {  	s18 =	sld [smem:$0x3FFB];
	_ =	sdelay $0x3  }
0x92: {  	_ =	strace s18  }
0x93: {  	s3 =	sld [smem:$0x3FFC];
	_ =	sdelay $0x3  }
0x94: {  	_ =	strace s3  }
0x95: {  	s3 =	sld [smem:$0x3FFD];
	_ =	sdelay $0x3  }
0x96: {  	_ =	strace s3  }
0x97: {  	_ =	strace $0x8FFFFFFF  }
0x98: {  	s19 =	sld [smem:$0x3FDB];
	_ =	sdelay $0x1  }
0x99: {  	s4 =	simm.s32 $_scs_section_size  }
0x9a: {  	s5 =	simm.s32 $_size__tile_overlayer_lowered;
	s6 =	simm.s32 $_tile_overlayer_lowered  }
0x9b: {  	s22 =	simm.s32 $0x1BFF;
	s21 =	sshll.u32 s6, $0x1;
	s3 =	sadd.s32 s4, s19  }
0x9c: {  	s7 =	simm.s32 $0x0;
	s20 =	sshll.u32 s5, $0x1;
	s5 =	sadd.s32 s21, s3  }
0x9d: {  	[timem:s7], [sflag:s22] =	dma.local [hbm:s5], s20  }
0x9e: {  	_ =	swait.ge [sflag:s22], s20  }
0x9f: {  	s4 =	ssub.s32 $0x0, s20;
	[sflag:s22] =	ssyncset.done $0x0  }
0xa0: {  	[sflag:s22] =	ssyncadd.s32 s4;
	_ =	sdelay $0x1  }
0xa1: {  	s23 =	simm.s32 $0x1B8B  }
0xa2: {  	_ =	swait.ge [sflag:s23], $0x1  }
0xa3: {  	[sflag:s23] =	ssyncset.done $0x0  }
0xa4: {  	s25 =	simm.s32 $0x1B8E;
	s24 =	sld [smem:$0x3FFE];
	[sflag:s23] =	ssyncadd.s32 $0xFFFFFFFF  }
0xa5: {  	s26 =	simm.s32 $execute0_lowered;
	[smem:$0x3FD2] =	sst s25  }
0xa6: {  	s5 =	sshll.u32 s26, $0x1;
	_ =	strace $0x80000046;
	[dreg:$0x1] =	wrdreg $0xFFFFFFFF  }
0xa7: {  	s28 =	simm.s32 $_size_execute0_lowered;
	s3 =	sadd.s32 s3, s5;
	[dreg:$0x0] =	wrdreg $0x0  }
0xa8: {  	s5 =	sshll.u32 s28, $0x1;
	[dreg:$0x2] =	wrdreg s3  }
0xa9: {  	[dreg:$0x3] =	wrdreg s5  }
0xaa: {  	[dreg:$0x4] =	wrdreg $0xC0  }
0xab: {  	_ =	task [dreg:s7], $0x5FFFF  }
0xac: {  	[dreg:$0x1] =	wrdreg $0xFFFFFFFF  }
0xad: {  	[dreg:$0x0] =	wrdreg $0x60  }
0xae: {  	[dreg:$0x2] =	wrdreg s24  }
0xaf: {  	[dreg:$0x3] =	wrdreg s2  }
0xb0: {  	[dreg:$0x4] =	wrdreg $0x9  }
0xb1: {  	_ =	task.clear_ibuf [dreg:s7], $0x5FFFF;
	_ =	strace $0x90000046  }
0xb2: {  	s29 =	simm.s32 $0x9;
	_ =	strace $0x80000048  }
0xb3: {  	_ =	swait.ge [sflag:s29], $0x1  }
0xb4: {  	[sflag:s29] =	ssyncadd.s32 $0xFFFFFFFF  }
0xb5: {  	_ =	strace $0x90000048  }
0xb6: {  	_ =	sfence  }
0xb7: {  	s30 =	sld [smem:$0x0];
	_ =	sdelay $0x2  }
0xb8: {  	s31 =	sshll.u32 s1, $0xD;
	s1 =	sshrl.u32 s1, $0x2  }
0xb9: {  	s3 =	sand.u32 $0x4000, s31;
	s1 =	sadd.s32 s1, s30  }
0xba: {  	s0 =	sor.u32 s3, s0;
	s1 =	sshll.u32 s1, $0x11  }
0xbb: {  	s0 =	sor.u32 s1, s0  }
0xbc: {  	s0 =	sadd.s32 $0x8F2B, s0  }
0xbd: {  	[sflag:s0] =	ssyncadd.remote.s32 $0x1  }
0xbe: {  	_ =	sfence.sel $0xFFFF  }
0xbf: {  	[dreg:$0x0] =	wrdreg $0xFFFFFFFF;
	(pc) =	sbr.abs _section_cstart, $3  }
0xc0: {  	[dreg:$0x1] =	wrdreg $0xFFFFFFFF  }
0xc1: {  	_ =	task.clear_ibuf [dreg:s7], $0x2FFFF;
	_ =	strace $0x9FFFFFFF  }
0xc2: {  	(tm) =	ssettm $0x7FFFFFFF  }
0xc3: {  	_ =	shalt  }
tec
execute0_lowered:
.L_overlay_start_1:
0x0: {  	(tag) =	ssettag $0x1  }
0x1: {  	s0 =	rddreg [dreg:$0x0];
	s1 =	srdreg.scid  }
0x2: {  	s2 =	stileid.u32;
	s10 =	rddreg [dreg:$0x1];
	s3 =	simm.s32 $0x0  }
0x3: {  	s19 =	simm.s32 $0x500;
	s20 =	simm.s32 $0x1500;
	s28 =	simm.s32 $0x3D00  }
0x4: {  	s29 =	simm.s32 $0x4500;
	s30 =	simm.s32 $0x4D00;
	s31 =	simm.s32 $0x5500  }
0x5: {  	s12 =	simm.s32 $0x8500;
	s13 =	simm.s32 $0x9500;
	s14 =	simm.s32 $0xDD00  }
0x6: {  	s1 =	sand.u32 $0x1, s1;
	s2 =	sshll.u32 s2, $0x1;
	[smem:$0x7FF] =	sst s3  }
0x7: {  	s4 =	sadd.s32 $0x1E00, s0;
	s9 =	sadd.s32 $0x138000, s10;
	s2 =	sor.u32 s1, s2  }
0x8: {  	_ =	strace $0x80000047;
	s1 =	ssub.s32 $0x2, s1;
	s5 =	smul.u32 $0x500, s2  }
0x9: {  	[dreg:$0xe] =	wrdreg s9;
	s7 =	sshrl.u32 s1, $0x1;
	s8 =	smul.u32 $0xA000, s2  }
0xa: {  	p0 =	seq.s32 s2, $0x1F;
	s2 =	simm.s32 $0xE500;
	s1 =	ssub.s32 s1, s7  }
0xb: {  	s7 =	simm.s32 $0x8D00;
	s6 =	sshrl.u32 s5, $0x3;
	s15 =	sadd.s32 $0x100, s5  }
0xc: {  	s16 =	sadd.s32 s10, s8;
	s18 =	sadd.s32 $0x200, s5;
	s11 =	sadd.s32 $0x300, s5  }
0xd: {  	s24 =	sadd.s32 $0x400, s5;
	s0 =	sadd.s32 s6, s0;
	s17 =	sshll.u32 s15, $0x5  }
0xe: {  	s8 =	sadd.s32 $0x1000, s16;
	s21 =	sadd.s32 $0x3000, s16;
	[dreg:$0x7] =	wrdreg s11  }
0xf: {  	s22 =	sshll.u32 s18, $0x5;
	s23 =	sadd.s32 $0x5000, s16;
	[dreg:$0xa] =	wrdreg s24  }
0x10: {  	s25 =	sadd.s32 $0x7000, s16;
	[dreg:$0xd] =	wrdreg s16;
	s26 =	sadd.s32 $0x9000, s16  }
0x11: {  	s6 =	simm.s32 $0xD00;
	p1 =	sne.s32 s15, $0x9C00;
	[dreg:$0x4] =	wrdreg s8  }
0x12: {  	p2 =	sne.s32 s18, $0x9C00;
	s24 =	simm.s32 $0xC500;
	[dreg:$0x6] =	wrdreg s21  }
0x13: {  	s15 =	simm.s32 $0xED00;
	s16 =	simm.s32 $0xFD00;
	[dreg:$0x9] =	wrdreg s23  }
0x14: {  	s18 =	simm.s32 $0x10500;
	s11 =	simm.s32 $0x4;
	[dreg:$0xb] =	wrdreg s25  }
0x15: {  	s0 =	sadd.s32 $0xA00, s0;
	[dreg:$0xc] =	wrdreg s26;
	s21 =	simm.s32 $0x1D00  }
.Ltmp0:
0x16: {  	s25 =	simm.s32 $0x2D00;
	s26 =	simm.s32 $0x3500;
	(pc) =	sbr.rel .LBB2_1-.Ltmp0, $4  }
0x17: {  	s8 =	simm.s32 $0x6D00;
	s23 =	simm.s32 $0xA500;
	[dreg:$0x3] =	wrdreg s0  }
0x18: {  	v2 =	vlaneseq.u32;
	s0 =	sadd.s32 s10, s17;
	s17 =	smax.u32 s1, $0x1;
	s1 =	simm.s32 $0x5D00  }
0x19: {  	vm0 =	vmmov $0xffff;
	v1 =	vshrl.u32 v2, $0x3;
	[dreg:$0x5] =	wrdreg s0;
	s0 =	sadd.s32 s10, s22;
	s22 =	simm.s32 $0x2500  }
0x1a: {  	v0 =	vand.u32 $0x7, v2;
	v2 =	vor.u32 $0x8, v2;
	v1 =	vmul.u32 $0x8, v1;
	s10 =	simm.s32 $0xF500;
	[dreg:$0x8] =	wrdreg s0;
	s0 =	simm.s32 $0x6500  }
.LBB2_10:
0x1b: {  	p3 =	sne.s32 s7, $0x9C00  }
0x1c: {  	s5 =	simm.s32 @!p3 $0x0;
	s7 =	simm.s32 @!p3 $0x10500  }
0x1d: {  	[hbm4b:s9+s5] =	stream.linear.scatter @!p3 [tilespmem:s7], [sflag:$0x4], $0x4000, $0x38;
	[tilespmem:$0x18500] =	vst v63  }
0x1e: {  	s5 =	simm.s32 @!p3 $0x4  }
0x1f: {  	_ =	swait.ge @!p3 [sflag:s5], $0x4000  }
0x20: {  	[sflag:s5] =	ssyncset.done @!p3 $0x0  }
0x21: {  	[sflag:s5] =	ssyncadd.s32 @!p3 $0xFFFFC000;
	s5 =	simm.s32 @!p0 $0x1  }
0x22: {  	s17 =	sadd.s32 $0xFFFFFFFF, s17;
	_ =	swait.ge @!p0 [sflag:s5], $0x8000  }
0x23: {  	s7 =	simm.s32 @!p0 $0x500;
	p3 =	sne.s32 s17, $0x0;
	[sflag:s5] =	ssyncset.done @!p0 $0x0  }
0x24: {  	s13 =	rddreg [dreg:$0xc];
	[sflag:s5] =	ssyncadd.s32 @!p0 $0xFFFF8000;
	s5 =	simm.s32 @!p0 $0x0  }
0x25: {  	[hbm4b:s13+s5] =	stream.linear.scatter @!p0 [tilespmem:s7], [sflag:$0x4], $0x8000, $0x38;
	[tilespmem:$0x18500] =	vst v63  }
.Ltmp1:
0x26: {  	_ = 	snop;
	(pc) =	sbr.rel @!p3 .LBB2_11-.Ltmp1, $4  }
0x27: {  	s14 =	simm.s32 $0xDD00;
	s5 =	simm.s32 @!p0 $0x4  }
0x28: {  	s2 =	simm.s32 $0xE500;
	s15 =	simm.s32 $0xED00;
	_ =	swait.ge @!p0 [sflag:s5], $0x8000  }
0x29: {  	s10 =	simm.s32 $0xF500;
	s16 =	simm.s32 $0xFD00;
	[sflag:s5] =	ssyncset.done @!p0 $0x0  }
0x2a: {  	s7 =	simm.s32 $0x8D00;
	s13 =	simm.s32 $0x9500;
	[sflag:s5] =	ssyncadd.s32 @!p0 $0xFFFF8000  }
.LBB2_1:
0x2b: {  	s5 =	rddreg [dreg:$0x3];
	s9 =	simm.s32 $0x5  }
0x2c: {  	[tilespmem:s3], [sflag:$0x5] =	stream.linear.gather [hbm4b:s5+s3], $0x500, $0x38;
	[tilespmem:$0x18500] =	vst v63  }
0x2d: {  	_ =	swait.ge [sflag:s9], $0x500  }
0x2e: {  	[sflag:s9] =	ssyncset.done $0x0  }
0x2f: {  	[sflag:s9] =	ssyncadd.s32 $0xFFFFFB00  }
0x30: {  	v3 =	vld [tilespmem:$0x0];
	_ =	sdelay $0x4  }
0x31: {  	v4 =	vshll.u32 v3, $0x1  }
0x32: {  	v3 =	vand.u32 $0x7, v3;
	v4 =	vand.u32 $0xFFFFFFF0, v4  }
0x33: {  	v3 =	vor.u32 v3, v4  }
0x34: {  	v4 =	vperm.xlane v3, v0;
	_ =	sdelay $0x1  }
0x35: {  	v3 =	vperm.xlane v3, v2;
	v4 =	vadd.s32 v1, v4;
	_ =	sdelay $0x1  }
0x36: {  	v3 =	vadd.s32 v1, v3;
	_ =	sdelay $0x2  }
0x37: {  	[tilespmem:s19], [sflag:$0x1] =	stream.indirect_vreg.gather [hbm4b:s4+s3], $0x80, v4, vm0, $0xb8;
	[tilespmem:$0x18500] =	vst v63  }
0x38: {  	_ = 	snop  }
0x39: {  	[tilespmem:s6], [sflag:$0x1] =	stream.indirect_vreg.gather [hbm4b:s4+s3], $0x80, v3, vm0, $0xb8;
	[tilespmem:$0x18500] =	vst v63  }
0x3a: {  	v3 =	vld [tilespmem:$0x10];
	_ =	sdelay $0x4  }
0x3b: {  	v41 =	vshll.u32 v3, $0x1  }
0x3c: {  	v3 =	vand.u32 $0x7, v3;
	v4 =	vand.u32 $0xFFFFFFF0, v41  }
0x3d: {  	v3 =	vor.u32 v3, v4  }
0x3e: {  	v4 =	vperm.xlane v3, v0;
	_ =	sdelay $0x1  }
0x3f: {  	v3 =	vperm.xlane v3, v2;
	v4 =	vadd.s32 v1, v4;
	_ =	sdelay $0x1  }
0x40: {  	v3 =	vadd.s32 v1, v3;
	_ =	sdelay $0x2  }
0x41: {  	[tilespmem:s20], [sflag:$0x1] =	stream.indirect_vreg.gather [hbm4b:s4+s3], $0x80, v4, vm0, $0xb8;
	[tilespmem:$0x18500] =	vst v63  }
0x42: {  	_ = 	snop  }
0x43: {  	[tilespmem:s21], [sflag:$0x1] =	stream.indirect_vreg.gather [hbm4b:s4+s3], $0x80, v3, vm0, $0xb8;
	[tilespmem:$0x18500] =	vst v63  }
0x44: {  	v3 =	vld [tilespmem:$0x20];
	_ =	sdelay $0x4  }
0x45: {  	v42 =	vshll.u32 v3, $0x1  }
0x46: {  	v3 =	vand.u32 $0x7, v3;
	v4 =	vand.u32 $0xFFFFFFF0, v42  }
0x47: {  	v3 =	vor.u32 v3, v4  }
0x48: {  	v4 =	vperm.xlane v3, v0;
	_ =	sdelay $0x1  }
0x49: {  	v3 =	vperm.xlane v3, v2;
	v4 =	vadd.s32 v1, v4;
	_ =	sdelay $0x1  }
0x4a: {  	v3 =	vadd.s32 v1, v3;
	_ =	sdelay $0x2  }
0x4b: {  	[tilespmem:s22], [sflag:$0x1] =	stream.indirect_vreg.gather [hbm4b:s4+s3], $0x80, v4, vm0, $0xb8;
	[tilespmem:$0x18500] =	vst v63  }
0x4c: {  	_ = 	snop  }
0x4d: {  	[tilespmem:s25], [sflag:$0x1] =	stream.indirect_vreg.gather [hbm4b:s4+s3], $0x80, v3, vm0, $0xb8;
	[tilespmem:$0x18500] =	vst v63  }
0x4e: {  	v3 =	vld [tilespmem:$0x30];
	_ =	sdelay $0x4  }
0x4f: {  	v43 =	vshll.u32 v3, $0x1  }
0x50: {  	v3 =	vand.u32 $0x7, v3;
	v4 =	vand.u32 $0xFFFFFFF0, v43  }
0x51: {  	v3 =	vor.u32 v3, v4  }
0x52: {  	v4 =	vperm.xlane v3, v0;
	_ =	sdelay $0x1  }
0x53: {  	v3 =	vperm.xlane v3, v2;
	v4 =	vadd.s32 v1, v4;
	_ =	sdelay $0x1  }
0x54: {  	v3 =	vadd.s32 v1, v3;
	_ =	sdelay $0x2  }
0x55: {  	[tilespmem:s26], [sflag:$0x1] =	stream.indirect_vreg.gather [hbm4b:s4+s3], $0x80, v4, vm0, $0xb8;
	[tilespmem:$0x18500] =	vst v63  }
0x56: {  	_ = 	snop  }
0x57: {  	[tilespmem:s28], [sflag:$0x1] =	stream.indirect_vreg.gather [hbm4b:s4+s3], $0x80, v3, vm0, $0xb8;
	[tilespmem:$0x18500] =	vst v63  }
0x58: {  	v3 =	vld [tilespmem:$0x40];
	_ =	sdelay $0x4  }
0x59: {  	v44 =	vshll.u32 v3, $0x1  }
0x5a: {  	v3 =	vand.u32 $0x7, v3;
	v4 =	vand.u32 $0xFFFFFFF0, v44  }
0x5b: {  	v3 =	vor.u32 v3, v4  }
0x5c: {  	v4 =	vperm.xlane v3, v0;
	_ =	sdelay $0x1  }
0x5d: {  	v3 =	vperm.xlane v3, v2;
	v4 =	vadd.s32 v1, v4;
	_ =	sdelay $0x1  }
0x5e: {  	v3 =	vadd.s32 v1, v3;
	_ =	sdelay $0x2  }
0x5f: {  	[tilespmem:s29], [sflag:$0x1] =	stream.indirect_vreg.gather [hbm4b:s4+s3], $0x80, v4, vm0, $0xb8;
	[tilespmem:$0x18500] =	vst v63  }
0x60: {  	_ = 	snop  }
0x61: {  	[tilespmem:s30], [sflag:$0x1] =	stream.indirect_vreg.gather [hbm4b:s4+s3], $0x80, v3, vm0, $0xb8;
	[tilespmem:$0x18500] =	vst v63  }
0x62: {  	v3 =	vld [tilespmem:$0x50];
	_ =	sdelay $0x4  }
0x63: {  	v45 =	vshll.u32 v3, $0x1  }
0x64: {  	v3 =	vand.u32 $0x7, v3;
	v4 =	vand.u32 $0xFFFFFFF0, v45  }
0x65: {  	v3 =	vor.u32 v3, v4  }
0x66: {  	v4 =	vperm.xlane v3, v0;
	_ =	sdelay $0x1  }
0x67: {  	v3 =	vperm.xlane v3, v2;
	v4 =	vadd.s32 v1, v4;
	_ =	sdelay $0x1  }
0x68: {  	v3 =	vadd.s32 v1, v3;
	_ =	sdelay $0x2  }
0x69: {  	[tilespmem:s31], [sflag:$0x1] =	stream.indirect_vreg.gather [hbm4b:s4+s3], $0x80, v4, vm0, $0xb8;
	[tilespmem:$0x18500] =	vst v63  }
0x6a: {  	_ = 	snop  }
0x6b: {  	[tilespmem:s1], [sflag:$0x1] =	stream.indirect_vreg.gather [hbm4b:s4+s3], $0x80, v3, vm0, $0xb8;
	[tilespmem:$0x18500] =	vst v63  }
0x6c: {  	v3 =	vld [tilespmem:$0x60];
	_ =	sdelay $0x4  }
0x6d: {  	v46 =	vshll.u32 v3, $0x1  }
0x6e: {  	v3 =	vand.u32 $0x7, v3;
	v4 =	vand.u32 $0xFFFFFFF0, v46  }
0x6f: {  	v3 =	vor.u32 v3, v4  }
0x70: {  	v4 =	vperm.xlane v3, v0;
	_ =	sdelay $0x1  }
0x71: {  	v3 =	vperm.xlane v3, v2;
	v4 =	vadd.s32 v1, v4;
	_ =	sdelay $0x1  }
0x72: {  	v3 =	vadd.s32 v1, v3;
	_ =	sdelay $0x2  }
0x73: {  	[tilespmem:s0], [sflag:$0x1] =	stream.indirect_vreg.gather [hbm4b:s4+s3], $0x80, v4, vm0, $0xb8;
	[tilespmem:$0x18500] =	vst v63  }
0x74: {  	_ = 	snop  }
0x75: {  	[tilespmem:s8], [sflag:$0x1] =	stream.indirect_vreg.gather [hbm4b:s4+s3], $0x80, v3, vm0, $0xb8;
	[tilespmem:$0x18500] =	vst v63  }
0x76: {  	v3 =	vld [tilespmem:$0x70];
	_ =	sdelay $0x4  }
0x77: {  	v47 =	vshll.u32 v3, $0x1  }
0x78: {  	v3 =	vand.u32 $0x7, v3;
	v4 =	vand.u32 $0xFFFFFFF0, v47  }
0x79: {  	v3 =	vor.u32 v3, v4  }
0x7a: {  	v4 =	vperm.xlane v3, v0;
	_ =	sdelay $0x1  }
0x7b: {  	v3 =	vperm.xlane v3, v2;
	v4 =	vadd.s32 v1, v4;
	_ =	sdelay $0x1  }
0x7c: {  	v3 =	vadd.s32 v1, v3;
	_ =	sdelay $0x1  }
0x7d: {  	s8 =	simm.s32 $0x7500  }
0x7e: {  	[tilespmem:s8], [sflag:$0x1] =	stream.indirect_vreg.gather [hbm4b:s4+s3], $0x80, v4, vm0, $0xb8;
	[tilespmem:$0x18500] =	vst v63  }
0x7f: {  	s9 =	simm.s32 $0x7D00  }
0x80: {  	[tilespmem:s9], [sflag:$0x1] =	stream.indirect_vreg.gather [hbm4b:s4+s3], $0x80, v3, vm0, $0xb8;
	[tilespmem:$0x18500] =	vst v63  }
0x81: {  	v3 =	vld [tilespmem:$0x80];
	_ =	sdelay $0x4  }
0x82: {  	v48 =	vshll.u32 v3, $0x1  }
0x83: {  	v3 =	vand.u32 $0x7, v3;
	v4 =	vand.u32 $0xFFFFFFF0, v48  }
0x84: {  	v3 =	vor.u32 v3, v4  }
0x85: {  	v4 =	vperm.xlane v3, v0;
	_ =	sdelay $0x1  }
0x86: {  	v3 =	vperm.xlane v3, v2;
	v4 =	vadd.s32 v1, v4;
	_ =	sdelay $0x1  }
0x87: {  	v3 =	vadd.s32 v1, v3;
	_ =	sdelay $0x2  }
0x88: {  	[tilespmem:s12], [sflag:$0x2] =	stream.indirect_vreg.gather [hbm4b:s4+s3], $0x80, v4, vm0, $0xb8;
	[tilespmem:$0x18500] =	vst v63  }
0x89: {  	_ = 	snop  }
0x8a: {  	[tilespmem:s7], [sflag:$0x2] =	stream.indirect_vreg.gather [hbm4b:s4+s3], $0x80, v3, vm0, $0xb8;
	[tilespmem:$0x18500] =	vst v63  }
0x8b: {  	v3 =	vld [tilespmem:$0x90];
	_ =	sdelay $0x4  }
0x8c: {  	v49 =	vshll.u32 v3, $0x1  }
0x8d: {  	v3 =	vand.u32 $0x7, v3;
	v4 =	vand.u32 $0xFFFFFFF0, v49  }
0x8e: {  	v3 =	vor.u32 v3, v4  }
0x8f: {  	v4 =	vperm.xlane v3, v0;
	_ =	sdelay $0x1  }
0x90: {  	v3 =	vperm.xlane v3, v2;
	v4 =	vadd.s32 v1, v4;
	_ =	sdelay $0x1  }
0x91: {  	v3 =	vadd.s32 v1, v3;
	_ =	sdelay $0x2  }
0x92: {  	[tilespmem:s13], [sflag:$0x2] =	stream.indirect_vreg.gather [hbm4b:s4+s3], $0x80, v4, vm0, $0xb8;
	[tilespmem:$0x18500] =	vst v63  }
0x93: {  	s12 =	simm.s32 $0x9D00  }
0x94: {  	[tilespmem:s12], [sflag:$0x2] =	stream.indirect_vreg.gather [hbm4b:s4+s3], $0x80, v3, vm0, $0xb8;
	[tilespmem:$0x18500] =	vst v63  }
0x95: {  	v3 =	vld [tilespmem:$0xA0];
	_ =	sdelay $0x4  }
0x96: {  	v50 =	vshll.u32 v3, $0x1  }
0x97: {  	v3 =	vand.u32 $0x7, v3;
	v4 =	vand.u32 $0xFFFFFFF0, v50  }
0x98: {  	v3 =	vor.u32 v3, v4  }
0x99: {  	v4 =	vperm.xlane v3, v0;
	_ =	sdelay $0x1  }
0x9a: {  	v3 =	vperm.xlane v3, v2;
	v4 =	vadd.s32 v1, v4;
	_ =	sdelay $0x1  }
0x9b: {  	v3 =	vadd.s32 v1, v3;
	_ =	sdelay $0x2  }
0x9c: {  	[tilespmem:s23], [sflag:$0x2] =	stream.indirect_vreg.gather [hbm4b:s4+s3], $0x80, v4, vm0, $0xb8;
	[tilespmem:$0x18500] =	vst v63  }
0x9d: {  	s21 =	simm.s32 $0xAD00  }
0x9e: {  	[tilespmem:s21], [sflag:$0x2] =	stream.indirect_vreg.gather [hbm4b:s4+s3], $0x80, v3, vm0, $0xb8;
	[tilespmem:$0x18500] =	vst v63  }
0x9f: {  	v3 =	vld [tilespmem:$0xB0];
	_ =	sdelay $0x4  }
0xa0: {  	v51 =	vshll.u32 v3, $0x1  }
0xa1: {  	v3 =	vand.u32 $0x7, v3;
	v4 =	vand.u32 $0xFFFFFFF0, v51  }
0xa2: {  	v3 =	vor.u32 v3, v4  }
0xa3: {  	v4 =	vperm.xlane v3, v0;
	_ =	sdelay $0x1  }
0xa4: {  	v3 =	vperm.xlane v3, v2;
	v4 =	vadd.s32 v1, v4;
	_ =	sdelay $0x1  }
0xa5: {  	v3 =	vadd.s32 v1, v3;
	_ =	sdelay $0x1  }
0xa6: {  	s22 =	simm.s32 $0xB500  }
0xa7: {  	[tilespmem:s22], [sflag:$0x2] =	stream.indirect_vreg.gather [hbm4b:s4+s3], $0x80, v4, vm0, $0xb8;
	[tilespmem:$0x18500] =	vst v63  }
0xa8: {  	s23 =	simm.s32 $0xBD00  }
0xa9: {  	[tilespmem:s23], [sflag:$0x2] =	stream.indirect_vreg.gather [hbm4b:s4+s3], $0x80, v3, vm0, $0xb8;
	[tilespmem:$0x18500] =	vst v63  }
0xaa: {  	v3 =	vld [tilespmem:$0xC0];
	_ =	sdelay $0x4  }
0xab: {  	v52 =	vshll.u32 v3, $0x1  }
0xac: {  	v3 =	vand.u32 $0x7, v3;
	v4 =	vand.u32 $0xFFFFFFF0, v52  }
0xad: {  	v3 =	vor.u32 v3, v4  }
0xae: {  	v4 =	vperm.xlane v3, v0;
	_ =	sdelay $0x1  }
0xaf: {  	v3 =	vperm.xlane v3, v2;
	v4 =	vadd.s32 v1, v4;
	_ =	sdelay $0x1  }
0xb0: {  	v3 =	vadd.s32 v1, v3;
	_ =	sdelay $0x2  }
0xb1: {  	[tilespmem:s24], [sflag:$0x2] =	stream.indirect_vreg.gather [hbm4b:s4+s3], $0x80, v4, vm0, $0xb8;
	[tilespmem:$0x18500] =	vst v63  }
0xb2: {  	s25 =	simm.s32 $0xCD00  }
0xb3: {  	[tilespmem:s25], [sflag:$0x2] =	stream.indirect_vreg.gather [hbm4b:s4+s3], $0x80, v3, vm0, $0xb8;
	[tilespmem:$0x18500] =	vst v63  }
0xb4: {  	v3 =	vld [tilespmem:$0xD0];
	_ =	sdelay $0x4  }
0xb5: {  	v53 =	vshll.u32 v3, $0x1  }
0xb6: {  	v3 =	vand.u32 $0x7, v3;
	v4 =	vand.u32 $0xFFFFFFF0, v53  }
0xb7: {  	v3 =	vor.u32 v3, v4  }
0xb8: {  	v4 =	vperm.xlane v3, v0;
	_ =	sdelay $0x1  }
0xb9: {  	v3 =	vperm.xlane v3, v2;
	v4 =	vadd.s32 v1, v4;
	_ =	sdelay $0x1  }
0xba: {  	v3 =	vadd.s32 v1, v3;
	_ =	sdelay $0x1  }
0xbb: {  	s26 =	simm.s32 $0xD500  }
0xbc: {  	[tilespmem:s26], [sflag:$0x2] =	stream.indirect_vreg.gather [hbm4b:s4+s3], $0x80, v4, vm0, $0xb8;
	[tilespmem:$0x18500] =	vst v63  }
0xbd: {  	_ = 	snop  }
0xbe: {  	[tilespmem:s14], [sflag:$0x2] =	stream.indirect_vreg.gather [hbm4b:s4+s3], $0x80, v3, vm0, $0xb8;
	[tilespmem:$0x18500] =	vst v63  }
0xbf: {  	v3 =	vld [tilespmem:$0xE0];
	_ =	sdelay $0x4  }
0xc0: {  	v54 =	vshll.u32 v3, $0x1  }
0xc1: {  	v3 =	vand.u32 $0x7, v3;
	v4 =	vand.u32 $0xFFFFFFF0, v54  }
0xc2: {  	v3 =	vor.u32 v3, v4  }
0xc3: {  	v4 =	vperm.xlane v3, v0;
	_ =	sdelay $0x1  }
0xc4: {  	v3 =	vperm.xlane v3, v2;
	v4 =	vadd.s32 v1, v4;
	_ =	sdelay $0x1  }
0xc5: {  	v3 =	vadd.s32 v1, v3;
	_ =	sdelay $0x2  }
0xc6: {  	[tilespmem:s2], [sflag:$0x2] =	stream.indirect_vreg.gather [hbm4b:s4+s3], $0x80, v4, vm0, $0xb8;
	[tilespmem:$0x18500] =	vst v63  }
0xc7: {  	_ = 	snop  }
0xc8: {  	[tilespmem:s15], [sflag:$0x2] =	stream.indirect_vreg.gather [hbm4b:s4+s3], $0x80, v3, vm0, $0xb8;
	[tilespmem:$0x18500] =	vst v63  }
0xc9: {  	v3 =	vld [tilespmem:$0xF0];
	_ =	sdelay $0x4  }
0xca: {  	v55 =	vshll.u32 v3, $0x1  }
0xcb: {  	v3 =	vand.u32 $0x7, v3;
	v4 =	vand.u32 $0xFFFFFFF0, v55  }
0xcc: {  	v3 =	vor.u32 v3, v4  }
0xcd: {  	v4 =	vperm.xlane v3, v0;
	_ =	sdelay $0x1  }
0xce: {  	v3 =	vperm.xlane v3, v2;
	v4 =	vadd.s32 v1, v4;
	_ =	sdelay $0x1  }
0xcf: {  	v3 =	vadd.s32 v1, v3;
	_ =	sdelay $0x2  }
0xd0: {  	[tilespmem:s10], [sflag:$0x2] =	stream.indirect_vreg.gather [hbm4b:s4+s3], $0x80, v4, vm0, $0xb8;
	[tilespmem:$0x18500] =	vst v63  }
0xd1: {  	_ = 	snop  }
0xd2: {  	[tilespmem:s16], [sflag:$0x2] =	stream.indirect_vreg.gather [hbm4b:s4+s3], $0x80, v3, vm0, $0xb8;
	[tilespmem:$0x18500] =	vst v63  }
0xd3: {  	v3 =	vld [tilespmem:$0x100];
	_ =	sdelay $0x4  }
0xd4: {  	v56 =	vshll.u32 v3, $0x1  }
0xd5: {  	v3 =	vand.u32 $0x7, v3;
	v4 =	vand.u32 $0xFFFFFFF0, v56  }
0xd6: {  	v3 =	vor.u32 v3, v4  }
0xd7: {  	v4 =	vperm.xlane v3, v0;
	_ =	sdelay $0x1  }
0xd8: {  	v3 =	vperm.xlane v3, v2;
	v4 =	vadd.s32 v1, v4;
	_ =	sdelay $0x1  }
0xd9: {  	v3 =	vadd.s32 v1, v3;
	_ =	sdelay $0x2  }
0xda: {  	[tilespmem:s18], [sflag:$0x3] =	stream.indirect_vreg.gather [hbm4b:s4+s3], $0x80, v4, vm0, $0xb8;
	[tilespmem:$0x18500] =	vst v63  }
0xdb: {  	s1 =	simm.s32 $0x10D00  }
0xdc: {  	[tilespmem:s1], [sflag:$0x3] =	stream.indirect_vreg.gather [hbm4b:s4+s3], $0x80, v3, vm0, $0xb8;
	[tilespmem:$0x18500] =	vst v63  }
0xdd: {  	v3 =	vld [tilespmem:$0x110];
	_ =	sdelay $0x4  }
0xde: {  	v57 =	vshll.u32 v3, $0x1  }
0xdf: {  	v3 =	vand.u32 $0x7, v3;
	v4 =	vand.u32 $0xFFFFFFF0, v57  }
0xe0: {  	v3 =	vor.u32 v3, v4  }
0xe1: {  	v4 =	vperm.xlane v3, v0;
	_ =	sdelay $0x1  }
0xe2: {  	v3 =	vperm.xlane v3, v2;
	v4 =	vadd.s32 v1, v4;
	_ =	sdelay $0x1  }
0xe3: {  	v3 =	vadd.s32 v1, v3;
	_ =	sdelay $0x1  }
0xe4: {  	s2 =	simm.s32 $0x11500  }
0xe5: {  	[tilespmem:s2], [sflag:$0x3] =	stream.indirect_vreg.gather [hbm4b:s4+s3], $0x80, v4, vm0, $0xb8;
	[tilespmem:$0x18500] =	vst v63  }
0xe6: {  	s5 =	simm.s32 $0x11D00  }
0xe7: {  	[tilespmem:s5], [sflag:$0x3] =	stream.indirect_vreg.gather [hbm4b:s4+s3], $0x80, v3, vm0, $0xb8;
	[tilespmem:$0x18500] =	vst v63  }
0xe8: {  	v3 =	vld [tilespmem:$0x120];
	_ =	sdelay $0x4  }
0xe9: {  	v58 =	vshll.u32 v3, $0x1  }
0xea: {  	v3 =	vand.u32 $0x7, v3;
	v4 =	vand.u32 $0xFFFFFFF0, v58  }
0xeb: {  	v3 =	vor.u32 v3, v4  }
0xec: {  	v4 =	vperm.xlane v3, v0;
	_ =	sdelay $0x1  }
0xed: {  	v3 =	vperm.xlane v3, v2;
	v4 =	vadd.s32 v1, v4;
	_ =	sdelay $0x1  }
0xee: {  	v3 =	vadd.s32 v1, v3;
	_ =	sdelay $0x1  }
0xef: {  	s8 =	simm.s32 $0x12500  }
0xf0: {  	[tilespmem:s8], [sflag:$0x3] =	stream.indirect_vreg.gather [hbm4b:s4+s3], $0x80, v4, vm0, $0xb8;
	[tilespmem:$0x18500] =	vst v63  }
0xf1: {  	s9 =	simm.s32 $0x12D00  }
0xf2: {  	[tilespmem:s9], [sflag:$0x3] =	stream.indirect_vreg.gather [hbm4b:s4+s3], $0x80, v3, vm0, $0xb8;
	[tilespmem:$0x18500] =	vst v63  }
0xf3: {  	v3 =	vld [tilespmem:$0x130];
	_ =	sdelay $0x4  }
0xf4: {  	v59 =	vshll.u32 v3, $0x1  }
0xf5: {  	v3 =	vand.u32 $0x7, v3;
	v4 =	vand.u32 $0xFFFFFFF0, v59  }
0xf6: {  	v3 =	vor.u32 v3, v4  }
0xf7: {  	v4 =	vperm.xlane v3, v0;
	_ =	sdelay $0x1  }
0xf8: {  	v3 =	vperm.xlane v3, v2;
	v4 =	vadd.s32 v1, v4;
	_ =	sdelay $0x1  }
0xf9: {  	v3 =	vadd.s32 v1, v3;
	_ =	sdelay $0x1  }
0xfa: {  	s10 =	simm.s32 $0x13500  }
0xfb: {  	[tilespmem:s10], [sflag:$0x3] =	stream.indirect_vreg.gather [hbm4b:s4+s3], $0x80, v4, vm0, $0xb8;
	[tilespmem:$0x18500] =	vst v63  }
0xfc: {  	s12 =	simm.s32 $0x13D00  }
0xfd: {  	[tilespmem:s12], [sflag:$0x3] =	stream.indirect_vreg.gather [hbm4b:s4+s3], $0x80, v3, vm0, $0xb8;
	[tilespmem:$0x18500] =	vst v63  }
0xfe: {  	v3 =	vld [tilespmem:$0x140];
	_ =	sdelay $0x4  }
0xff: {  	v60 =	vshll.u32 v3, $0x1  }
0x100: {  	v3 =	vand.u32 $0x7, v3;
	v4 =	vand.u32 $0xFFFFFFF0, v60  }
0x101: {  	v3 =	vor.u32 v3, v4  }
0x102: {  	v4 =	vperm.xlane v3, v0;
	_ =	sdelay $0x1  }
0x103: {  	v3 =	vperm.xlane v3, v2;
	v4 =	vadd.s32 v1, v4;
	_ =	sdelay $0x1  }
0x104: {  	v3 =	vadd.s32 v1, v3;
	_ =	sdelay $0x1  }
0x105: {  	s14 =	simm.s32 $0x14500  }
0x106: {  	[tilespmem:s14], [sflag:$0x3] =	stream.indirect_vreg.gather [hbm4b:s4+s3], $0x80, v4, vm0, $0xb8;
	[tilespmem:$0x18500] =	vst v63  }
0x107: {  	s15 =	simm.s32 $0x14D00  }
0x108: {  	[tilespmem:s15], [sflag:$0x3] =	stream.indirect_vreg.gather [hbm4b:s4+s3], $0x80, v3, vm0, $0xb8;
	[tilespmem:$0x18500] =	vst v63  }
0x109: {  	v3 =	vld [tilespmem:$0x150];
	_ =	sdelay $0x4  }
0x10a: {  	v61 =	vshll.u32 v3, $0x1  }
0x10b: {  	v3 =	vand.u32 $0x7, v3;
	v4 =	vand.u32 $0xFFFFFFF0, v61  }
0x10c: {  	v3 =	vor.u32 v3, v4  }
0x10d: {  	v4 =	vperm.xlane v3, v0;
	_ =	sdelay $0x1  }
0x10e: {  	v3 =	vperm.xlane v3, v2;
	v4 =	vadd.s32 v1, v4;
	_ =	sdelay $0x1  }
0x10f: {  	v3 =	vadd.s32 v1, v3;
	_ =	sdelay $0x1  }
0x110: {  	s16 =	simm.s32 $0x15500  }
0x111: {  	[tilespmem:s16], [sflag:$0x3] =	stream.indirect_vreg.gather [hbm4b:s4+s3], $0x80, v4, vm0, $0xb8;
	[tilespmem:$0x18500] =	vst v63  }
0x112: {  	s18 =	simm.s32 $0x15D00  }
0x113: {  	[tilespmem:s18], [sflag:$0x3] =	stream.indirect_vreg.gather [hbm4b:s4+s3], $0x80, v3, vm0, $0xb8;
	[tilespmem:$0x18500] =	vst v63  }
0x114: {  	v3 =	vld [tilespmem:$0x160];
	_ =	sdelay $0x4  }
0x115: {  	v62 =	vshll.u32 v3, $0x1  }
0x116: {  	v3 =	vand.u32 $0x7, v3;
	v4 =	vand.u32 $0xFFFFFFF0, v62  }
0x117: {  	v3 =	vor.u32 v3, v4  }
0x118: {  	v4 =	vperm.xlane v3, v0;
	_ =	sdelay $0x1  }
0x119: {  	v3 =	vperm.xlane v3, v2;
	v4 =	vadd.s32 v1, v4;
	_ =	sdelay $0x1  }
0x11a: {  	v3 =	vadd.s32 v1, v3;
	_ =	sdelay $0x1  }
0x11b: {  	s21 =	simm.s32 $0x16500  }
0x11c: {  	[tilespmem:s21], [sflag:$0x3] =	stream.indirect_vreg.gather [hbm4b:s4+s3], $0x80, v4, vm0, $0xb8;
	[tilespmem:$0x18500] =	vst v63  }
0x11d: {  	s22 =	simm.s32 $0x16D00  }
0x11e: {  	[tilespmem:s22], [sflag:$0x3] =	stream.indirect_vreg.gather [hbm4b:s4+s3], $0x80, v3, vm0, $0xb8;
	[tilespmem:$0x18500] =	vst v63  }
0x11f: {  	v3 =	vld [tilespmem:$0x170];
	_ =	sdelay $0x4  }
0x120: {  	v63 =	vshll.u32 v3, $0x1  }
0x121: {  	v3 =	vand.u32 $0x7, v3;
	v4 =	vand.u32 $0xFFFFFFF0, v63  }
0x122: {  	v3 =	vor.u32 v3, v4  }
0x123: {  	v4 =	vperm.xlane v3, v0;
	_ =	sdelay $0x1  }
0x124: {  	v3 =	vperm.xlane v3, v2;
	v4 =	vadd.s32 v1, v4  }
0x125: {  	s28 =	simm.s32 $0x3500  }
0x126: {  	s29 =	simm.s32 $0x3D00;
	s30 =	simm.s32 $0x4500;
	s31 =	simm.s32 $0x4D00;
	v3 =	vadd.s32 v1, v3  }
0x127: {  	s0 =	simm.s32 $0x5D00;
	s23 =	simm.s32 $0x17500;
	s24 =	simm.s32 $0x17D00  }
0x128: {  	s25 =	simm.s32 $0x1;
	s1 =	simm.s32 $0x5500;
	s2 =	simm.s32 $0xA500  }
0x129: {  	[tilespmem:s23], [sflag:$0x3] =	stream.indirect_vreg.gather [hbm4b:s4+s3], $0x80, v4, vm0, $0xb8;
	[tilespmem:$0x18500] =	vst v63  }
0x12a: {  	s5 =	simm.s32 $0x1D00;
	s8 =	simm.s32 $0x6500;
	s9 =	simm.s32 $0xBD00  }
0x12b: {  	[tilespmem:s24], [sflag:$0x3] =	stream.indirect_vreg.gather [hbm4b:s4+s3], $0x80, v3, vm0, $0xb8;
	[tilespmem:$0x18500] =	vst v63  }
0x12c: {  	s10 =	simm.s32 $0x6D00;
	s12 =	simm.s32 $0x9D00;
	_ =	swait.ge [sflag:s25], $0x8000  }
0x12d: {  	s14 =	simm.s32 $0xB500;
	s15 =	simm.s32 $0xAD00;
	[sflag:s25] =	ssyncset.done $0x0  }
.Ltmp2:
0x12e: {  	s26 =	rddreg [dreg:$0xd];
	[sflag:s25] =	ssyncadd.s32 $0xFFFF8000;
	(pc) =	sbr.rel @!p0 .LBB2_2-.Ltmp2, $4  }
0x12f: {  	[hbm4b:s26+s3] =	stream.linear.scatter [tilespmem:s19], [sflag:$0x4], $0x8000, $0x38;
	[tilespmem:$0x18500] =	vst v63  }
0x130: {  	s16 =	simm.s32 $0x7D00;
	s18 =	simm.s32 $0x7500;
	_ =	swait.ge [sflag:s11], $0x8000  }
0x131: {  	s21 =	simm.s32 $0x500;
	s25 =	simm.s32 $0x2500;
	[sflag:s11] =	ssyncset.done $0x0  }
0x132: {  	s19 =	simm.s32 $0x8500;
	s26 =	simm.s32 $0x2D00;
	[sflag:s11] =	ssyncadd.s32 $0xFFFF8000  }
0x133: {  	s13 =	simm.s32 $0x10500;
	s18 =	simm.s32 $0xFD00;
	s10 =	simm.s32 $0xF500  }
0x134: {  	s16 =	simm.s32 $0xED00;
	s2 =	simm.s32 $0xE500;
	s14 =	simm.s32 $0xDD00  }
0x135: {  	s15 =	simm.s32 $0xD500;
	s20 =	simm.s32 $0xCD00;
	s24 =	simm.s32 $0x2500  }
0x136: {  	s23 =	simm.s32 $0x1D00;
	s22 =	simm.s32 $0x1500;
	s21 =	simm.s32 $0xD00  }
0x137: {  	s6 =	simm.s32 $0x8D00;
	s0 =	simm.s32 $0x2;
	s25 =	simm.s32 $0x2D00  }
0x138: {  	s26 =	simm.s32 $0x3500;
	s28 =	simm.s32 $0x3D00;
	_ =	swait.ge [sflag:s0], $0x8000  }
0x139: {  	s29 =	simm.s32 $0x4500;
	s30 =	simm.s32 $0x4D00;
	[sflag:s0] =	ssyncset.done $0x0  }
.Ltmp3:
0x13a: {  	s5 =	rddreg [dreg:$0x4];
	[sflag:s0] =	ssyncadd.s32 $0xFFFF8000;
	(pc) =	sbr.rel .LBB2_4-.Ltmp3, $4  }
0x13b: {  	[hbm4b:s5+s3] =	stream.linear.scatter [tilespmem:s19], [sflag:$0x4], $0x8000, $0x38;
	[tilespmem:$0x18500] =	vst v63  }
0x13c: {  	s31 =	simm.s32 $0x5500;
	s1 =	simm.s32 $0x5D00;
	_ =	swait.ge [sflag:s11], $0x8000  }
0x13d: {  	s8 =	simm.s32 $0x6D00;
	s12 =	simm.s32 $0x8500;
	[sflag:s11] =	ssyncset.done $0x0  }
0x13e: {  	s0 =	simm.s32 $0x6500;
	s5 =	simm.s32 $0x3;
	[sflag:s11] =	ssyncadd.s32 $0xFFFF8000  }
.LBB2_2:
0x13f: {  	v3 =	vld [tilespmem:$0x180];
	_ =	sdelay $0x4  }
0x140: {  	v4 =	vshll.u32 v3, $0x1  }
0x141: {  	v3 =	vand.u32 $0x7, v3;
	v4 =	vand.u32 $0xFFFFFFF0, v4  }
0x142: {  	v3 =	vor.u32 v3, v4  }
0x143: {  	v4 =	vperm.xlane v3, v0;
	_ =	sdelay $0x1  }
0x144: {  	v3 =	vperm.xlane v3, v2;
	v4 =	vadd.s32 v1, v4;
	_ =	sdelay $0x1  }
0x145: {  	v3 =	vadd.s32 v1, v3;
	_ =	sdelay $0x2  }
0x146: {  	[tilespmem:s21], [sflag:$0x1] =	stream.indirect_vreg.gather [hbm4b:s4+s3], $0x80, v4, vm0, $0xb8;
	[tilespmem:$0x18500] =	vst v63  }
0x147: {  	_ = 	snop  }
0x148: {  	[tilespmem:s6], [sflag:$0x1] =	stream.indirect_vreg.gather [hbm4b:s4+s3], $0x80, v3, vm0, $0xb8;
	[tilespmem:$0x18500] =	vst v63  }
0x149: {  	v3 =	vld [tilespmem:$0x190];
	_ =	sdelay $0x4  }
0x14a: {  	v49 =	vshll.u32 v3, $0x1  }
0x14b: {  	v3 =	vand.u32 $0x7, v3;
	v4 =	vand.u32 $0xFFFFFFF0, v49  }
0x14c: {  	v3 =	vor.u32 v3, v4  }
0x14d: {  	v4 =	vperm.xlane v3, v0;
	_ =	sdelay $0x1  }
0x14e: {  	v3 =	vperm.xlane v3, v2;
	v4 =	vadd.s32 v1, v4;
	_ =	sdelay $0x1  }
0x14f: {  	v3 =	vadd.s32 v1, v3;
	_ =	sdelay $0x2  }
0x150: {  	[tilespmem:s20], [sflag:$0x1] =	stream.indirect_vreg.gather [hbm4b:s4+s3], $0x80, v4, vm0, $0xb8;
	[tilespmem:$0x18500] =	vst v63  }
0x151: {  	_ = 	snop  }
0x152: {  	[tilespmem:s5], [sflag:$0x1] =	stream.indirect_vreg.gather [hbm4b:s4+s3], $0x80, v3, vm0, $0xb8;
	[tilespmem:$0x18500] =	vst v63  }
0x153: {  	v3 =	vld [tilespmem:$0x1A0];
	_ =	sdelay $0x4  }
0x154: {  	v50 =	vshll.u32 v3, $0x1  }
0x155: {  	v3 =	vand.u32 $0x7, v3;
	v4 =	vand.u32 $0xFFFFFFF0, v50  }
0x156: {  	v3 =	vor.u32 v3, v4  }
0x157: {  	v4 =	vperm.xlane v3, v0;
	_ =	sdelay $0x1  }
0x158: {  	v3 =	vperm.xlane v3, v2;
	v4 =	vadd.s32 v1, v4;
	_ =	sdelay $0x1  }
0x159: {  	v3 =	vadd.s32 v1, v3;
	_ =	sdelay $0x2  }
0x15a: {  	[tilespmem:s25], [sflag:$0x1] =	stream.indirect_vreg.gather [hbm4b:s4+s3], $0x80, v4, vm0, $0xb8;
	[tilespmem:$0x18500] =	vst v63  }
0x15b: {  	_ = 	snop  }
0x15c: {  	[tilespmem:s26], [sflag:$0x1] =	stream.indirect_vreg.gather [hbm4b:s4+s3], $0x80, v3, vm0, $0xb8;
	[tilespmem:$0x18500] =	vst v63  }
0x15d: {  	v3 =	vld [tilespmem:$0x1B0];
	_ =	sdelay $0x4  }
0x15e: {  	v51 =	vshll.u32 v3, $0x1  }
0x15f: {  	v3 =	vand.u32 $0x7, v3;
	v4 =	vand.u32 $0xFFFFFFF0, v51  }
0x160: {  	v3 =	vor.u32 v3, v4  }
0x161: {  	v4 =	vperm.xlane v3, v0;
	_ =	sdelay $0x1  }
0x162: {  	v3 =	vperm.xlane v3, v2;
	v4 =	vadd.s32 v1, v4;
	_ =	sdelay $0x1  }
0x163: {  	v3 =	vadd.s32 v1, v3;
	_ =	sdelay $0x2  }
0x164: {  	[tilespmem:s28], [sflag:$0x1] =	stream.indirect_vreg.gather [hbm4b:s4+s3], $0x80, v4, vm0, $0xb8;
	[tilespmem:$0x18500] =	vst v63  }
0x165: {  	_ = 	snop  }
0x166: {  	[tilespmem:s29], [sflag:$0x1] =	stream.indirect_vreg.gather [hbm4b:s4+s3], $0x80, v3, vm0, $0xb8;
	[tilespmem:$0x18500] =	vst v63  }
0x167: {  	v3 =	vld [tilespmem:$0x1C0];
	_ =	sdelay $0x4  }
0x168: {  	v52 =	vshll.u32 v3, $0x1  }
0x169: {  	v3 =	vand.u32 $0x7, v3;
	v4 =	vand.u32 $0xFFFFFFF0, v52  }
0x16a: {  	v3 =	vor.u32 v3, v4  }
0x16b: {  	v4 =	vperm.xlane v3, v0;
	_ =	sdelay $0x1  }
0x16c: {  	v3 =	vperm.xlane v3, v2;
	v4 =	vadd.s32 v1, v4;
	_ =	sdelay $0x1  }
0x16d: {  	v3 =	vadd.s32 v1, v3;
	_ =	sdelay $0x2  }
0x16e: {  	[tilespmem:s30], [sflag:$0x1] =	stream.indirect_vreg.gather [hbm4b:s4+s3], $0x80, v4, vm0, $0xb8;
	[tilespmem:$0x18500] =	vst v63  }
0x16f: {  	_ = 	snop  }
0x170: {  	[tilespmem:s31], [sflag:$0x1] =	stream.indirect_vreg.gather [hbm4b:s4+s3], $0x80, v3, vm0, $0xb8;
	[tilespmem:$0x18500] =	vst v63  }
0x171: {  	v3 =	vld [tilespmem:$0x1D0];
	_ =	sdelay $0x4  }
0x172: {  	v53 =	vshll.u32 v3, $0x1  }
0x173: {  	v3 =	vand.u32 $0x7, v3;
	v4 =	vand.u32 $0xFFFFFFF0, v53  }
0x174: {  	v3 =	vor.u32 v3, v4  }
0x175: {  	v4 =	vperm.xlane v3, v0;
	_ =	sdelay $0x1  }
0x176: {  	v3 =	vperm.xlane v3, v2;
	v4 =	vadd.s32 v1, v4;
	_ =	sdelay $0x1  }
0x177: {  	v3 =	vadd.s32 v1, v3;
	_ =	sdelay $0x2  }
0x178: {  	[tilespmem:s1], [sflag:$0x1] =	stream.indirect_vreg.gather [hbm4b:s4+s3], $0x80, v4, vm0, $0xb8;
	[tilespmem:$0x18500] =	vst v63  }
0x179: {  	_ = 	snop  }
0x17a: {  	[tilespmem:s0], [sflag:$0x1] =	stream.indirect_vreg.gather [hbm4b:s4+s3], $0x80, v3, vm0, $0xb8;
	[tilespmem:$0x18500] =	vst v63  }
0x17b: {  	v3 =	vld [tilespmem:$0x1E0];
	_ =	sdelay $0x4  }
0x17c: {  	v54 =	vshll.u32 v3, $0x1  }
0x17d: {  	v3 =	vand.u32 $0x7, v3;
	v4 =	vand.u32 $0xFFFFFFF0, v54  }
0x17e: {  	v3 =	vor.u32 v3, v4  }
0x17f: {  	v4 =	vperm.xlane v3, v0;
	_ =	sdelay $0x1  }
0x180: {  	v3 =	vperm.xlane v3, v2;
	v4 =	vadd.s32 v1, v4;
	_ =	sdelay $0x1  }
0x181: {  	v3 =	vadd.s32 v1, v3;
	_ =	sdelay $0x2  }
0x182: {  	[tilespmem:s8], [sflag:$0x1] =	stream.indirect_vreg.gather [hbm4b:s4+s3], $0x80, v4, vm0, $0xb8;
	[tilespmem:$0x18500] =	vst v63  }
0x183: {  	_ = 	snop  }
0x184: {  	[tilespmem:s10], [sflag:$0x1] =	stream.indirect_vreg.gather [hbm4b:s4+s3], $0x80, v3, vm0, $0xb8;
	[tilespmem:$0x18500] =	vst v63  }
0x185: {  	v3 =	vld [tilespmem:$0x1F0];
	_ =	sdelay $0x4  }
0x186: {  	v55 =	vshll.u32 v3, $0x1  }
0x187: {  	v3 =	vand.u32 $0x7, v3;
	v4 =	vand.u32 $0xFFFFFFF0, v55  }
0x188: {  	v3 =	vor.u32 v3, v4  }
0x189: {  	v4 =	vperm.xlane v3, v0;
	_ =	sdelay $0x1  }
0x18a: {  	v3 =	vperm.xlane v3, v2;
	v4 =	vadd.s32 v1, v4;
	_ =	sdelay $0x1  }
0x18b: {  	v3 =	vadd.s32 v1, v3;
	_ =	sdelay $0x2  }
0x18c: {  	[tilespmem:s18], [sflag:$0x1] =	stream.indirect_vreg.gather [hbm4b:s4+s3], $0x80, v4, vm0, $0xb8;
	[tilespmem:$0x18500] =	vst v63  }
0x18d: {  	s26 =	simm.s32 $0x2  }
0x18e: {  	[tilespmem:s16], [sflag:$0x1] =	stream.indirect_vreg.gather [hbm4b:s4+s3], $0x80, v3, vm0, $0xb8;
	[tilespmem:$0x18500] =	vst v63  }
0x18f: {  	_ =	swait.ge [sflag:s26], $0x8000  }
0x190: {  	[sflag:s26] =	ssyncset.done $0x0  }
0x191: {  	s5 =	simm.s32 $0x4;
	s0 =	rddreg [dreg:$0x4];
	[sflag:s26] =	ssyncadd.s32 $0xFFFF8000  }
0x192: {  	[hbm4b:s0+s3] =	stream.linear.scatter [tilespmem:s19], [sflag:$0x4], $0x8000, $0x38;
	[tilespmem:$0x18500] =	vst v63  }
0x193: {  	_ =	swait.ge [sflag:s5], $0x8000  }
0x194: {  	[sflag:s5] =	ssyncset.done $0x0  }
0x195: {  	[sflag:s5] =	ssyncadd.s32 $0xFFFF8000  }
0x196: {  	v3 =	vld [tilespmem:$0x200];
	_ =	sdelay $0x4  }
0x197: {  	v56 =	vshll.u32 v3, $0x1  }
0x198: {  	v3 =	vand.u32 $0x7, v3;
	v4 =	vand.u32 $0xFFFFFFF0, v56  }
0x199: {  	v3 =	vor.u32 v3, v4  }
0x19a: {  	v4 =	vperm.xlane v3, v0;
	_ =	sdelay $0x1  }
0x19b: {  	v3 =	vperm.xlane v3, v2;
	v4 =	vadd.s32 v1, v4;
	_ =	sdelay $0x1  }
0x19c: {  	v3 =	vadd.s32 v1, v3;
	_ =	sdelay $0x2  }
0x19d: {  	[tilespmem:s19], [sflag:$0x2] =	stream.indirect_vreg.gather [hbm4b:s4+s3], $0x80, v4, vm0, $0xb8;
	[tilespmem:$0x18500] =	vst v63  }
0x19e: {  	_ = 	snop  }
0x19f: {  	[tilespmem:s7], [sflag:$0x2] =	stream.indirect_vreg.gather [hbm4b:s4+s3], $0x80, v3, vm0, $0xb8;
	[tilespmem:$0x18500] =	vst v63  }
0x1a0: {  	v3 =	vld [tilespmem:$0x210];
	_ =	sdelay $0x4  }
0x1a1: {  	v57 =	vshll.u32 v3, $0x1  }
0x1a2: {  	v3 =	vand.u32 $0x7, v3;
	v4 =	vand.u32 $0xFFFFFFF0, v57  }
0x1a3: {  	v3 =	vor.u32 v3, v4  }
0x1a4: {  	v4 =	vperm.xlane v3, v0;
	_ =	sdelay $0x1  }
0x1a5: {  	v3 =	vperm.xlane v3, v2;
	v4 =	vadd.s32 v1, v4;
	_ =	sdelay $0x1  }
0x1a6: {  	v3 =	vadd.s32 v1, v3;
	_ =	sdelay $0x2  }
0x1a7: {  	[tilespmem:s13], [sflag:$0x2] =	stream.indirect_vreg.gather [hbm4b:s4+s3], $0x80, v4, vm0, $0xb8;
	[tilespmem:$0x18500] =	vst v63  }
0x1a8: {  	_ = 	snop  }
0x1a9: {  	[tilespmem:s12], [sflag:$0x2] =	stream.indirect_vreg.gather [hbm4b:s4+s3], $0x80, v3, vm0, $0xb8;
	[tilespmem:$0x18500] =	vst v63  }
0x1aa: {  	v3 =	vld [tilespmem:$0x220];
	_ =	sdelay $0x4  }
0x1ab: {  	v58 =	vshll.u32 v3, $0x1  }
0x1ac: {  	v3 =	vand.u32 $0x7, v3;
	v4 =	vand.u32 $0xFFFFFFF0, v58  }
0x1ad: {  	v3 =	vor.u32 v3, v4  }
0x1ae: {  	v4 =	vperm.xlane v3, v0;
	_ =	sdelay $0x1  }
0x1af: {  	v3 =	vperm.xlane v3, v2;
	v4 =	vadd.s32 v1, v4;
	_ =	sdelay $0x1  }
0x1b0: {  	v3 =	vadd.s32 v1, v3;
	_ =	sdelay $0x2  }
0x1b1: {  	[tilespmem:s2], [sflag:$0x2] =	stream.indirect_vreg.gather [hbm4b:s4+s3], $0x80, v4, vm0, $0xb8;
	[tilespmem:$0x18500] =	vst v63  }
0x1b2: {  	_ = 	snop  }
0x1b3: {  	[tilespmem:s15], [sflag:$0x2] =	stream.indirect_vreg.gather [hbm4b:s4+s3], $0x80, v3, vm0, $0xb8;
	[tilespmem:$0x18500] =	vst v63  }
0x1b4: {  	v3 =	vld [tilespmem:$0x230];
	_ =	sdelay $0x4  }
0x1b5: {  	v59 =	vshll.u32 v3, $0x1  }
0x1b6: {  	v3 =	vand.u32 $0x7, v3;
	v4 =	vand.u32 $0xFFFFFFF0, v59  }
0x1b7: {  	v3 =	vor.u32 v3, v4  }
0x1b8: {  	v4 =	vperm.xlane v3, v0;
	_ =	sdelay $0x1  }
0x1b9: {  	v3 =	vperm.xlane v3, v2;
	v4 =	vadd.s32 v1, v4;
	_ =	sdelay $0x1  }
0x1ba: {  	v3 =	vadd.s32 v1, v3;
	_ =	sdelay $0x2  }
0x1bb: {  	[tilespmem:s14], [sflag:$0x2] =	stream.indirect_vreg.gather [hbm4b:s4+s3], $0x80, v4, vm0, $0xb8;
	[tilespmem:$0x18500] =	vst v63  }
0x1bc: {  	_ = 	snop  }
0x1bd: {  	[tilespmem:s9], [sflag:$0x2] =	stream.indirect_vreg.gather [hbm4b:s4+s3], $0x80, v3, vm0, $0xb8;
	[tilespmem:$0x18500] =	vst v63  }
0x1be: {  	v3 =	vld [tilespmem:$0x240];
	_ =	sdelay $0x4  }
0x1bf: {  	v60 =	vshll.u32 v3, $0x1  }
0x1c0: {  	v3 =	vand.u32 $0x7, v3;
	v4 =	vand.u32 $0xFFFFFFF0, v60  }
0x1c1: {  	v3 =	vor.u32 v3, v4  }
0x1c2: {  	v4 =	vperm.xlane v3, v0;
	_ =	sdelay $0x1  }
0x1c3: {  	v3 =	vperm.xlane v3, v2;
	v4 =	vadd.s32 v1, v4;
	_ =	sdelay $0x1  }
0x1c4: {  	v3 =	vadd.s32 v1, v3;
	_ =	sdelay $0x1  }
0x1c5: {  	s1 =	simm.s32 $0xC500  }
0x1c6: {  	[tilespmem:s1], [sflag:$0x2] =	stream.indirect_vreg.gather [hbm4b:s4+s3], $0x80, v4, vm0, $0xb8;
	[tilespmem:$0x18500] =	vst v63  }
0x1c7: {  	s2 =	simm.s32 $0xCD00  }
0x1c8: {  	[tilespmem:s2], [sflag:$0x2] =	stream.indirect_vreg.gather [hbm4b:s4+s3], $0x80, v3, vm0, $0xb8;
	[tilespmem:$0x18500] =	vst v63  }
0x1c9: {  	v3 =	vld [tilespmem:$0x250];
	_ =	sdelay $0x4  }
0x1ca: {  	v61 =	vshll.u32 v3, $0x1  }
0x1cb: {  	v3 =	vand.u32 $0x7, v3;
	v4 =	vand.u32 $0xFFFFFFF0, v61  }
0x1cc: {  	v3 =	vor.u32 v3, v4  }
0x1cd: {  	v4 =	vperm.xlane v3, v0;
	_ =	sdelay $0x1  }
0x1ce: {  	v3 =	vperm.xlane v3, v2;
	v4 =	vadd.s32 v1, v4;
	_ =	sdelay $0x1  }
0x1cf: {  	v3 =	vadd.s32 v1, v3;
	_ =	sdelay $0x1  }
0x1d0: {  	s7 =	simm.s32 $0xD500  }
0x1d1: {  	[tilespmem:s7], [sflag:$0x2] =	stream.indirect_vreg.gather [hbm4b:s4+s3], $0x80, v4, vm0, $0xb8;
	[tilespmem:$0x18500] =	vst v63  }
0x1d2: {  	s8 =	simm.s32 $0xDD00  }
0x1d3: {  	[tilespmem:s8], [sflag:$0x2] =	stream.indirect_vreg.gather [hbm4b:s4+s3], $0x80, v3, vm0, $0xb8;
	[tilespmem:$0x18500] =	vst v63  }
0x1d4: {  	v3 =	vld [tilespmem:$0x260];
	_ =	sdelay $0x4  }
0x1d5: {  	v62 =	vshll.u32 v3, $0x1  }
0x1d6: {  	v3 =	vand.u32 $0x7, v3;
	v4 =	vand.u32 $0xFFFFFFF0, v62  }
0x1d7: {  	v3 =	vor.u32 v3, v4  }
0x1d8: {  	v4 =	vperm.xlane v3, v0;
	_ =	sdelay $0x1  }
0x1d9: {  	v3 =	vperm.xlane v3, v2;
	v4 =	vadd.s32 v1, v4;
	_ =	sdelay $0x1  }
0x1da: {  	v3 =	vadd.s32 v1, v3;
	_ =	sdelay $0x1  }
0x1db: {  	s9 =	simm.s32 $0xE500  }
0x1dc: {  	[tilespmem:s9], [sflag:$0x2] =	stream.indirect_vreg.gather [hbm4b:s4+s3], $0x80, v4, vm0, $0xb8;
	[tilespmem:$0x18500] =	vst v63  }
0x1dd: {  	s10 =	simm.s32 $0xED00  }
0x1de: {  	[tilespmem:s10], [sflag:$0x2] =	stream.indirect_vreg.gather [hbm4b:s4+s3], $0x80, v3, vm0, $0xb8;
	[tilespmem:$0x18500] =	vst v63  }
0x1df: {  	v3 =	vld [tilespmem:$0x270];
	_ =	sdelay $0x4  }
0x1e0: {  	v63 =	vshll.u32 v3, $0x1  }
0x1e1: {  	v3 =	vand.u32 $0x7, v3;
	v4 =	vand.u32 $0xFFFFFFF0, v63  }
0x1e2: {  	v3 =	vor.u32 v3, v4  }
0x1e3: {  	v4 =	vperm.xlane v3, v0  }
0x1e4: {  	s22 =	simm.s32 $0x1500  }
0x1e5: {  	s23 =	simm.s32 $0x1D00;
	s24 =	simm.s32 $0x2500;
	s21 =	simm.s32 $0xD00;
	v3 =	vperm.xlane v3, v2;
	v4 =	vadd.s32 v1, v4  }
0x1e6: {  	s6 =	simm.s32 $0x8D00;
	s20 =	simm.s32 $0xCD00;
	s28 =	simm.s32 $0x3D00  }
0x1e7: {  	s29 =	simm.s32 $0x4500;
	s30 =	simm.s32 $0x4D00;
	s31 =	simm.s32 $0x5500;
	v3 =	vadd.s32 v1, v3  }
0x1e8: {  	s18 =	simm.s32 $0xFD00;
	s16 =	simm.s32 $0xED00;
	s26 =	simm.s32 $0x10500  }
0x1e9: {  	s0 =	simm.s32 $0x6500;
	s19 =	simm.s32 $0x3;
	s12 =	simm.s32 $0xF500  }
0x1ea: {  	[tilespmem:s12], [sflag:$0x2] =	stream.indirect_vreg.gather [hbm4b:s4+s3], $0x80, v4, vm0, $0xb8;
	[tilespmem:$0x18500] =	vst v63  }
0x1eb: {  	s13 =	simm.s32 $0xFD00;
	s15 =	simm.s32 $0xD500;
	s14 =	simm.s32 $0xDD00  }
0x1ec: {  	[tilespmem:s13], [sflag:$0x2] =	stream.indirect_vreg.gather [hbm4b:s4+s3], $0x80, v3, vm0, $0xb8;
	[tilespmem:$0x18500] =	vst v63  }
0x1ed: {  	s1 =	simm.s32 $0x5D00;
	s2 =	simm.s32 $0xE500;
	_ =	swait.ge [sflag:s19], $0x8000  }
0x1ee: {  	s8 =	simm.s32 $0x6D00;
	s10 =	simm.s32 $0xF500;
	[sflag:s19] =	ssyncset.done $0x0  }
0x1ef: {  	s12 =	simm.s32 $0x8500;
	s25 =	rddreg [dreg:$0x5];
	[sflag:s19] =	ssyncadd.s32 $0xFFFF8000  }
0x1f0: {  	[hbm4b:s25+s3] =	stream.linear.scatter [tilespmem:s26], [sflag:$0x4], $0x8000, $0x38;
	[tilespmem:$0x18500] =	vst v63  }
0x1f1: {  	s13 =	simm.s32 $0x10500;
	s25 =	simm.s32 $0x2D00;
	s26 =	simm.s32 $0x3500  }
.LBB2_4:
0x1f2: {  	_ =	swait.ge [sflag:s5], $0x8000  }
0x1f3: {  	s7 =	simm.s32 @!p1 $0x10500;
	[sflag:s5] =	ssyncset.done $0x0  }
0x1f4: {  	s9 =	rddreg [dreg:$0xe];
	[sflag:s5] =	ssyncadd.s32 $0xFFFF8000;
	s5 =	simm.s32 @!p1 $0x0  }
0x1f5: {  	[hbm4b:s9+s5] =	stream.linear.scatter @!p1 [tilespmem:s7], [sflag:$0x4], $0x4000, $0x38;
	[tilespmem:$0x18500] =	vst v63  }
.Ltmp4:
0x1f6: {  	_ = 	snop;
	(pc) =	sbr.rel @p0 .LBB2_6-.Ltmp4, $4  }
0x1f7: {  	s5 =	simm.s32 @!p1 $0x4  }
0x1f8: {  	_ =	swait.ge @!p1 [sflag:s5], $0x4000  }
0x1f9: {  	[sflag:s5] =	ssyncset.done @!p1 $0x0  }
0x1fa: {  	s19 =	simm.s32 $0x500;
	[sflag:s5] =	ssyncadd.s32 @!p1 $0xFFFFC000;
	s5 =	simm.s32 $0x9E00  }
0x1fb: {  	v3 =	vld [tilespmem:$0x280];
	_ =	sdelay $0x4  }
0x1fc: {  	v4 =	vshll.u32 v3, $0x1  }
0x1fd: {  	v3 =	vand.u32 $0x7, v3;
	v4 =	vand.u32 $0xFFFFFFF0, v4  }
0x1fe: {  	v3 =	vor.u32 v3, v4  }
0x1ff: {  	v4 =	vperm.xlane v3, v0;
	_ =	sdelay $0x1  }
0x200: {  	v3 =	vperm.xlane v3, v2;
	v4 =	vadd.s32 v1, v4;
	_ =	sdelay $0x1  }
0x201: {  	v3 =	vadd.s32 v1, v3;
	_ =	sdelay $0x2  }
0x202: {  	[tilespmem:s13], [sflag:$0x3] =	stream.indirect_vreg.gather [hbm4b:s4+s3], $0x80, v4, vm0, $0xb8;
	[tilespmem:$0x18500] =	vst v63  }
0x203: {  	s5 =	simm.s32 $0x10D00  }
0x204: {  	[tilespmem:s5], [sflag:$0x3] =	stream.indirect_vreg.gather [hbm4b:s4+s3], $0x80, v3, vm0, $0xb8;
	[tilespmem:$0x18500] =	vst v63  }
0x205: {  	v3 =	vld [tilespmem:$0x290];
	_ =	sdelay $0x4  }
0x206: {  	v49 =	vshll.u32 v3, $0x1  }
0x207: {  	v3 =	vand.u32 $0x7, v3;
	v4 =	vand.u32 $0xFFFFFFF0, v49  }
0x208: {  	v3 =	vor.u32 v3, v4  }
0x209: {  	v4 =	vperm.xlane v3, v0;
	_ =	sdelay $0x1  }
0x20a: {  	v3 =	vperm.xlane v3, v2;
	v4 =	vadd.s32 v1, v4;
	_ =	sdelay $0x1  }
0x20b: {  	v3 =	vadd.s32 v1, v3;
	_ =	sdelay $0x1  }
0x20c: {  	s7 =	simm.s32 $0x11500  }
0x20d: {  	[tilespmem:s7], [sflag:$0x3] =	stream.indirect_vreg.gather [hbm4b:s4+s3], $0x80, v4, vm0, $0xb8;
	[tilespmem:$0x18500] =	vst v63  }
0x20e: {  	s13 =	simm.s32 $0x11D00  }
0x20f: {  	[tilespmem:s13], [sflag:$0x3] =	stream.indirect_vreg.gather [hbm4b:s4+s3], $0x80, v3, vm0, $0xb8;
	[tilespmem:$0x18500] =	vst v63  }
0x210: {  	v3 =	vld [tilespmem:$0x2A0];
	_ =	sdelay $0x4  }
0x211: {  	v50 =	vshll.u32 v3, $0x1  }
0x212: {  	v3 =	vand.u32 $0x7, v3;
	v4 =	vand.u32 $0xFFFFFFF0, v50  }
0x213: {  	v3 =	vor.u32 v3, v4  }
0x214: {  	v4 =	vperm.xlane v3, v0;
	_ =	sdelay $0x1  }
0x215: {  	v3 =	vperm.xlane v3, v2;
	v4 =	vadd.s32 v1, v4;
	_ =	sdelay $0x1  }
0x216: {  	v3 =	vadd.s32 v1, v3;
	_ =	sdelay $0x1  }
0x217: {  	s7 =	simm.s32 $0x12500  }
0x218: {  	[tilespmem:s7], [sflag:$0x3] =	stream.indirect_vreg.gather [hbm4b:s4+s3], $0x80, v4, vm0, $0xb8;
	[tilespmem:$0x18500] =	vst v63  }
0x219: {  	s13 =	simm.s32 $0x12D00  }
0x21a: {  	[tilespmem:s13], [sflag:$0x3] =	stream.indirect_vreg.gather [hbm4b:s4+s3], $0x80, v3, vm0, $0xb8;
	[tilespmem:$0x18500] =	vst v63  }
0x21b: {  	v3 =	vld [tilespmem:$0x2B0];
	_ =	sdelay $0x4  }
0x21c: {  	v51 =	vshll.u32 v3, $0x1  }
0x21d: {  	v3 =	vand.u32 $0x7, v3;
	v4 =	vand.u32 $0xFFFFFFF0, v51  }
0x21e: {  	v3 =	vor.u32 v3, v4  }
0x21f: {  	v4 =	vperm.xlane v3, v0;
	_ =	sdelay $0x1  }
0x220: {  	v3 =	vperm.xlane v3, v2;
	v4 =	vadd.s32 v1, v4;
	_ =	sdelay $0x1  }
0x221: {  	v3 =	vadd.s32 v1, v3;
	_ =	sdelay $0x1  }
0x222: {  	s7 =	simm.s32 $0x13500  }
0x223: {  	[tilespmem:s7], [sflag:$0x3] =	stream.indirect_vreg.gather [hbm4b:s4+s3], $0x80, v4, vm0, $0xb8;
	[tilespmem:$0x18500] =	vst v63  }
0x224: {  	s13 =	simm.s32 $0x13D00  }
0x225: {  	[tilespmem:s13], [sflag:$0x3] =	stream.indirect_vreg.gather [hbm4b:s4+s3], $0x80, v3, vm0, $0xb8;
	[tilespmem:$0x18500] =	vst v63  }
0x226: {  	v3 =	vld [tilespmem:$0x2C0];
	_ =	sdelay $0x4  }
0x227: {  	v52 =	vshll.u32 v3, $0x1  }
0x228: {  	v3 =	vand.u32 $0x7, v3;
	v4 =	vand.u32 $0xFFFFFFF0, v52  }
0x229: {  	v3 =	vor.u32 v3, v4  }
0x22a: {  	v4 =	vperm.xlane v3, v0;
	_ =	sdelay $0x1  }
0x22b: {  	v3 =	vperm.xlane v3, v2;
	v4 =	vadd.s32 v1, v4;
	_ =	sdelay $0x1  }
0x22c: {  	v3 =	vadd.s32 v1, v3;
	_ =	sdelay $0x1  }
0x22d: {  	s7 =	simm.s32 $0x14500  }
0x22e: {  	[tilespmem:s7], [sflag:$0x3] =	stream.indirect_vreg.gather [hbm4b:s4+s3], $0x80, v4, vm0, $0xb8;
	[tilespmem:$0x18500] =	vst v63  }
0x22f: {  	s13 =	simm.s32 $0x14D00  }
0x230: {  	[tilespmem:s13], [sflag:$0x3] =	stream.indirect_vreg.gather [hbm4b:s4+s3], $0x80, v3, vm0, $0xb8;
	[tilespmem:$0x18500] =	vst v63  }
0x231: {  	v3 =	vld [tilespmem:$0x2D0];
	_ =	sdelay $0x4  }
0x232: {  	v53 =	vshll.u32 v3, $0x1  }
0x233: {  	v3 =	vand.u32 $0x7, v3;
	v4 =	vand.u32 $0xFFFFFFF0, v53  }
0x234: {  	v3 =	vor.u32 v3, v4  }
0x235: {  	v4 =	vperm.xlane v3, v0;
	_ =	sdelay $0x1  }
0x236: {  	v3 =	vperm.xlane v3, v2;
	v4 =	vadd.s32 v1, v4;
	_ =	sdelay $0x1  }
0x237: {  	v3 =	vadd.s32 v1, v3;
	_ =	sdelay $0x1  }
0x238: {  	s7 =	simm.s32 $0x15500  }
0x239: {  	[tilespmem:s7], [sflag:$0x3] =	stream.indirect_vreg.gather [hbm4b:s4+s3], $0x80, v4, vm0, $0xb8;
	[tilespmem:$0x18500] =	vst v63  }
0x23a: {  	s13 =	simm.s32 $0x15D00  }
0x23b: {  	[tilespmem:s13], [sflag:$0x3] =	stream.indirect_vreg.gather [hbm4b:s4+s3], $0x80, v3, vm0, $0xb8;
	[tilespmem:$0x18500] =	vst v63  }
0x23c: {  	v3 =	vld [tilespmem:$0x2E0];
	_ =	sdelay $0x4  }
0x23d: {  	v54 =	vshll.u32 v3, $0x1  }
0x23e: {  	v3 =	vand.u32 $0x7, v3;
	v4 =	vand.u32 $0xFFFFFFF0, v54  }
0x23f: {  	v3 =	vor.u32 v3, v4  }
0x240: {  	v4 =	vperm.xlane v3, v0;
	_ =	sdelay $0x1  }
0x241: {  	v3 =	vperm.xlane v3, v2;
	v4 =	vadd.s32 v1, v4;
	_ =	sdelay $0x1  }
0x242: {  	v3 =	vadd.s32 v1, v3;
	_ =	sdelay $0x1  }
0x243: {  	s7 =	simm.s32 $0x16500  }
0x244: {  	[tilespmem:s7], [sflag:$0x3] =	stream.indirect_vreg.gather [hbm4b:s4+s3], $0x80, v4, vm0, $0xb8;
	[tilespmem:$0x18500] =	vst v63  }
0x245: {  	s13 =	simm.s32 $0x16D00  }
0x246: {  	[tilespmem:s13], [sflag:$0x3] =	stream.indirect_vreg.gather [hbm4b:s4+s3], $0x80, v3, vm0, $0xb8;
	[tilespmem:$0x18500] =	vst v63  }
0x247: {  	v3 =	vld [tilespmem:$0x2F0];
	_ =	sdelay $0x4  }
0x248: {  	v55 =	vshll.u32 v3, $0x1  }
0x249: {  	v3 =	vand.u32 $0x7, v3;
	v4 =	vand.u32 $0xFFFFFFF0, v55  }
0x24a: {  	v3 =	vor.u32 v3, v4  }
0x24b: {  	v4 =	vperm.xlane v3, v0;
	_ =	sdelay $0x1  }
0x24c: {  	v3 =	vperm.xlane v3, v2;
	v4 =	vadd.s32 v1, v4;
	_ =	sdelay $0x1  }
0x24d: {  	v3 =	vadd.s32 v1, v3;
	_ =	sdelay $0x1  }
0x24e: {  	s7 =	simm.s32 $0x17500  }
0x24f: {  	[tilespmem:s7], [sflag:$0x3] =	stream.indirect_vreg.gather [hbm4b:s4+s3], $0x80, v4, vm0, $0xb8;
	[tilespmem:$0x18500] =	vst v63  }
0x250: {  	s13 =	simm.s32 $0x17D00;
	s7 =	simm.s32 $0x1  }
0x251: {  	[tilespmem:s13], [sflag:$0x3] =	stream.indirect_vreg.gather [hbm4b:s4+s3], $0x80, v3, vm0, $0xb8;
	[tilespmem:$0x18500] =	vst v63  }
0x252: {  	_ =	swait.ge [sflag:s7], $0x8000  }
0x253: {  	[sflag:s7] =	ssyncset.done $0x0  }
0x254: {  	s13 =	rddreg [dreg:$0x6];
	[sflag:s7] =	ssyncadd.s32 $0xFFFF8000  }
0x255: {  	[hbm4b:s13+s3] =	stream.linear.scatter [tilespmem:s19], [sflag:$0x4], $0x8000, $0x38;
	[tilespmem:$0x18500] =	vst v63  }
0x256: {  	_ =	swait.ge [sflag:s11], $0x8000  }
0x257: {  	[sflag:s11] =	ssyncset.done $0x0  }
0x258: {  	[sflag:s11] =	ssyncadd.s32 $0xFFFF8000  }
0x259: {  	v3 =	vld [tilespmem:$0x300];
	_ =	sdelay $0x4  }
0x25a: {  	v56 =	vshll.u32 v3, $0x1  }
0x25b: {  	v3 =	vand.u32 $0x7, v3;
	v4 =	vand.u32 $0xFFFFFFF0, v56  }
0x25c: {  	v3 =	vor.u32 v3, v4  }
0x25d: {  	v4 =	vperm.xlane v3, v0;
	_ =	sdelay $0x1  }
0x25e: {  	v3 =	vperm.xlane v3, v2;
	v4 =	vadd.s32 v1, v4;
	_ =	sdelay $0x1  }
0x25f: {  	v3 =	vadd.s32 v1, v3;
	_ =	sdelay $0x2  }
0x260: {  	[tilespmem:s19], [sflag:$0x1] =	stream.indirect_vreg.gather [hbm4b:s4+s3], $0x80, v4, vm0, $0xb8;
	[tilespmem:$0x18500] =	vst v63  }
0x261: {  	_ = 	snop  }
0x262: {  	[tilespmem:s21], [sflag:$0x1] =	stream.indirect_vreg.gather [hbm4b:s4+s3], $0x80, v3, vm0, $0xb8;
	[tilespmem:$0x18500] =	vst v63  }
0x263: {  	v3 =	vld [tilespmem:$0x310];
	_ =	sdelay $0x4  }
0x264: {  	v57 =	vshll.u32 v3, $0x1  }
0x265: {  	v3 =	vand.u32 $0x7, v3;
	v4 =	vand.u32 $0xFFFFFFF0, v57  }
0x266: {  	v3 =	vor.u32 v3, v4  }
0x267: {  	v4 =	vperm.xlane v3, v0;
	_ =	sdelay $0x1  }
0x268: {  	v3 =	vperm.xlane v3, v2;
	v4 =	vadd.s32 v1, v4;
	_ =	sdelay $0x1  }
0x269: {  	v3 =	vadd.s32 v1, v3;
	_ =	sdelay $0x2  }
0x26a: {  	[tilespmem:s22], [sflag:$0x1] =	stream.indirect_vreg.gather [hbm4b:s4+s3], $0x80, v4, vm0, $0xb8;
	[tilespmem:$0x18500] =	vst v63  }
0x26b: {  	_ = 	snop  }
0x26c: {  	[tilespmem:s23], [sflag:$0x1] =	stream.indirect_vreg.gather [hbm4b:s4+s3], $0x80, v3, vm0, $0xb8;
	[tilespmem:$0x18500] =	vst v63  }
0x26d: {  	v3 =	vld [tilespmem:$0x320];
	_ =	sdelay $0x4  }
0x26e: {  	v58 =	vshll.u32 v3, $0x1  }
0x26f: {  	v3 =	vand.u32 $0x7, v3;
	v4 =	vand.u32 $0xFFFFFFF0, v58  }
0x270: {  	v3 =	vor.u32 v3, v4  }
0x271: {  	v4 =	vperm.xlane v3, v0;
	_ =	sdelay $0x1  }
0x272: {  	v3 =	vperm.xlane v3, v2;
	v4 =	vadd.s32 v1, v4;
	_ =	sdelay $0x1  }
0x273: {  	v3 =	vadd.s32 v1, v3;
	_ =	sdelay $0x2  }
0x274: {  	[tilespmem:s24], [sflag:$0x1] =	stream.indirect_vreg.gather [hbm4b:s4+s3], $0x80, v4, vm0, $0xb8;
	[tilespmem:$0x18500] =	vst v63  }
0x275: {  	_ = 	snop  }
0x276: {  	[tilespmem:s25], [sflag:$0x1] =	stream.indirect_vreg.gather [hbm4b:s4+s3], $0x80, v3, vm0, $0xb8;
	[tilespmem:$0x18500] =	vst v63  }
0x277: {  	v3 =	vld [tilespmem:$0x330];
	_ =	sdelay $0x4  }
0x278: {  	v59 =	vshll.u32 v3, $0x1  }
0x279: {  	v3 =	vand.u32 $0x7, v3;
	v4 =	vand.u32 $0xFFFFFFF0, v59  }
0x27a: {  	v3 =	vor.u32 v3, v4  }
0x27b: {  	v4 =	vperm.xlane v3, v0;
	_ =	sdelay $0x1  }
0x27c: {  	v3 =	vperm.xlane v3, v2;
	v4 =	vadd.s32 v1, v4;
	_ =	sdelay $0x1  }
0x27d: {  	v3 =	vadd.s32 v1, v3;
	_ =	sdelay $0x2  }
0x27e: {  	[tilespmem:s26], [sflag:$0x1] =	stream.indirect_vreg.gather [hbm4b:s4+s3], $0x80, v4, vm0, $0xb8;
	[tilespmem:$0x18500] =	vst v63  }
0x27f: {  	_ = 	snop  }
0x280: {  	[tilespmem:s28], [sflag:$0x1] =	stream.indirect_vreg.gather [hbm4b:s4+s3], $0x80, v3, vm0, $0xb8;
	[tilespmem:$0x18500] =	vst v63  }
0x281: {  	v3 =	vld [tilespmem:$0x340];
	_ =	sdelay $0x4  }
0x282: {  	v60 =	vshll.u32 v3, $0x1  }
0x283: {  	v3 =	vand.u32 $0x7, v3;
	v4 =	vand.u32 $0xFFFFFFF0, v60  }
0x284: {  	v3 =	vor.u32 v3, v4  }
0x285: {  	v4 =	vperm.xlane v3, v0;
	_ =	sdelay $0x1  }
0x286: {  	v3 =	vperm.xlane v3, v2;
	v4 =	vadd.s32 v1, v4;
	_ =	sdelay $0x1  }
0x287: {  	v3 =	vadd.s32 v1, v3;
	_ =	sdelay $0x2  }
0x288: {  	[tilespmem:s29], [sflag:$0x1] =	stream.indirect_vreg.gather [hbm4b:s4+s3], $0x80, v4, vm0, $0xb8;
	[tilespmem:$0x18500] =	vst v63  }
0x289: {  	_ = 	snop  }
0x28a: {  	[tilespmem:s30], [sflag:$0x1] =	stream.indirect_vreg.gather [hbm4b:s4+s3], $0x80, v3, vm0, $0xb8;
	[tilespmem:$0x18500] =	vst v63  }
0x28b: {  	v3 =	vld [tilespmem:$0x350];
	_ =	sdelay $0x4  }
0x28c: {  	v61 =	vshll.u32 v3, $0x1  }
0x28d: {  	v3 =	vand.u32 $0x7, v3;
	v4 =	vand.u32 $0xFFFFFFF0, v61  }
0x28e: {  	v3 =	vor.u32 v3, v4  }
0x28f: {  	v4 =	vperm.xlane v3, v0;
	_ =	sdelay $0x1  }
0x290: {  	v3 =	vperm.xlane v3, v2;
	v4 =	vadd.s32 v1, v4;
	_ =	sdelay $0x1  }
0x291: {  	v3 =	vadd.s32 v1, v3;
	_ =	sdelay $0x2  }
0x292: {  	[tilespmem:s31], [sflag:$0x1] =	stream.indirect_vreg.gather [hbm4b:s4+s3], $0x80, v4, vm0, $0xb8;
	[tilespmem:$0x18500] =	vst v63  }
0x293: {  	_ = 	snop  }
0x294: {  	[tilespmem:s1], [sflag:$0x1] =	stream.indirect_vreg.gather [hbm4b:s4+s3], $0x80, v3, vm0, $0xb8;
	[tilespmem:$0x18500] =	vst v63  }
0x295: {  	v3 =	vld [tilespmem:$0x360];
	_ =	sdelay $0x4  }
0x296: {  	v62 =	vshll.u32 v3, $0x1  }
0x297: {  	v3 =	vand.u32 $0x7, v3;
	v4 =	vand.u32 $0xFFFFFFF0, v62  }
0x298: {  	v3 =	vor.u32 v3, v4  }
0x299: {  	v4 =	vperm.xlane v3, v0;
	_ =	sdelay $0x1  }
0x29a: {  	v3 =	vperm.xlane v3, v2;
	v4 =	vadd.s32 v1, v4;
	_ =	sdelay $0x1  }
0x29b: {  	v3 =	vadd.s32 v1, v3;
	_ =	sdelay $0x2  }
0x29c: {  	[tilespmem:s0], [sflag:$0x1] =	stream.indirect_vreg.gather [hbm4b:s4+s3], $0x80, v4, vm0, $0xb8;
	[tilespmem:$0x18500] =	vst v63  }
0x29d: {  	_ = 	snop  }
0x29e: {  	[tilespmem:s8], [sflag:$0x1] =	stream.indirect_vreg.gather [hbm4b:s4+s3], $0x80, v3, vm0, $0xb8;
	[tilespmem:$0x18500] =	vst v63  }
0x29f: {  	v3 =	vld [tilespmem:$0x370];
	_ =	sdelay $0x4  }
0x2a0: {  	v63 =	vshll.u32 v3, $0x1  }
0x2a1: {  	v3 =	vand.u32 $0x7, v3;
	v4 =	vand.u32 $0xFFFFFFF0, v63  }
0x2a2: {  	v3 =	vor.u32 v3, v4  }
0x2a3: {  	v4 =	vperm.xlane v3, v0;
	_ =	sdelay $0x1  }
0x2a4: {  	v3 =	vperm.xlane v3, v2;
	v4 =	vadd.s32 v1, v4;
	_ =	sdelay $0x1  }
0x2a5: {  	v3 =	vadd.s32 v1, v3;
	_ =	sdelay $0x1  }
0x2a6: {  	s21 =	simm.s32 $0x7500  }
0x2a7: {  	[tilespmem:s21], [sflag:$0x1] =	stream.indirect_vreg.gather [hbm4b:s4+s3], $0x80, v4, vm0, $0xb8;
	[tilespmem:$0x18500] =	vst v63  }
0x2a8: {  	s22 =	simm.s32 $0x7D00;
	s23 =	simm.s32 $0x2  }
0x2a9: {  	[tilespmem:s22], [sflag:$0x1] =	stream.indirect_vreg.gather [hbm4b:s4+s3], $0x80, v3, vm0, $0xb8;
	[tilespmem:$0x18500] =	vst v63  }
0x2aa: {  	_ =	swait.ge [sflag:s23], $0x8000  }
0x2ab: {  	[sflag:s23] =	ssyncset.done $0x0  }
0x2ac: {  	s24 =	rddreg [dreg:$0x8];
	[sflag:s23] =	ssyncadd.s32 $0xFFFF8000  }
0x2ad: {  	[hbm4b:s24+s3] =	stream.linear.scatter [tilespmem:s12], [sflag:$0x4], $0x8000, $0x38;
	[tilespmem:$0x18500] =	vst v63  }
0x2ae: {  	_ =	swait.ge [sflag:s11], $0x8000  }
0x2af: {  	[sflag:s11] =	ssyncset.done $0x0  }
0x2b0: {  	s5 =	rddreg [dreg:$0x7];
	[sflag:s11] =	ssyncadd.s32 $0xFFFF8000  }
.LBB2_6:
0x2b1: {  	s7 =	simm.s32 @!p2 $0x0;
	s13 =	simm.s32 @!p2 $0x8500  }
0x2b2: {  	[hbm4b:s9+s7] =	stream.linear.scatter @!p2 [tilespmem:s13], [sflag:$0x4], $0x4000, $0x38;
	[tilespmem:$0x18500] =	vst v63  }
.Ltmp5:
0x2b3: {  	_ = 	snop;
	(pc) =	sbr.rel @p0 .LBB2_8-.Ltmp5, $4  }
0x2b4: {  	s7 =	simm.s32 @!p2 $0x4  }
0x2b5: {  	_ =	swait.ge @!p2 [sflag:s7], $0x4000  }
0x2b6: {  	s23 =	simm.s32 $0xA500;
	[sflag:s7] =	ssyncset.done @!p2 $0x0  }
0x2b7: {  	s24 =	simm.s32 $0xC500;
	[sflag:s7] =	ssyncadd.s32 @!p2 $0xFFFFC000;
	s7 =	simm.s32 $0x9F00  }
0x2b8: {  	v3 =	vld [tilespmem:$0x380];
	_ =	sdelay $0x4  }
0x2b9: {  	v4 =	vshll.u32 v3, $0x1  }
0x2ba: {  	v3 =	vand.u32 $0x7, v3;
	v4 =	vand.u32 $0xFFFFFFF0, v4  }
0x2bb: {  	v3 =	vor.u32 v3, v4  }
0x2bc: {  	v4 =	vperm.xlane v3, v0;
	_ =	sdelay $0x1  }
0x2bd: {  	v3 =	vperm.xlane v3, v2;
	v4 =	vadd.s32 v1, v4;
	_ =	sdelay $0x1  }
0x2be: {  	v3 =	vadd.s32 v1, v3;
	_ =	sdelay $0x2  }
0x2bf: {  	[tilespmem:s12], [sflag:$0x2] =	stream.indirect_vreg.gather [hbm4b:s4+s3], $0x80, v4, vm0, $0xb8;
	[tilespmem:$0x18500] =	vst v63  }
0x2c0: {  	_ = 	snop  }
0x2c1: {  	[tilespmem:s6], [sflag:$0x2] =	stream.indirect_vreg.gather [hbm4b:s4+s3], $0x80, v3, vm0, $0xb8;
	[tilespmem:$0x18500] =	vst v63  }
0x2c2: {  	v3 =	vld [tilespmem:$0x390];
	_ =	sdelay $0x4  }
0x2c3: {  	v49 =	vshll.u32 v3, $0x1  }
0x2c4: {  	v3 =	vand.u32 $0x7, v3;
	v4 =	vand.u32 $0xFFFFFFF0, v49  }
0x2c5: {  	v3 =	vor.u32 v3, v4  }
0x2c6: {  	v4 =	vperm.xlane v3, v0;
	_ =	sdelay $0x1  }
0x2c7: {  	v3 =	vperm.xlane v3, v2;
	v4 =	vadd.s32 v1, v4;
	_ =	sdelay $0x1  }
0x2c8: {  	v3 =	vadd.s32 v1, v3;
	_ =	sdelay $0x1  }
0x2c9: {  	s7 =	simm.s32 $0x9500  }
0x2ca: {  	[tilespmem:s7], [sflag:$0x2] =	stream.indirect_vreg.gather [hbm4b:s4+s3], $0x80, v4, vm0, $0xb8;
	[tilespmem:$0x18500] =	vst v63  }
0x2cb: {  	s13 =	simm.s32 $0x9D00  }
0x2cc: {  	[tilespmem:s13], [sflag:$0x2] =	stream.indirect_vreg.gather [hbm4b:s4+s3], $0x80, v3, vm0, $0xb8;
	[tilespmem:$0x18500] =	vst v63  }
0x2cd: {  	v3 =	vld [tilespmem:$0x3A0];
	_ =	sdelay $0x4  }
0x2ce: {  	v50 =	vshll.u32 v3, $0x1  }
0x2cf: {  	v3 =	vand.u32 $0x7, v3;
	v4 =	vand.u32 $0xFFFFFFF0, v50  }
0x2d0: {  	v3 =	vor.u32 v3, v4  }
0x2d1: {  	v4 =	vperm.xlane v3, v0;
	_ =	sdelay $0x1  }
0x2d2: {  	v3 =	vperm.xlane v3, v2;
	v4 =	vadd.s32 v1, v4;
	_ =	sdelay $0x1  }
0x2d3: {  	v3 =	vadd.s32 v1, v3;
	_ =	sdelay $0x2  }
0x2d4: {  	[tilespmem:s23], [sflag:$0x2] =	stream.indirect_vreg.gather [hbm4b:s4+s3], $0x80, v4, vm0, $0xb8;
	[tilespmem:$0x18500] =	vst v63  }
0x2d5: {  	s21 =	simm.s32 $0xAD00  }
0x2d6: {  	[tilespmem:s21], [sflag:$0x2] =	stream.indirect_vreg.gather [hbm4b:s4+s3], $0x80, v3, vm0, $0xb8;
	[tilespmem:$0x18500] =	vst v63  }
0x2d7: {  	v3 =	vld [tilespmem:$0x3B0];
	_ =	sdelay $0x4  }
0x2d8: {  	v51 =	vshll.u32 v3, $0x1  }
0x2d9: {  	v3 =	vand.u32 $0x7, v3;
	v4 =	vand.u32 $0xFFFFFFF0, v51  }
0x2da: {  	v3 =	vor.u32 v3, v4  }
0x2db: {  	v4 =	vperm.xlane v3, v0;
	_ =	sdelay $0x1  }
0x2dc: {  	v3 =	vperm.xlane v3, v2;
	v4 =	vadd.s32 v1, v4;
	_ =	sdelay $0x1  }
0x2dd: {  	v3 =	vadd.s32 v1, v3;
	_ =	sdelay $0x1  }
0x2de: {  	s22 =	simm.s32 $0xB500  }
0x2df: {  	[tilespmem:s22], [sflag:$0x2] =	stream.indirect_vreg.gather [hbm4b:s4+s3], $0x80, v4, vm0, $0xb8;
	[tilespmem:$0x18500] =	vst v63  }
0x2e0: {  	s7 =	simm.s32 $0xBD00  }
0x2e1: {  	[tilespmem:s7], [sflag:$0x2] =	stream.indirect_vreg.gather [hbm4b:s4+s3], $0x80, v3, vm0, $0xb8;
	[tilespmem:$0x18500] =	vst v63  }
0x2e2: {  	v3 =	vld [tilespmem:$0x3C0];
	_ =	sdelay $0x4  }
0x2e3: {  	v52 =	vshll.u32 v3, $0x1  }
0x2e4: {  	v3 =	vand.u32 $0x7, v3;
	v4 =	vand.u32 $0xFFFFFFF0, v52  }
0x2e5: {  	v3 =	vor.u32 v3, v4  }
0x2e6: {  	v4 =	vperm.xlane v3, v0;
	_ =	sdelay $0x1  }
0x2e7: {  	v3 =	vperm.xlane v3, v2;
	v4 =	vadd.s32 v1, v4;
	_ =	sdelay $0x1  }
0x2e8: {  	v3 =	vadd.s32 v1, v3;
	_ =	sdelay $0x2  }
0x2e9: {  	[tilespmem:s24], [sflag:$0x2] =	stream.indirect_vreg.gather [hbm4b:s4+s3], $0x80, v4, vm0, $0xb8;
	[tilespmem:$0x18500] =	vst v63  }
0x2ea: {  	_ = 	snop  }
0x2eb: {  	[tilespmem:s20], [sflag:$0x2] =	stream.indirect_vreg.gather [hbm4b:s4+s3], $0x80, v3, vm0, $0xb8;
	[tilespmem:$0x18500] =	vst v63  }
0x2ec: {  	v3 =	vld [tilespmem:$0x3D0];
	_ =	sdelay $0x4  }
0x2ed: {  	v53 =	vshll.u32 v3, $0x1  }
0x2ee: {  	v3 =	vand.u32 $0x7, v3;
	v4 =	vand.u32 $0xFFFFFFF0, v53  }
0x2ef: {  	v3 =	vor.u32 v3, v4  }
0x2f0: {  	v4 =	vperm.xlane v3, v0;
	_ =	sdelay $0x1  }
0x2f1: {  	v3 =	vperm.xlane v3, v2;
	v4 =	vadd.s32 v1, v4;
	_ =	sdelay $0x1  }
0x2f2: {  	v3 =	vadd.s32 v1, v3;
	_ =	sdelay $0x2  }
0x2f3: {  	[tilespmem:s15], [sflag:$0x2] =	stream.indirect_vreg.gather [hbm4b:s4+s3], $0x80, v4, vm0, $0xb8;
	[tilespmem:$0x18500] =	vst v63  }
0x2f4: {  	_ = 	snop  }
0x2f5: {  	[tilespmem:s14], [sflag:$0x2] =	stream.indirect_vreg.gather [hbm4b:s4+s3], $0x80, v3, vm0, $0xb8;
	[tilespmem:$0x18500] =	vst v63  }
0x2f6: {  	v3 =	vld [tilespmem:$0x3E0];
	_ =	sdelay $0x4  }
0x2f7: {  	v54 =	vshll.u32 v3, $0x1  }
0x2f8: {  	v3 =	vand.u32 $0x7, v3;
	v4 =	vand.u32 $0xFFFFFFF0, v54  }
0x2f9: {  	v3 =	vor.u32 v3, v4  }
0x2fa: {  	v4 =	vperm.xlane v3, v0;
	_ =	sdelay $0x1  }
0x2fb: {  	v3 =	vperm.xlane v3, v2;
	v4 =	vadd.s32 v1, v4;
	_ =	sdelay $0x1  }
0x2fc: {  	v3 =	vadd.s32 v1, v3;
	_ =	sdelay $0x2  }
0x2fd: {  	[tilespmem:s2], [sflag:$0x2] =	stream.indirect_vreg.gather [hbm4b:s4+s3], $0x80, v4, vm0, $0xb8;
	[tilespmem:$0x18500] =	vst v63  }
0x2fe: {  	_ = 	snop  }
0x2ff: {  	[tilespmem:s16], [sflag:$0x2] =	stream.indirect_vreg.gather [hbm4b:s4+s3], $0x80, v3, vm0, $0xb8;
	[tilespmem:$0x18500] =	vst v63  }
0x300: {  	v3 =	vld [tilespmem:$0x3F0];
	_ =	sdelay $0x4  }
0x301: {  	v55 =	vshll.u32 v3, $0x1  }
0x302: {  	v3 =	vand.u32 $0x7, v3;
	v4 =	vand.u32 $0xFFFFFFF0, v55  }
0x303: {  	v3 =	vor.u32 v3, v4  }
0x304: {  	v4 =	vperm.xlane v3, v0;
	_ =	sdelay $0x1  }
0x305: {  	v3 =	vperm.xlane v3, v2;
	v4 =	vadd.s32 v1, v4;
	_ =	sdelay $0x1  }
0x306: {  	v3 =	vadd.s32 v1, v3;
	_ =	sdelay $0x2  }
0x307: {  	[tilespmem:s10], [sflag:$0x2] =	stream.indirect_vreg.gather [hbm4b:s4+s3], $0x80, v4, vm0, $0xb8;
	[tilespmem:$0x18500] =	vst v63  }
0x308: {  	s13 =	simm.s32 $0x3  }
0x309: {  	[tilespmem:s18], [sflag:$0x2] =	stream.indirect_vreg.gather [hbm4b:s4+s3], $0x80, v3, vm0, $0xb8;
	[tilespmem:$0x18500] =	vst v63  }
0x30a: {  	_ =	swait.ge [sflag:s13], $0x8000  }
0x30b: {  	[sflag:s13] =	ssyncset.done $0x0  }
0x30c: {  	s14 =	simm.s32 $0x10500;
	s7 =	rddreg [dreg:$0x9];
	[sflag:s13] =	ssyncadd.s32 $0xFFFF8000  }
0x30d: {  	[hbm4b:s7+s3] =	stream.linear.scatter [tilespmem:s14], [sflag:$0x4], $0x8000, $0x38;
	[tilespmem:$0x18500] =	vst v63  }
0x30e: {  	_ =	swait.ge [sflag:s11], $0x8000  }
0x30f: {  	[sflag:s11] =	ssyncset.done $0x0  }
0x310: {  	[sflag:s11] =	ssyncadd.s32 $0xFFFF8000  }
0x311: {  	v3 =	vld [tilespmem:$0x400];
	_ =	sdelay $0x4  }
0x312: {  	v56 =	vshll.u32 v3, $0x1  }
0x313: {  	v3 =	vand.u32 $0x7, v3;
	v4 =	vand.u32 $0xFFFFFFF0, v56  }
0x314: {  	v3 =	vor.u32 v3, v4  }
0x315: {  	v4 =	vperm.xlane v3, v0;
	_ =	sdelay $0x1  }
0x316: {  	v3 =	vperm.xlane v3, v2;
	v4 =	vadd.s32 v1, v4;
	_ =	sdelay $0x1  }
0x317: {  	v3 =	vadd.s32 v1, v3;
	_ =	sdelay $0x2  }
0x318: {  	[tilespmem:s14], [sflag:$0x3] =	stream.indirect_vreg.gather [hbm4b:s4+s3], $0x80, v4, vm0, $0xb8;
	[tilespmem:$0x18500] =	vst v63  }
0x319: {  	s15 =	simm.s32 $0x10D00  }
0x31a: {  	[tilespmem:s15], [sflag:$0x3] =	stream.indirect_vreg.gather [hbm4b:s4+s3], $0x80, v3, vm0, $0xb8;
	[tilespmem:$0x18500] =	vst v63  }
0x31b: {  	v3 =	vld [tilespmem:$0x410];
	_ =	sdelay $0x4  }
0x31c: {  	v57 =	vshll.u32 v3, $0x1  }
0x31d: {  	v3 =	vand.u32 $0x7, v3;
	v4 =	vand.u32 $0xFFFFFFF0, v57  }
0x31e: {  	v3 =	vor.u32 v3, v4  }
0x31f: {  	v4 =	vperm.xlane v3, v0;
	_ =	sdelay $0x1  }
0x320: {  	v3 =	vperm.xlane v3, v2;
	v4 =	vadd.s32 v1, v4;
	_ =	sdelay $0x1  }
0x321: {  	v3 =	vadd.s32 v1, v3;
	_ =	sdelay $0x1  }
0x322: {  	s16 =	simm.s32 $0x11500  }
0x323: {  	[tilespmem:s16], [sflag:$0x3] =	stream.indirect_vreg.gather [hbm4b:s4+s3], $0x80, v4, vm0, $0xb8;
	[tilespmem:$0x18500] =	vst v63  }
0x324: {  	s18 =	simm.s32 $0x11D00  }
0x325: {  	[tilespmem:s18], [sflag:$0x3] =	stream.indirect_vreg.gather [hbm4b:s4+s3], $0x80, v3, vm0, $0xb8;
	[tilespmem:$0x18500] =	vst v63  }
0x326: {  	v3 =	vld [tilespmem:$0x420];
	_ =	sdelay $0x4  }
0x327: {  	v58 =	vshll.u32 v3, $0x1  }
0x328: {  	v3 =	vand.u32 $0x7, v3;
	v4 =	vand.u32 $0xFFFFFFF0, v58  }
0x329: {  	v3 =	vor.u32 v3, v4  }
0x32a: {  	v4 =	vperm.xlane v3, v0;
	_ =	sdelay $0x1  }
0x32b: {  	v3 =	vperm.xlane v3, v2;
	v4 =	vadd.s32 v1, v4;
	_ =	sdelay $0x1  }
0x32c: {  	v3 =	vadd.s32 v1, v3;
	_ =	sdelay $0x1  }
0x32d: {  	s20 =	simm.s32 $0x12500  }
0x32e: {  	[tilespmem:s20], [sflag:$0x3] =	stream.indirect_vreg.gather [hbm4b:s4+s3], $0x80, v4, vm0, $0xb8;
	[tilespmem:$0x18500] =	vst v63  }
0x32f: {  	s21 =	simm.s32 $0x12D00  }
0x330: {  	[tilespmem:s21], [sflag:$0x3] =	stream.indirect_vreg.gather [hbm4b:s4+s3], $0x80, v3, vm0, $0xb8;
	[tilespmem:$0x18500] =	vst v63  }
0x331: {  	v3 =	vld [tilespmem:$0x430];
	_ =	sdelay $0x4  }
0x332: {  	v59 =	vshll.u32 v3, $0x1  }
0x333: {  	v3 =	vand.u32 $0x7, v3;
	v4 =	vand.u32 $0xFFFFFFF0, v59  }
0x334: {  	v3 =	vor.u32 v3, v4  }
0x335: {  	v4 =	vperm.xlane v3, v0;
	_ =	sdelay $0x1  }
0x336: {  	v3 =	vperm.xlane v3, v2;
	v4 =	vadd.s32 v1, v4;
	_ =	sdelay $0x1  }
0x337: {  	v3 =	vadd.s32 v1, v3;
	_ =	sdelay $0x1  }
0x338: {  	s22 =	simm.s32 $0x13500  }
0x339: {  	[tilespmem:s22], [sflag:$0x3] =	stream.indirect_vreg.gather [hbm4b:s4+s3], $0x80, v4, vm0, $0xb8;
	[tilespmem:$0x18500] =	vst v63  }
0x33a: {  	s6 =	simm.s32 $0x13D00  }
0x33b: {  	[tilespmem:s6], [sflag:$0x3] =	stream.indirect_vreg.gather [hbm4b:s4+s3], $0x80, v3, vm0, $0xb8;
	[tilespmem:$0x18500] =	vst v63  }
0x33c: {  	v3 =	vld [tilespmem:$0x440];
	_ =	sdelay $0x4  }
0x33d: {  	v60 =	vshll.u32 v3, $0x1  }
0x33e: {  	v3 =	vand.u32 $0x7, v3;
	v4 =	vand.u32 $0xFFFFFFF0, v60  }
0x33f: {  	v3 =	vor.u32 v3, v4  }
0x340: {  	v4 =	vperm.xlane v3, v0;
	_ =	sdelay $0x1  }
0x341: {  	v3 =	vperm.xlane v3, v2;
	v4 =	vadd.s32 v1, v4;
	_ =	sdelay $0x1  }
0x342: {  	v3 =	vadd.s32 v1, v3;
	_ =	sdelay $0x1  }
0x343: {  	s7 =	simm.s32 $0x14500  }
0x344: {  	[tilespmem:s7], [sflag:$0x3] =	stream.indirect_vreg.gather [hbm4b:s4+s3], $0x80, v4, vm0, $0xb8;
	[tilespmem:$0x18500] =	vst v63  }
0x345: {  	s10 =	simm.s32 $0x14D00  }
0x346: {  	[tilespmem:s10], [sflag:$0x3] =	stream.indirect_vreg.gather [hbm4b:s4+s3], $0x80, v3, vm0, $0xb8;
	[tilespmem:$0x18500] =	vst v63  }
0x347: {  	v3 =	vld [tilespmem:$0x450];
	_ =	sdelay $0x4  }
0x348: {  	v61 =	vshll.u32 v3, $0x1  }
0x349: {  	v3 =	vand.u32 $0x7, v3;
	v4 =	vand.u32 $0xFFFFFFF0, v61  }
0x34a: {  	v3 =	vor.u32 v3, v4  }
0x34b: {  	v4 =	vperm.xlane v3, v0;
	_ =	sdelay $0x1  }
0x34c: {  	v3 =	vperm.xlane v3, v2;
	v4 =	vadd.s32 v1, v4;
	_ =	sdelay $0x1  }
0x34d: {  	v3 =	vadd.s32 v1, v3;
	_ =	sdelay $0x1  }
0x34e: {  	s13 =	simm.s32 $0x15500  }
0x34f: {  	[tilespmem:s13], [sflag:$0x3] =	stream.indirect_vreg.gather [hbm4b:s4+s3], $0x80, v4, vm0, $0xb8;
	[tilespmem:$0x18500] =	vst v63  }
0x350: {  	s14 =	simm.s32 $0x15D00  }
0x351: {  	[tilespmem:s14], [sflag:$0x3] =	stream.indirect_vreg.gather [hbm4b:s4+s3], $0x80, v3, vm0, $0xb8;
	[tilespmem:$0x18500] =	vst v63  }
0x352: {  	v3 =	vld [tilespmem:$0x460];
	_ =	sdelay $0x4  }
0x353: {  	v62 =	vshll.u32 v3, $0x1  }
0x354: {  	v3 =	vand.u32 $0x7, v3;
	v4 =	vand.u32 $0xFFFFFFF0, v62  }
0x355: {  	v3 =	vor.u32 v3, v4  }
0x356: {  	v4 =	vperm.xlane v3, v0;
	_ =	sdelay $0x1  }
0x357: {  	v3 =	vperm.xlane v3, v2;
	v4 =	vadd.s32 v1, v4;
	_ =	sdelay $0x1  }
0x358: {  	v3 =	vadd.s32 v1, v3;
	_ =	sdelay $0x1  }
0x359: {  	s15 =	simm.s32 $0x16500  }
0x35a: {  	[tilespmem:s15], [sflag:$0x3] =	stream.indirect_vreg.gather [hbm4b:s4+s3], $0x80, v4, vm0, $0xb8;
	[tilespmem:$0x18500] =	vst v63  }
0x35b: {  	s16 =	simm.s32 $0x16D00  }
0x35c: {  	[tilespmem:s16], [sflag:$0x3] =	stream.indirect_vreg.gather [hbm4b:s4+s3], $0x80, v3, vm0, $0xb8;
	[tilespmem:$0x18500] =	vst v63  }
0x35d: {  	v3 =	vld [tilespmem:$0x470];
	_ =	sdelay $0x4  }
0x35e: {  	v63 =	vshll.u32 v3, $0x1  }
0x35f: {  	v3 =	vand.u32 $0x7, v3;
	v4 =	vand.u32 $0xFFFFFFF0, v63  }
0x360: {  	v3 =	vor.u32 v3, v4  }
0x361: {  	v4 =	vperm.xlane v3, v0;
	_ =	sdelay $0x1  }
0x362: {  	v3 =	vperm.xlane v3, v2;
	v4 =	vadd.s32 v1, v4;
	_ =	sdelay $0x1  }
0x363: {  	v3 =	vadd.s32 v1, v3;
	_ =	sdelay $0x1  }
0x364: {  	s18 =	simm.s32 $0x17500  }
0x365: {  	[tilespmem:s18], [sflag:$0x3] =	stream.indirect_vreg.gather [hbm4b:s4+s3], $0x80, v4, vm0, $0xb8;
	[tilespmem:$0x18500] =	vst v63  }
0x366: {  	s20 =	simm.s32 $0x17D00;
	s21 =	simm.s32 $0x1  }
0x367: {  	[tilespmem:s20], [sflag:$0x3] =	stream.indirect_vreg.gather [hbm4b:s4+s3], $0x80, v3, vm0, $0xb8;
	[tilespmem:$0x18500] =	vst v63  }
0x368: {  	_ =	swait.ge [sflag:s21], $0x8000  }
0x369: {  	[sflag:s21] =	ssyncset.done $0x0  }
0x36a: {  	[sflag:s21] =	ssyncadd.s32 $0xFFFF8000  }
0x36b: {  	s22 =	sshll.u32 s5, $0x5;
	s13 =	rddreg [dreg:$0x1]  }
0x36c: {  	s7 =	sadd.s32 s13, s22  }
0x36d: {  	[hbm4b:s7+s3] =	stream.linear.scatter [tilespmem:s19], [sflag:$0x4], $0x8000, $0x38;
	[tilespmem:$0x18500] =	vst v63  }
0x36e: {  	_ =	swait.ge [sflag:s11], $0x8000  }
0x36f: {  	[sflag:s11] =	ssyncset.done $0x0  }
0x370: {  	s7 =	rddreg [dreg:$0xa];
	[sflag:s11] =	ssyncadd.s32 $0xFFFF8000  }
.LBB2_8:
0x371: {  	p3 =	sne.s32 s5, $0x9C00  }
0x372: {  	s5 =	simm.s32 @!p3 $0x0;
	s13 =	simm.s32 @!p3 $0x500  }
0x373: {  	[hbm4b:s9+s5] =	stream.linear.scatter @!p3 [tilespmem:s13], [sflag:$0x4], $0x4000, $0x38;
	[tilespmem:$0x18500] =	vst v63  }
.Ltmp6:
0x374: {  	_ = 	snop;
	(pc) =	sbr.rel @p0 .LBB2_10-.Ltmp6, $4  }
0x375: {  	s5 =	simm.s32 @!p3 $0x4  }
0x376: {  	s6 =	simm.s32 $0xD00;
	_ =	swait.ge @!p3 [sflag:s5], $0x4000  }
0x377: {  	s20 =	simm.s32 $0x1500;
	s21 =	simm.s32 $0x1D00;
	[sflag:s5] =	ssyncset.done @!p3 $0x0  }
0x378: {  	s22 =	simm.s32 $0x2500;
	s18 =	simm.s32 $0x10500;
	[sflag:s5] =	ssyncadd.s32 @!p3 $0xFFFFC000  }
0x379: {  	v3 =	vld [tilespmem:$0x480];
	_ =	sdelay $0x4  }
0x37a: {  	v4 =	vshll.u32 v3, $0x1  }
0x37b: {  	v3 =	vand.u32 $0x7, v3;
	v4 =	vand.u32 $0xFFFFFFF0, v4  }
0x37c: {  	v3 =	vor.u32 v3, v4  }
0x37d: {  	v4 =	vperm.xlane v3, v0;
	_ =	sdelay $0x1  }
0x37e: {  	v3 =	vperm.xlane v3, v2;
	v4 =	vadd.s32 v1, v4;
	_ =	sdelay $0x1  }
0x37f: {  	v3 =	vadd.s32 v1, v3;
	_ =	sdelay $0x2  }
0x380: {  	[tilespmem:s19], [sflag:$0x1] =	stream.indirect_vreg.gather [hbm4b:s4+s3], $0x80, v4, vm0, $0xb8;
	[tilespmem:$0x18500] =	vst v63  }
0x381: {  	_ = 	snop  }
0x382: {  	[tilespmem:s6], [sflag:$0x1] =	stream.indirect_vreg.gather [hbm4b:s4+s3], $0x80, v3, vm0, $0xb8;
	[tilespmem:$0x18500] =	vst v63  }
0x383: {  	v3 =	vld [tilespmem:$0x490];
	_ =	sdelay $0x4  }
0x384: {  	v57 =	vshll.u32 v3, $0x1  }
0x385: {  	v3 =	vand.u32 $0x7, v3;
	v4 =	vand.u32 $0xFFFFFFF0, v57  }
0x386: {  	v3 =	vor.u32 v3, v4  }
0x387: {  	v4 =	vperm.xlane v3, v0;
	_ =	sdelay $0x1  }
0x388: {  	v3 =	vperm.xlane v3, v2;
	v4 =	vadd.s32 v1, v4;
	_ =	sdelay $0x1  }
0x389: {  	v3 =	vadd.s32 v1, v3;
	_ =	sdelay $0x2  }
0x38a: {  	[tilespmem:s20], [sflag:$0x1] =	stream.indirect_vreg.gather [hbm4b:s4+s3], $0x80, v4, vm0, $0xb8;
	[tilespmem:$0x18500] =	vst v63  }
0x38b: {  	_ = 	snop  }
0x38c: {  	[tilespmem:s21], [sflag:$0x1] =	stream.indirect_vreg.gather [hbm4b:s4+s3], $0x80, v3, vm0, $0xb8;
	[tilespmem:$0x18500] =	vst v63  }
0x38d: {  	v3 =	vld [tilespmem:$0x4A0];
	_ =	sdelay $0x4  }
0x38e: {  	v58 =	vshll.u32 v3, $0x1  }
0x38f: {  	v3 =	vand.u32 $0x7, v3;
	v4 =	vand.u32 $0xFFFFFFF0, v58  }
0x390: {  	v3 =	vor.u32 v3, v4  }
0x391: {  	v4 =	vperm.xlane v3, v0;
	_ =	sdelay $0x1  }
0x392: {  	v3 =	vperm.xlane v3, v2;
	v4 =	vadd.s32 v1, v4;
	_ =	sdelay $0x1  }
0x393: {  	v3 =	vadd.s32 v1, v3;
	_ =	sdelay $0x2  }
0x394: {  	[tilespmem:s22], [sflag:$0x1] =	stream.indirect_vreg.gather [hbm4b:s4+s3], $0x80, v4, vm0, $0xb8;
	[tilespmem:$0x18500] =	vst v63  }
0x395: {  	_ = 	snop  }
0x396: {  	[tilespmem:s25], [sflag:$0x1] =	stream.indirect_vreg.gather [hbm4b:s4+s3], $0x80, v3, vm0, $0xb8;
	[tilespmem:$0x18500] =	vst v63  }
0x397: {  	v3 =	vld [tilespmem:$0x4B0];
	_ =	sdelay $0x4  }
0x398: {  	v59 =	vshll.u32 v3, $0x1  }
0x399: {  	v3 =	vand.u32 $0x7, v3;
	v4 =	vand.u32 $0xFFFFFFF0, v59  }
0x39a: {  	v3 =	vor.u32 v3, v4  }
0x39b: {  	v4 =	vperm.xlane v3, v0;
	_ =	sdelay $0x1  }
0x39c: {  	v3 =	vperm.xlane v3, v2;
	v4 =	vadd.s32 v1, v4;
	_ =	sdelay $0x1  }
0x39d: {  	v3 =	vadd.s32 v1, v3;
	_ =	sdelay $0x2  }
0x39e: {  	[tilespmem:s26], [sflag:$0x1] =	stream.indirect_vreg.gather [hbm4b:s4+s3], $0x80, v4, vm0, $0xb8;
	[tilespmem:$0x18500] =	vst v63  }
0x39f: {  	_ = 	snop  }
0x3a0: {  	[tilespmem:s28], [sflag:$0x1] =	stream.indirect_vreg.gather [hbm4b:s4+s3], $0x80, v3, vm0, $0xb8;
	[tilespmem:$0x18500] =	vst v63  }
0x3a1: {  	v3 =	vld [tilespmem:$0x4C0];
	_ =	sdelay $0x4  }
0x3a2: {  	v60 =	vshll.u32 v3, $0x1  }
0x3a3: {  	v3 =	vand.u32 $0x7, v3;
	v4 =	vand.u32 $0xFFFFFFF0, v60  }
0x3a4: {  	v3 =	vor.u32 v3, v4  }
0x3a5: {  	v4 =	vperm.xlane v3, v0;
	_ =	sdelay $0x1  }
0x3a6: {  	v3 =	vperm.xlane v3, v2;
	v4 =	vadd.s32 v1, v4;
	_ =	sdelay $0x1  }
0x3a7: {  	v3 =	vadd.s32 v1, v3;
	_ =	sdelay $0x2  }
0x3a8: {  	[tilespmem:s29], [sflag:$0x1] =	stream.indirect_vreg.gather [hbm4b:s4+s3], $0x80, v4, vm0, $0xb8;
	[tilespmem:$0x18500] =	vst v63  }
0x3a9: {  	_ = 	snop  }
0x3aa: {  	[tilespmem:s30], [sflag:$0x1] =	stream.indirect_vreg.gather [hbm4b:s4+s3], $0x80, v3, vm0, $0xb8;
	[tilespmem:$0x18500] =	vst v63  }
0x3ab: {  	v3 =	vld [tilespmem:$0x4D0];
	_ =	sdelay $0x4  }
0x3ac: {  	v61 =	vshll.u32 v3, $0x1  }
0x3ad: {  	v3 =	vand.u32 $0x7, v3;
	v4 =	vand.u32 $0xFFFFFFF0, v61  }
0x3ae: {  	v3 =	vor.u32 v3, v4  }
0x3af: {  	v4 =	vperm.xlane v3, v0;
	_ =	sdelay $0x1  }
0x3b0: {  	v3 =	vperm.xlane v3, v2;
	v4 =	vadd.s32 v1, v4;
	_ =	sdelay $0x1  }
0x3b1: {  	v3 =	vadd.s32 v1, v3;
	_ =	sdelay $0x2  }
0x3b2: {  	[tilespmem:s31], [sflag:$0x1] =	stream.indirect_vreg.gather [hbm4b:s4+s3], $0x80, v4, vm0, $0xb8;
	[tilespmem:$0x18500] =	vst v63  }
0x3b3: {  	_ = 	snop  }
0x3b4: {  	[tilespmem:s1], [sflag:$0x1] =	stream.indirect_vreg.gather [hbm4b:s4+s3], $0x80, v3, vm0, $0xb8;
	[tilespmem:$0x18500] =	vst v63  }
0x3b5: {  	v3 =	vld [tilespmem:$0x4E0];
	_ =	sdelay $0x4  }
0x3b6: {  	v62 =	vshll.u32 v3, $0x1  }
0x3b7: {  	v3 =	vand.u32 $0x7, v3;
	v4 =	vand.u32 $0xFFFFFFF0, v62  }
0x3b8: {  	v3 =	vor.u32 v3, v4  }
0x3b9: {  	v4 =	vperm.xlane v3, v0;
	_ =	sdelay $0x1  }
0x3ba: {  	v3 =	vperm.xlane v3, v2;
	v4 =	vadd.s32 v1, v4;
	_ =	sdelay $0x1  }
0x3bb: {  	v3 =	vadd.s32 v1, v3;
	_ =	sdelay $0x2  }
0x3bc: {  	[tilespmem:s0], [sflag:$0x1] =	stream.indirect_vreg.gather [hbm4b:s4+s3], $0x80, v4, vm0, $0xb8;
	[tilespmem:$0x18500] =	vst v63  }
0x3bd: {  	_ = 	snop  }
0x3be: {  	[tilespmem:s8], [sflag:$0x1] =	stream.indirect_vreg.gather [hbm4b:s4+s3], $0x80, v3, vm0, $0xb8;
	[tilespmem:$0x18500] =	vst v63  }
0x3bf: {  	v3 =	vld [tilespmem:$0x4F0];
	_ =	sdelay $0x4  }
0x3c0: {  	v63 =	vshll.u32 v3, $0x1  }
0x3c1: {  	v3 =	vand.u32 $0x7, v3;
	v4 =	vand.u32 $0xFFFFFFF0, v63  }
0x3c2: {  	v3 =	vor.u32 v3, v4  }
0x3c3: {  	v4 =	vperm.xlane v3, v0;
	_ =	sdelay $0x1  }
0x3c4: {  	v3 =	vperm.xlane v3, v2;
	v4 =	vadd.s32 v1, v4;
	_ =	sdelay $0x1  }
0x3c5: {  	v3 =	vadd.s32 v1, v3;
	_ =	sdelay $0x1  }
0x3c6: {  	s2 =	simm.s32 $0x7500  }
0x3c7: {  	[tilespmem:s2], [sflag:$0x1] =	stream.indirect_vreg.gather [hbm4b:s4+s3], $0x80, v4, vm0, $0xb8;
	[tilespmem:$0x18500] =	vst v63  }
0x3c8: {  	s13 =	simm.s32 $0x7D00;
	s14 =	simm.s32 $0x2  }
0x3c9: {  	[tilespmem:s13], [sflag:$0x1] =	stream.indirect_vreg.gather [hbm4b:s4+s3], $0x80, v3, vm0, $0xb8;
	[tilespmem:$0x18500] =	vst v63  }
0x3ca: {  	_ =	swait.ge [sflag:s14], $0x8000  }
0x3cb: {  	[sflag:s14] =	ssyncset.done $0x0  }
0x3cc: {  	s5 =	rddreg [dreg:$0xb];
	[sflag:s14] =	ssyncadd.s32 $0xFFFF8000  }
0x3cd: {  	[hbm4b:s5+s3] =	stream.linear.scatter [tilespmem:s12], [sflag:$0x4], $0x8000, $0x38;
	[tilespmem:$0x18500] =	vst v63  }
0x3ce: {  	_ =	swait.ge [sflag:s11], $0x8000  }
0x3cf: {  	[sflag:s11] =	ssyncset.done $0x0  }
0x3d0: {  	s15 =	simm.s32 $0x3;
	[sflag:s11] =	ssyncadd.s32 $0xFFFF8000  }
0x3d1: {  	_ =	swait.ge [sflag:s15], $0x8000  }
0x3d2: {  	[sflag:s15] =	ssyncset.done $0x0  }
0x3d3: {  	[sflag:s15] =	ssyncadd.s32 $0xFFFF8000  }
0x3d4: {  	s16 =	sshll.u32 s7, $0x5;
	s13 =	rddreg [dreg:$0x1]  }
.Ltmp7:
0x3d5: {  	s5 =	sadd.s32 s13, s16;
	(pc) =	sbr.rel .LBB2_10-.Ltmp7, $4  }
0x3d6: {  	[hbm4b:s5+s3] =	stream.linear.scatter [tilespmem:s18], [sflag:$0x4], $0x8000, $0x38;
	[tilespmem:$0x18500] =	vst v63  }
0x3d7: {  	_ =	swait.ge [sflag:s11], $0x8000  }
0x3d8: {  	[sflag:s11] =	ssyncset.done $0x0  }
0x3d9: {  	[sflag:s11] =	ssyncadd.s32 $0xFFFF8000  }
.LBB2_11:
0x3da: {  	_ =	sfence.sel $0x180000  }
0x3db: {  	[bflag:$0x0] =	sbarrier.arrive $0xFFFF  }
0x3dc: {  	_ =	strace $0x90000047  }
0x3dd: {  	s0 =	stileid.u32;
	[bflag:$0x2] =	sbarrier.arrive $0xFFFF  }
0x3de: {  	p0 =	sne.s32 s0, $0x0;
	s0 =	rddreg [dreg:$0x2]  }
0x3df: {  	s0 =	sadd.s32 @!p0 $0x100000, s0  }
0x3e0: {  	[sflag:s0] =	ssyncadd.tile.s32 @!p0 $0x1;
	_ =	shalt  }
.Lfunc_end2:
_tile_overlayer_lowered:
.L_overlay_start_2:
0x3e1: {  	(tag) =	ssettag $0x2  }
0x3e2: {  	s0 =	rddreg [dreg:$0x0];
	s2 =	stileid.u32  }
0x3e3: {  	s1 =	rddreg [dreg:$0x1];
	p0 =	sne.s32 s2, $0x0  }
0x3e4: {  	s3 =	rddreg [dreg:$0x2];
	[bflag:$0x3] =	sbarrier.arrive $0xFFFF;
	s2 =	simm.s32 @!p0 $0x1C05  }
0x3e5: {  	[timem:s3], [sflag:s2] =	dma.local @!p0 [hbm:s0], s1  }
0x3e6: {  	s0 =	simm.s32 @!p0 $0x5  }
0x3e7: {  	_ =	swait.ge @!p0 [sflag:s0], s1  }
0x3e8: {  	s1 =	ssub.s32 @!p0 $0x0, s1;
	[sflag:s0] =	ssyncset.done @!p0 $0x0  }
0x3e9: {  	[sflag:s0] =	ssyncadd.s32 @!p0 s1  }
0x3ea: {  	[bflag:$0x3] =	sbarrier.arrive $0xFFFF  }
0x3eb: {  	_ =	shalt  }

</sc_bundles>
